<compile_context>
chip_gen: v7x
topology: tpu7x:2x2x1
jax: 0.10.2.dev20260603
libtpu: 0.0.44.dev20260713+nightly
codegen_flags: <defaults>
</compile_context>

<pallas_src>
import functools

import jax
import jax.numpy as jnp
from jax import lax
from jax.experimental import pallas as pl
from jax.experimental.pallas import tpu as pltpu, tpu_sc as plsc

B = 8
N = 20000
C = 80
K = 2000
PAD_ROWS = 8
NP_ = N + PAD_ROWS

SCORE_THRESHOLD = 0.05
KEY_BASE = 0x3D4CCCCD
DIGIT_BITS = 13
DIGIT_MASK = (1 << DIGIT_BITS) - 1
NUM_BINS = 1 << DIGIT_BITS

BN = 2000
CH = 2048
NCHUNK = N // BN
N2 = NCHUNK * CH


def _tc_body(cls_ref, box_ref, nk_ref, pay_ref, bt_ref):
    j = pl.program_id(0)
    bi = j * CH + lax.broadcasted_iota(jnp.int32, (1, BN), 1)
    rows_nk = []
    rows_pay = []
    for bb in range(B):
        x = cls_ref[bb]
        xt = x.T
        m = jnp.max(xt, axis=0, keepdims=True)
        key = lax.bitcast_convert_type(m, jnp.int32)
        valid = m > jnp.float32(SCORE_THRESHOLD)
        nk = jnp.where(valid, key - KEY_BASE, 0)
        ir = lax.broadcasted_iota(jnp.int32, (C, BN), 0)
        lbl = jnp.min(
            jnp.where(xt == m, ir, jnp.int32(C * 2)), axis=0, keepdims=True
        )
        rows_nk.append(nk)
        rows_pay.append((bi << 7) | lbl)
        bt = box_ref[bb].T
        bt8 = jnp.concatenate(
            [bt, jnp.zeros((8 - 6, BN), jnp.float32)], 0)
        bt_ref[0, bb] = jnp.concatenate(
            [bt8, jnp.zeros((8, CH - BN), jnp.float32)], 1)
    zpad = jnp.zeros((B, CH - BN), jnp.int32)
    nk_ref[0] = jnp.concatenate([jnp.concatenate(rows_nk, 0), zpad], 1)
    pay_ref[0] = jnp.concatenate([jnp.concatenate(rows_pay, 0), zpad], 1)


def _tc_stage(classification, boxes):
    grid = (N // BN,)
    return pl.pallas_call(
        _tc_body,
        grid=grid,
        in_specs=[
            pl.BlockSpec((B, BN, C), lambda j: (0, j, 0)),
            pl.BlockSpec((B, BN, 6), lambda j: (0, j, 0)),
        ],
        out_specs=[
            pl.BlockSpec((1, B, CH), lambda j: (j, 0, 0)),
            pl.BlockSpec((1, B, CH), lambda j: (j, 0, 0)),
            pl.BlockSpec((1, B, 8, CH), lambda j: (j, 0, 0, 0)),
        ],
        out_shape=[
            jax.ShapeDtypeStruct((N // BN, B, CH), jnp.int32),
            jax.ShapeDtypeStruct((N // BN, B, CH), jnp.int32),
            jax.ShapeDtypeStruct((N // BN, B, 8, CH), jnp.float32),
        ],
    )(classification, boxes)


LO_BITS = 9
LO_MASK = (1 << LO_BITS) - 1
LO_BINS = 1 << LO_BITS


def _counting_pass(src_nk, src_pay, dst_nk, dst_pay, hist, shift, badj, nvec):

    def zero_body(i, _):
        hist[pl.ds(i * 16, 16)] = jnp.zeros((16,), jnp.int32)
        return 0

    lax.fori_loop(0, LO_BINS // 16, zero_body, 0)

    def hist_body(i, _):
        v = src_nk[pl.ds(i * 16, 16)]
        d = LO_MASK - ((v >> shift) & LO_MASK)
        cnt, last = plsc.scan_count(d)
        total = cnt - badj + 1
        plsc.addupdate_scatter(hist, [d], total, mask=last)
        return 0

    lax.fori_loop(0, nvec, hist_body, 0)

    def scan_body(i, carry):
        v = hist[pl.ds(i * 16, 16)]
        cs = plsc.cumsum(v)
        hist[pl.ds(i * 16, 16)] = cs - v + carry
        return carry + jnp.max(cs)

    lax.fori_loop(0, LO_BINS // 16, scan_body, jnp.int32(0))

    def perm_body(i, _):
        v = src_nk[pl.ds(i * 16, 16)]
        p = src_pay[pl.ds(i * 16, 16)]
        d = LO_MASK - ((v >> shift) & LO_MASK)
        cnt, last = plsc.scan_count(d)
        rank = cnt - badj
        cur = plsc.load_gather(hist, [d])
        off = cur + rank
        plsc.store_scatter(dst_nk, [off], v)
        plsc.store_scatter(dst_pay, [off], p)
        plsc.store_scatter(hist, [d], off + 1, mask=last)
        return 0

    lax.fori_loop(0, nvec, perm_body, 0)


def _sc_body(
    nk_hbm, pay_hbm, boxes_hbm,
    boxes_out, scores_out, labels_out,
    nk_a, pay_a, cand_nk, cand_pay, hist, gidx, sco_v, lbl_v, box_v, sem,
):
    c = lax.axis_index("c")
    s = lax.axis_index("s")
    wid = s * 2 + c

    @pl.when(wid < B)
    def _():
        b = wid
        cps = []
        for j in range(NCHUNK):
            cps.append(pltpu.async_copy(
                nk_hbm.at[j, b], nk_a.at[pl.ds(j * CH, CH)], sem))
            cps.append(pltpu.async_copy(
                pay_hbm.at[j, b], pay_a.at[pl.ds(j * CH, CH)], sem))
        cnt0, _ = plsc.scan_count(jnp.zeros((16,), jnp.int32))
        badj = jnp.min(cnt0)

        def zero_body(i, _):
            hist[pl.ds(i * 16, 16)] = jnp.zeros((16,), jnp.int32)
            return 0

        lax.fori_loop(0, NUM_BINS // 16, zero_body, 0)
        for cp in cps:
            cp.wait()

        def hist_body(i, _):
            for u in range(2):
                v = nk_a[pl.ds(i * 32 + u * 16, 16)]
                d = DIGIT_MASK - ((v >> DIGIT_BITS) & DIGIT_MASK)
                cnt, last = plsc.scan_count(d)
                plsc.addupdate_scatter(hist, [d], cnt - badj + 1, mask=last)
            return 0

        lax.fori_loop(0, N2 // 32, hist_body, 0)

        def cut_body(i, carry):
            cut, run = carry
            v = hist[pl.ds(i * 16, 16)]
            cs = plsc.cumsum(v) + run
            pc = jnp.max(plsc.all_reduce_population_count(cs >= K))
            cutl = i * 16 + (16 - pc)
            cut = jnp.minimum(
                cut, jnp.where(pc > 0, cutl, jnp.int32(NUM_BINS)))
            return cut, jnp.max(cs)

        cut, _ = lax.fori_loop(
            0, NUM_BINS // 16, cut_body,
            (jnp.int32(NUM_BINS), jnp.int32(0)))

        def compact_body(i, off):
            for u in range(2):
                v = nk_a[pl.ds(i * 32 + u * 16, 16)]
                p = pay_a[pl.ds(i * 32 + u * 16, 16)]
                d = DIGIT_MASK - ((v >> DIGIT_BITS) & DIGIT_MASK)
                m = d <= cut
                plsc.store_compressed(cand_nk.at[pl.ds(off, 16)], v, mask=m)
                plsc.store_compressed(cand_pay.at[pl.ds(off, 16)], p, mask=m)
                off = off + jnp.max(plsc.all_reduce_population_count(m))
            return off

        mc = lax.fori_loop(0, N2 // 32, compact_body, jnp.int32(0))
        cand_nk[pl.ds(mc, 16)] = jnp.zeros((16,), jnp.int32)
        cand_pay[pl.ds(mc, 16)] = jnp.zeros((16,), jnp.int32)
        nvec = (mc + 15) >> 4

        _counting_pass(cand_nk, cand_pay, nk_a, pay_a, hist, 0, badj, nvec)
        _counting_pass(nk_a, pay_a, cand_nk, cand_pay, hist, LO_BITS, badj,
                       nvec)
        _counting_pass(cand_nk, cand_pay, nk_a, pay_a, hist, 2 * LO_BITS,
                       badj, nvec)

        def out_body(i, nv):
            v = nk_a[pl.ds(i * 16, 16)]
            p = pay_a[pl.ds(i * 16, 16)]
            valid = v > 0
            sco_v[pl.ds(i * 16, 16)] = jnp.where(
                valid, plsc.bitcast(v + KEY_BASE, jnp.float32),
                jnp.float32(-1.0))
            lbl_v[pl.ds(i * 16, 16)] = jnp.where(valid, p & 127, -1)
            g2 = jnp.where(valid, p >> 7, 0)
            base = ((g2 >> 11) << 17) + (b << 14) + (g2 & 2047)
            k6 = (i * 16 + lax.iota(jnp.int32, 16)) * 6
            for cc in range(6):
                plsc.store_scatter(gidx, [k6 + cc], base + (cc << 11))
            return nv + jnp.max(plsc.all_reduce_population_count(valid))

        nvalid = lax.fori_loop(0, K // 16, out_body, jnp.int32(0))

        pltpu.sync_copy(sco_v, scores_out.at[b])
        pltpu.sync_copy(lbl_v, labels_out.at[b])

        pltpu.async_copy(boxes_hbm.at[gidx], box_v, sem).wait()

        s6 = nvalid * 6

        def fix_body(i, _):
            base = i * 16
            msk = (base + lax.iota(jnp.int32, 16)) >= s6
            v = box_v[pl.ds(base, 16)]
            box_v[pl.ds(base, 16)] = jnp.where(msk, jnp.float32(-1.0), v)
            return 0

        lax.fori_loop(s6 >> 4, (K * 6) // 16, fix_body, 0)

        pltpu.sync_copy(box_v, boxes_out.at[b])


def _sc_stage(nk, pay, boxes_pad):
    mesh = plsc.VectorSubcoreMesh(core_axis_name="c", subcore_axis_name="s")
    kern = pl.kernel(
        _sc_body,
        out_type=(
            jax.ShapeDtypeStruct((B, K * 6), jnp.float32),
            jax.ShapeDtypeStruct((B, K), jnp.float32),
            jax.ShapeDtypeStruct((B, K), jnp.int32),
        ),
        mesh=mesh,
        compiler_params=pltpu.CompilerParams(
            needs_layout_passes=False, use_tc_tiling_on_sc=False),
        scratch_types=[
            pltpu.VMEM((N2,), jnp.int32),
            pltpu.VMEM((N2,), jnp.int32),
            pltpu.VMEM((N2 + 16,), jnp.int32),
            pltpu.VMEM((N2 + 16,), jnp.int32),
            pltpu.VMEM((NUM_BINS,), jnp.int32),
            pltpu.VMEM((K * 6,), jnp.int32),
            pltpu.VMEM((K,), jnp.float32),
            pltpu.VMEM((K,), jnp.int32),
            pltpu.VMEM((K * 6,), jnp.float32),
            pltpu.SemaphoreType.DMA,
        ],
    )
    return kern(nk, pay, boxes_pad)


def kernel(boxes, classification):
    nk3, pay3, bt = _tc_stage(classification, boxes)
    boxes_flat, scores_out, labels_out = _sc_stage(
        nk3, pay3, bt.reshape(NCHUNK * B * 8 * CH))
    return boxes_flat.reshape(B, K, 6), scores_out, labels_out

# --- scband reference (transcript-rebuilt; emitter-appended) ---
"""Pipeline reference for scband-filter-detection-69724499083414 (READ-ONLY COPY).

The authoritative reference and input builder live on the scoring server;
editing this copy changes nothing except your own understanding.
"""

import jax, jax.numpy as jnp
import numpy as np

SCORE_THRESHOLD = 0.05
MAX_DETECTIONS = 2000

def setup_inputs(seed: int = 0) -> dict:
    key = jax.random.key(seed)
    k1, k2 = jax.random.split(key)
    boxes = jax.random.uniform(k1, (8, 20000, 6), dtype=jnp.float32)
    classification = jax.random.uniform(k2, (8, 20000, 80), dtype=jnp.float32)
    return {"boxes": boxes, "classification": classification}

def reference(boxes, classification):
    # scores = max over classes, labels = argmax over classes (per box)
    scores_all = jnp.max(classification, axis=2)          # [B, N]
    labels_all = jnp.argmax(classification, axis=2)       # [B, N]
    # Emulate tf.where(scores > thresh) + top_k(min(max_det, n_valid)) + pad(-1):
    # mask out below-threshold scores so they never win top_k, then overwrite
    # any selected-but-invalid slots with the pad value -1 (matches tf.pad constant_values=-1).
    valid = scores_all > SCORE_THRESHOLD                  # [B, N]
    masked_scores = jnp.where(valid, scores_all, -jnp.inf)
    top_scores, top_idx = jax.lax.top_k(masked_scores, MAX_DETECTIONS)  # [B, K]
    top_boxes = jnp.take_along_axis(boxes, top_idx[..., None], axis=1)  # [B, K, 6]
    top_labels = jnp.take_along_axis(labels_all, top_idx, axis=1)       # [B, K]
    sel_valid = top_scores > SCORE_THRESHOLD
    boxes_out = jnp.where(sel_valid[..., None], top_boxes, jnp.float32(-1.0))
    scores_out = jnp.where(sel_valid, top_scores, jnp.float32(-1.0))
    labels_out = jnp.where(sel_valid, top_labels, -1).astype(jnp.int32)
    return boxes_out, scores_out, labels_out

if __name__ == "__main__":
    import jax
    _d = setup_inputs()
    print(jax.jit(kernel)(*tuple(_d.values())))

</pallas_src>

<mosaic_0001>
#map = affine_map<(d0, d1) -> (0, 0, 0)>
#map1 = affine_map<(d0, d1) -> (0)>
#map2 = affine_map<(d0, d1) -> (0, 0)>
module attributes {stable_mosaic.version = 14 : i64} {
  func.func @_sc_body(%arg0: i32, %arg1: i32, %arg2: memref<10x8x2048xi32, #tpu.memory_space<hbm>>, %arg3: memref<10x8x2048xi32, #tpu.memory_space<hbm>>, %arg4: memref<1310720xf32, #tpu.memory_space<hbm>>, %arg5: memref<8x12000xf32, #tpu.memory_space<hbm>>, %arg6: memref<8x2000xf32, #tpu.memory_space<hbm>>, %arg7: memref<8x2000xi32, #tpu.memory_space<hbm>>, %arg8: memref<20480xi32, #tpu.memory_space<vmem>>, %arg9: memref<20480xi32, #tpu.memory_space<vmem>>, %arg10: memref<20496xi32, #tpu.memory_space<vmem>>, %arg11: memref<20496xi32, #tpu.memory_space<vmem>>, %arg12: memref<8192xi32, #tpu.memory_space<vmem>>, %arg13: memref<12000xi32, #tpu.memory_space<vmem>>, %arg14: memref<2000xf32, #tpu.memory_space<vmem>>, %arg15: memref<2000xi32, #tpu.memory_space<vmem>>, %arg16: memref<12000xf32, #tpu.memory_space<vmem>>, %arg17: memref<!tpu.dma_semaphore, #tpu.memory_space<semaphore_mem>>) attributes {dimension_semantics = [#tpu.dimension_semantics<core_parallel>, #tpu.dimension_semantics<subcore_parallel>], iteration_bounds = array<i64: 2, 16>, scalar_prefetch = 0 : i64, scratch_operands = 10 : i64, tpu.core_type = #tpu.core_type<sc_vector_subcore>, window_params = [{transform_indices = #map}, {transform_indices = #map}, {transform_indices = #map1}, {transform_indices = #map2}, {transform_indices = #map2}, {transform_indices = #map2}]} {
    %mul3A = arith.constant 2 : i32
    %mul3A_0 = arith.muli %arg1, %mul3A : i32
    %add3A = arith.addi %mul3A_0, %arg0 : i32
    %lt3A = arith.constant 8 : i32
    %lt3A_1 = arith.cmpi slt, %add3A, %lt3A : i32
    %convert_element_type3A = arith.extui %lt3A_1 : i1 to i32
    %cond3A = arith.constant 0 : i32
    %cond3A_2 = arith.cmpi ne, %convert_element_type3A, %cond3A : i32
    scf.if %cond3A_2 {
      %dma_start3A = arith.constant 0 : i32
      %dma_start3A_3 = arith.constant 0 : i32
      %dma_start3A_4 = tpu.memref_slice %arg8[%dma_start3A_3] : memref<20480xi32, #tpu.memory_space<vmem>> -> memref<2048xi32, #tpu.memory_space<vmem>>
      %dma_start3A_5 = arith.constant 0 : i32
      %dma_start3A_6 = tpu.memref_slice %arg2[%dma_start3A, %add3A, %dma_start3A_5] : memref<10x8x2048xi32, #tpu.memory_space<hbm>> -> memref<1x1x2048xi32, #tpu.memory_space<hbm>>
      %dma_start3A_7 = tpu.memref_squeeze %dma_start3A_6 : memref<1x1x2048xi32, #tpu.memory_space<hbm>> -> memref<2048xi32, #tpu.memory_space<hbm>>
      %dma_start3A_8 = arith.constant 0 : i32
      %dma_start3A_9 = tpu.memref_slice %arg8[%dma_start3A_8] : memref<20480xi32, #tpu.memory_space<vmem>> -> memref<2048xi32, #tpu.memory_space<vmem>>
      %dma_start3A_10 = arith.constant 0 : i32
      %dma_start3A_11 = tpu.memref_slice %arg2[%dma_start3A, %add3A, %dma_start3A_10] : memref<10x8x2048xi32, #tpu.memory_space<hbm>> -> memref<1x1x2048xi32, #tpu.memory_space<hbm>>
      %dma_start3A_12 = tpu.memref_squeeze %dma_start3A_11 : memref<1x1x2048xi32, #tpu.memory_space<hbm>> -> memref<2048xi32, #tpu.memory_space<hbm>>
      tpu.enqueue_dma source(%dma_start3A_12 : memref<2048xi32, #tpu.memory_space<hbm>>) target(%dma_start3A_9 : memref<2048xi32, #tpu.memory_space<vmem>>) target_semaphore(%arg17 : memref<!tpu.dma_semaphore, #tpu.memory_space<semaphore_mem>>)
      %dma_start3A_13 = arith.constant 0 : i32
      %dma_start3A_14 = arith.constant 0 : i32
      %dma_start3A_15 = tpu.memref_slice %arg9[%dma_start3A_14] : memref<20480xi32, #tpu.memory_space<vmem>> -> memref<2048xi32, #tpu.memory_space<vmem>>
      %dma_start3A_16 = arith.constant 0 : i32
      %dma_start3A_17 = tpu.memref_slice %arg3[%dma_start3A_13, %add3A, %dma_start3A_16] : memref<10x8x2048xi32, #tpu.memory_space<hbm>> -> memref<1x1x2048xi32, #tpu.memory_space<hbm>>
      %dma_start3A_18 = tpu.memref_squeeze %dma_start3A_17 : memref<1x1x2048xi32, #tpu.memory_space<hbm>> -> memref<2048xi32, #tpu.memory_space<hbm>>
      %dma_start3A_19 = arith.constant 0 : i32
      %dma_start3A_20 = tpu.memref_slice %arg9[%dma_start3A_19] : memref<20480xi32, #tpu.memory_space<vmem>> -> memref<2048xi32, #tpu.memory_space<vmem>>
      %dma_start3A_21 = arith.constant 0 : i32
      %dma_start3A_22 = tpu.memref_slice %arg3[%dma_start3A_13, %add3A, %dma_start3A_21] : memref<10x8x2048xi32, #tpu.memory_space<hbm>> -> memref<1x1x2048xi32, #tpu.memory_space<hbm>>
      %dma_start3A_23 = tpu.memref_squeeze %dma_start3A_22 : memref<1x1x2048xi32, #tpu.memory_space<hbm>> -> memref<2048xi32, #tpu.memory_space<hbm>>
      tpu.enqueue_dma source(%dma_start3A_23 : memref<2048xi32, #tpu.memory_space<hbm>>) target(%dma_start3A_20 : memref<2048xi32, #tpu.memory_space<vmem>>) target_semaphore(%arg17 : memref<!tpu.dma_semaphore, #tpu.memory_space<semaphore_mem>>)
      %dma_start3A_24 = arith.constant 1 : i32
      %dma_start3A_25 = arith.constant 2048 : i32
      %dma_start3A_26 = tpu.memref_slice %arg8[%dma_start3A_25] : memref<20480xi32, #tpu.memory_space<vmem>> -> memref<2048xi32, #tpu.memory_space<vmem>>
      %dma_start3A_27 = arith.constant 0 : i32
      %dma_start3A_28 = tpu.memref_slice %arg2[%dma_start3A_24, %add3A, %dma_start3A_27] : memref<10x8x2048xi32, #tpu.memory_space<hbm>> -> memref<1x1x2048xi32, #tpu.memory_space<hbm>>
      %dma_start3A_29 = tpu.memref_squeeze %dma_start3A_28 : memref<1x1x2048xi32, #tpu.memory_space<hbm>> -> memref<2048xi32, #tpu.memory_space<hbm>>
      %dma_start3A_30 = arith.constant 2048 : i32
      %dma_start3A_31 = tpu.memref_slice %arg8[%dma_start3A_30] : memref<20480xi32, #tpu.memory_space<vmem>> -> memref<2048xi32, #tpu.memory_space<vmem>>
      %dma_start3A_32 = arith.constant 0 : i32
      %dma_start3A_33 = tpu.memref_slice %arg2[%dma_start3A_24, %add3A, %dma_start3A_32] : memref<10x8x2048xi32, #tpu.memory_space<hbm>> -> memref<1x1x2048xi32, #tpu.memory_space<hbm>>
      %dma_start3A_34 = tpu.memref_squeeze %dma_start3A_33 : memref<1x1x2048xi32, #tpu.memory_space<hbm>> -> memref<2048xi32, #tpu.memory_space<hbm>>
      tpu.enqueue_dma source(%dma_start3A_34 : memref<2048xi32, #tpu.memory_space<hbm>>) target(%dma_start3A_31 : memref<2048xi32, #tpu.memory_space<vmem>>) target_semaphore(%arg17 : memref<!tpu.dma_semaphore, #tpu.memory_space<semaphore_mem>>)
      %dma_start3A_35 = arith.constant 1 : i32
      %dma_start3A_36 = arith.constant 2048 : i32
      %dma_start3A_37 = tpu.memref_slice %arg9[%dma_start3A_36] : memref<20480xi32, #tpu.memory_space<vmem>> -> memref<2048xi32, #tpu.memory_space<vmem>>
      %dma_start3A_38 = arith.constant 0 : i32
      %dma_start3A_39 = tpu.memref_slice %arg3[%dma_start3A_35, %add3A, %dma_start3A_38] : memref<10x8x2048xi32, #tpu.memory_space<hbm>> -> memref<1x1x2048xi32, #tpu.memory_space<hbm>>
      %dma_start3A_40 = tpu.memref_squeeze %dma_start3A_39 : memref<1x1x2048xi32, #tpu.memory_space<hbm>> -> memref<2048xi32, #tpu.memory_space<hbm>>
      %dma_start3A_41 = arith.constant 2048 : i32
      %dma_start3A_42 = tpu.memref_slice %arg9[%dma_start3A_41] : memref<20480xi32, #tpu.memory_space<vmem>> -> memref<2048xi32, #tpu.memory_space<vmem>>
      %dma_start3A_43 = arith.constant 0 : i32
      %dma_start3A_44 = tpu.memref_slice %arg3[%dma_start3A_35, %add3A, %dma_start3A_43] : memref<10x8x2048xi32, #tpu.memory_space<hbm>> -> memref<1x1x2048xi32, #tpu.memory_space<hbm>>
      %dma_start3A_45 = tpu.memref_squeeze %dma_start3A_44 : memref<1x1x2048xi32, #tpu.memory_space<hbm>> -> memref<2048xi32, #tpu.memory_space<hbm>>
      tpu.enqueue_dma source(%dma_start3A_45 : memref<2048xi32, #tpu.memory_space<hbm>>) target(%dma_start3A_42 : memref<2048xi32, #tpu.memory_space<vmem>>) target_semaphore(%arg17 : memref<!tpu.dma_semaphore, #tpu.memory_space<semaphore_mem>>)
      %dma_start3A_46 = arith.constant 2 : i32
      %dma_start3A_47 = arith.constant 4096 : i32
      %dma_start3A_48 = tpu.memref_slice %arg8[%dma_start3A_47] : memref<20480xi32, #tpu.memory_space<vmem>> -> memref<2048xi32, #tpu.memory_space<vmem>>
      %dma_start3A_49 = arith.constant 0 : i32
      %dma_start3A_50 = tpu.memref_slice %arg2[%dma_start3A_46, %add3A, %dma_start3A_49] : memref<10x8x2048xi32, #tpu.memory_space<hbm>> -> memref<1x1x2048xi32, #tpu.memory_space<hbm>>
      %dma_start3A_51 = tpu.memref_squeeze %dma_start3A_50 : memref<1x1x2048xi32, #tpu.memory_space<hbm>> -> memref<2048xi32, #tpu.memory_space<hbm>>
      %dma_start3A_52 = arith.constant 4096 : i32
      %dma_start3A_53 = tpu.memref_slice %arg8[%dma_start3A_52] : memref<20480xi32, #tpu.memory_space<vmem>> -> memref<2048xi32, #tpu.memory_space<vmem>>
      %dma_start3A_54 = arith.constant 0 : i32
      %dma_start3A_55 = tpu.memref_slice %arg2[%dma_start3A_46, %add3A, %dma_start3A_54] : memref<10x8x2048xi32, #tpu.memory_space<hbm>> -> memref<1x1x2048xi32, #tpu.memory_space<hbm>>
      %dma_start3A_56 = tpu.memref_squeeze %dma_start3A_55 : memref<1x1x2048xi32, #tpu.memory_space<hbm>> -> memref<2048xi32, #tpu.memory_space<hbm>>
      tpu.enqueue_dma source(%dma_start3A_56 : memref<2048xi32, #tpu.memory_space<hbm>>) target(%dma_start3A_53 : memref<2048xi32, #tpu.memory_space<vmem>>) target_semaphore(%arg17 : memref<!tpu.dma_semaphore, #tpu.memory_space<semaphore_mem>>)
      %dma_start3A_57 = arith.constant 2 : i32
      %dma_start3A_58 = arith.constant 4096 : i32
      %dma_start3A_59 = tpu.memref_slice %arg9[%dma_start3A_58] : memref<20480xi32, #tpu.memory_space<vmem>> -> memref<2048xi32, #tpu.memory_space<vmem>>
      %dma_start3A_60 = arith.constant 0 : i32
      %dma_start3A_61 = tpu.memref_slice %arg3[%dma_start3A_57, %add3A, %dma_start3A_60] : memref<10x8x2048xi32, #tpu.memory_space<hbm>> -> memref<1x1x2048xi32, #tpu.memory_space<hbm>>
      %dma_start3A_62 = tpu.memref_squeeze %dma_start3A_61 : memref<1x1x2048xi32, #tpu.memory_space<hbm>> -> memref<2048xi32, #tpu.memory_space<hbm>>
      %dma_start3A_63 = arith.constant 4096 : i32
      %dma_start3A_64 = tpu.memref_slice %arg9[%dma_start3A_63] : memref<20480xi32, #tpu.memory_space<vmem>> -> memref<2048xi32, #tpu.memory_space<vmem>>
      %dma_start3A_65 = arith.constant 0 : i32
      %dma_start3A_66 = tpu.memref_slice %arg3[%dma_start3A_57, %add3A, %dma_start3A_65] : memref<10x8x2048xi32, #tpu.memory_space<hbm>> -> memref<1x1x2048xi32, #tpu.memory_space<hbm>>
      %dma_start3A_67 = tpu.memref_squeeze %dma_start3A_66 : memref<1x1x2048xi32, #tpu.memory_space<hbm>> -> memref<2048xi32, #tpu.memory_space<hbm>>
      tpu.enqueue_dma source(%dma_start3A_67 : memref<2048xi32, #tpu.memory_space<hbm>>) target(%dma_start3A_64 : memref<2048xi32, #tpu.memory_space<vmem>>) target_semaphore(%arg17 : memref<!tpu.dma_semaphore, #tpu.memory_space<semaphore_mem>>)
      %dma_start3A_68 = arith.constant 3 : i32
      %dma_start3A_69 = arith.constant 6144 : i32
      %dma_start3A_70 = tpu.memref_slice %arg8[%dma_start3A_69] : memref<20480xi32, #tpu.memory_space<vmem>> -> memref<2048xi32, #tpu.memory_space<vmem>>
      %dma_start3A_71 = arith.constant 0 : i32
      %dma_start3A_72 = tpu.memref_slice %arg2[%dma_start3A_68, %add3A, %dma_start3A_71] : memref<10x8x2048xi32, #tpu.memory_space<hbm>> -> memref<1x1x2048xi32, #tpu.memory_space<hbm>>
      %dma_start3A_73 = tpu.memref_squeeze %dma_start3A_72 : memref<1x1x2048xi32, #tpu.memory_space<hbm>> -> memref<2048xi32, #tpu.memory_space<hbm>>
      %dma_start3A_74 = arith.constant 6144 : i32
      %dma_start3A_75 = tpu.memref_slice %arg8[%dma_start3A_74] : memref<20480xi32, #tpu.memory_space<vmem>> -> memref<2048xi32, #tpu.memory_space<vmem>>
      %dma_start3A_76 = arith.constant 0 : i32
      %dma_start3A_77 = tpu.memref_slice %arg2[%dma_start3A_68, %add3A, %dma_start3A_76] : memref<10x8x2048xi32, #tpu.memory_space<hbm>> -> memref<1x1x2048xi32, #tpu.memory_space<hbm>>
      %dma_start3A_78 = tpu.memref_squeeze %dma_start3A_77 : memref<1x1x2048xi32, #tpu.memory_space<hbm>> -> memref<2048xi32, #tpu.memory_space<hbm>>
      tpu.enqueue_dma source(%dma_start3A_78 : memref<2048xi32, #tpu.memory_space<hbm>>) target(%dma_start3A_75 : memref<2048xi32, #tpu.memory_space<vmem>>) target_semaphore(%arg17 : memref<!tpu.dma_semaphore, #tpu.memory_space<semaphore_mem>>)
      %dma_start3A_79 = arith.constant 3 : i32
      %dma_start3A_80 = arith.constant 6144 : i32
      %dma_start3A_81 = tpu.memref_slice %arg9[%dma_start3A_80] : memref<20480xi32, #tpu.memory_space<vmem>> -> memref<2048xi32, #tpu.memory_space<vmem>>
      %dma_start3A_82 = arith.constant 0 : i32
      %dma_start3A_83 = tpu.memref_slice %arg3[%dma_start3A_79, %add3A, %dma_start3A_82] : memref<10x8x2048xi32, #tpu.memory_space<hbm>> -> memref<1x1x2048xi32, #tpu.memory_space<hbm>>
      %dma_start3A_84 = tpu.memref_squeeze %dma_start3A_83 : memref<1x1x2048xi32, #tpu.memory_space<hbm>> -> memref<2048xi32, #tpu.memory_space<hbm>>
      %dma_start3A_85 = arith.constant 6144 : i32
      %dma_start3A_86 = tpu.memref_slice %arg9[%dma_start3A_85] : memref<20480xi32, #tpu.memory_space<vmem>> -> memref<2048xi32, #tpu.memory_space<vmem>>
      %dma_start3A_87 = arith.constant 0 : i32
      %dma_start3A_88 = tpu.memref_slice %arg3[%dma_start3A_79, %add3A, %dma_start3A_87] : memref<10x8x2048xi32, #tpu.memory_space<hbm>> -> memref<1x1x2048xi32, #tpu.memory_space<hbm>>
      %dma_start3A_89 = tpu.memref_squeeze %dma_start3A_88 : memref<1x1x2048xi32, #tpu.memory_space<hbm>> -> memref<2048xi32, #tpu.memory_space<hbm>>
      tpu.enqueue_dma source(%dma_start3A_89 : memref<2048xi32, #tpu.memory_space<hbm>>) target(%dma_start3A_86 : memref<2048xi32, #tpu.memory_space<vmem>>) target_semaphore(%arg17 : memref<!tpu.dma_semaphore, #tpu.memory_space<semaphore_mem>>)
      %dma_start3A_90 = arith.constant 4 : i32
      %dma_start3A_91 = arith.constant 8192 : i32
      %dma_start3A_92 = tpu.memref_slice %arg8[%dma_start3A_91] : memref<20480xi32, #tpu.memory_space<vmem>> -> memref<2048xi32, #tpu.memory_space<vmem>>
      %dma_start3A_93 = arith.constant 0 : i32
      %dma_start3A_94 = tpu.memref_slice %arg2[%dma_start3A_90, %add3A, %dma_start3A_93] : memref<10x8x2048xi32, #tpu.memory_space<hbm>> -> memref<1x1x2048xi32, #tpu.memory_space<hbm>>
      %dma_start3A_95 = tpu.memref_squeeze %dma_start3A_94 : memref<1x1x2048xi32, #tpu.memory_space<hbm>> -> memref<2048xi32, #tpu.memory_space<hbm>>
      %dma_start3A_96 = arith.constant 8192 : i32
      %dma_start3A_97 = tpu.memref_slice %arg8[%dma_start3A_96] : memref<20480xi32, #tpu.memory_space<vmem>> -> memref<2048xi32, #tpu.memory_space<vmem>>
      %dma_start3A_98 = arith.constant 0 : i32
      %dma_start3A_99 = tpu.memref_slice %arg2[%dma_start3A_90, %add3A, %dma_start3A_98] : memref<10x8x2048xi32, #tpu.memory_space<hbm>> -> memref<1x1x2048xi32, #tpu.memory_space<hbm>>
      %dma_start3A_100 = tpu.memref_squeeze %dma_start3A_99 : memref<1x1x2048xi32, #tpu.memory_space<hbm>> -> memref<2048xi32, #tpu.memory_space<hbm>>
      tpu.enqueue_dma source(%dma_start3A_100 : memref<2048xi32, #tpu.memory_space<hbm>>) target(%dma_start3A_97 : memref<2048xi32, #tpu.memory_space<vmem>>) target_semaphore(%arg17 : memref<!tpu.dma_semaphore, #tpu.memory_space<semaphore_mem>>)
      %dma_start3A_101 = arith.constant 4 : i32
      %dma_start3A_102 = arith.constant 8192 : i32
      %dma_start3A_103 = tpu.memref_slice %arg9[%dma_start3A_102] : memref<20480xi32, #tpu.memory_space<vmem>> -> memref<2048xi32, #tpu.memory_space<vmem>>
      %dma_start3A_104 = arith.constant 0 : i32
      %dma_start3A_105 = tpu.memref_slice %arg3[%dma_start3A_101, %add3A, %dma_start3A_104] : memref<10x8x2048xi32, #tpu.memory_space<hbm>> -> memref<1x1x2048xi32, #tpu.memory_space<hbm>>
      %dma_start3A_106 = tpu.memref_squeeze %dma_start3A_105 : memref<1x1x2048xi32, #tpu.memory_space<hbm>> -> memref<2048xi32, #tpu.memory_space<hbm>>
      %dma_start3A_107 = arith.constant 8192 : i32
      %dma_start3A_108 = tpu.memref_slice %arg9[%dma_start3A_107] : memref<20480xi32, #tpu.memory_space<vmem>> -> memref<2048xi32, #tpu.memory_space<vmem>>
      %dma_start3A_109 = arith.constant 0 : i32
      %dma_start3A_110 = tpu.memref_slice %arg3[%dma_start3A_101, %add3A, %dma_start3A_109] : memref<10x8x2048xi32, #tpu.memory_space<hbm>> -> memref<1x1x2048xi32, #tpu.memory_space<hbm>>
      %dma_start3A_111 = tpu.memref_squeeze %dma_start3A_110 : memref<1x1x2048xi32, #tpu.memory_space<hbm>> -> memref<2048xi32, #tpu.memory_space<hbm>>
      tpu.enqueue_dma source(%dma_start3A_111 : memref<2048xi32, #tpu.memory_space<hbm>>) target(%dma_start3A_108 : memref<2048xi32, #tpu.memory_space<vmem>>) target_semaphore(%arg17 : memref<!tpu.dma_semaphore, #tpu.memory_space<semaphore_mem>>)
      %dma_start3A_112 = arith.constant 5 : i32
      %dma_start3A_113 = arith.constant 10240 : i32
      %dma_start3A_114 = tpu.memref_slice %arg8[%dma_start3A_113] : memref<20480xi32, #tpu.memory_space<vmem>> -> memref<2048xi32, #tpu.memory_space<vmem>>
      %dma_start3A_115 = arith.constant 0 : i32
      %dma_start3A_116 = tpu.memref_slice %arg2[%dma_start3A_112, %add3A, %dma_start3A_115] : memref<10x8x2048xi32, #tpu.memory_space<hbm>> -> memref<1x1x2048xi32, #tpu.memory_space<hbm>>
      %dma_start3A_117 = tpu.memref_squeeze %dma_start3A_116 : memref<1x1x2048xi32, #tpu.memory_space<hbm>> -> memref<2048xi32, #tpu.memory_space<hbm>>
      %dma_start3A_118 = arith.constant 10240 : i32
      %dma_start3A_119 = tpu.memref_slice %arg8[%dma_start3A_118] : memref<20480xi32, #tpu.memory_space<vmem>> -> memref<2048xi32, #tpu.memory_space<vmem>>
      %dma_start3A_120 = arith.constant 0 : i32
      %dma_start3A_121 = tpu.memref_slice %arg2[%dma_start3A_112, %add3A, %dma_start3A_120] : memref<10x8x2048xi32, #tpu.memory_space<hbm>> -> memref<1x1x2048xi32, #tpu.memory_space<hbm>>
      %dma_start3A_122 = tpu.memref_squeeze %dma_start3A_121 : memref<1x1x2048xi32, #tpu.memory_space<hbm>> -> memref<2048xi32, #tpu.memory_space<hbm>>
      tpu.enqueue_dma source(%dma_start3A_122 : memref<2048xi32, #tpu.memory_space<hbm>>) target(%dma_start3A_119 : memref<2048xi32, #tpu.memory_space<vmem>>) target_semaphore(%arg17 : memref<!tpu.dma_semaphore, #tpu.memory_space<semaphore_mem>>)
      %dma_start3A_123 = arith.constant 5 : i32
      %dma_start3A_124 = arith.constant 10240 : i32
      %dma_start3A_125 = tpu.memref_slice %arg9[%dma_start3A_124] : memref<20480xi32, #tpu.memory_space<vmem>> -> memref<2048xi32, #tpu.memory_space<vmem>>
      %dma_start3A_126 = arith.constant 0 : i32
      %dma_start3A_127 = tpu.memref_slice %arg3[%dma_start3A_123, %add3A, %dma_start3A_126] : memref<10x8x2048xi32, #tpu.memory_space<hbm>> -> memref<1x1x2048xi32, #tpu.memory_space<hbm>>
      %dma_start3A_128 = tpu.memref_squeeze %dma_start3A_127 : memref<1x1x2048xi32, #tpu.memory_space<hbm>> -> memref<2048xi32, #tpu.memory_space<hbm>>
      %dma_start3A_129 = arith.constant 10240 : i32
      %dma_start3A_130 = tpu.memref_slice %arg9[%dma_start3A_129] : memref<20480xi32, #tpu.memory_space<vmem>> -> memref<2048xi32, #tpu.memory_space<vmem>>
      %dma_start3A_131 = arith.constant 0 : i32
      %dma_start3A_132 = tpu.memref_slice %arg3[%dma_start3A_123, %add3A, %dma_start3A_131] : memref<10x8x2048xi32, #tpu.memory_space<hbm>> -> memref<1x1x2048xi32, #tpu.memory_space<hbm>>
      %dma_start3A_133 = tpu.memref_squeeze %dma_start3A_132 : memref<1x1x2048xi32, #tpu.memory_space<hbm>> -> memref<2048xi32, #tpu.memory_space<hbm>>
      tpu.enqueue_dma source(%dma_start3A_133 : memref<2048xi32, #tpu.memory_space<hbm>>) target(%dma_start3A_130 : memref<2048xi32, #tpu.memory_space<vmem>>) target_semaphore(%arg17 : memref<!tpu.dma_semaphore, #tpu.memory_space<semaphore_mem>>)
      %dma_start3A_134 = arith.constant 6 : i32
      %dma_start3A_135 = arith.constant 12288 : i32
      %dma_start3A_136 = tpu.memref_slice %arg8[%dma_start3A_135] : memref<20480xi32, #tpu.memory_space<vmem>> -> memref<2048xi32, #tpu.memory_space<vmem>>
      %dma_start3A_137 = arith.constant 0 : i32
      %dma_start3A_138 = tpu.memref_slice %arg2[%dma_start3A_134, %add3A, %dma_start3A_137] : memref<10x8x2048xi32, #tpu.memory_space<hbm>> -> memref<1x1x2048xi32, #tpu.memory_space<hbm>>
      %dma_start3A_139 = tpu.memref_squeeze %dma_start3A_138 : memref<1x1x2048xi32, #tpu.memory_space<hbm>> -> memref<2048xi32, #tpu.memory_space<hbm>>
      %dma_start3A_140 = arith.constant 12288 : i32
      %dma_start3A_141 = tpu.memref_slice %arg8[%dma_start3A_140] : memref<20480xi32, #tpu.memory_space<vmem>> -> memref<2048xi32, #tpu.memory_space<vmem>>
      %dma_start3A_142 = arith.constant 0 : i32
      %dma_start3A_143 = tpu.memref_slice %arg2[%dma_start3A_134, %add3A, %dma_start3A_142] : memref<10x8x2048xi32, #tpu.memory_space<hbm>> -> memref<1x1x2048xi32, #tpu.memory_space<hbm>>
      %dma_start3A_144 = tpu.memref_squeeze %dma_start3A_143 : memref<1x1x2048xi32, #tpu.memory_space<hbm>> -> memref<2048xi32, #tpu.memory_space<hbm>>
      tpu.enqueue_dma source(%dma_start3A_144 : memref<2048xi32, #tpu.memory_space<hbm>>) target(%dma_start3A_141 : memref<2048xi32, #tpu.memory_space<vmem>>) target_semaphore(%arg17 : memref<!tpu.dma_semaphore, #tpu.memory_space<semaphore_mem>>)
      %dma_start3A_145 = arith.constant 6 : i32
      %dma_start3A_146 = arith.constant 12288 : i32
      %dma_start3A_147 = tpu.memref_slice %arg9[%dma_start3A_146] : memref<20480xi32, #tpu.memory_space<vmem>> -> memref<2048xi32, #tpu.memory_space<vmem>>
      %dma_start3A_148 = arith.constant 0 : i32
      %dma_start3A_149 = tpu.memref_slice %arg3[%dma_start3A_145, %add3A, %dma_start3A_148] : memref<10x8x2048xi32, #tpu.memory_space<hbm>> -> memref<1x1x2048xi32, #tpu.memory_space<hbm>>
      %dma_start3A_150 = tpu.memref_squeeze %dma_start3A_149 : memref<1x1x2048xi32, #tpu.memory_space<hbm>> -> memref<2048xi32, #tpu.memory_space<hbm>>
      %dma_start3A_151 = arith.constant 12288 : i32
      %dma_start3A_152 = tpu.memref_slice %arg9[%dma_start3A_151] : memref<20480xi32, #tpu.memory_space<vmem>> -> memref<2048xi32, #tpu.memory_space<vmem>>
      %dma_start3A_153 = arith.constant 0 : i32
      %dma_start3A_154 = tpu.memref_slice %arg3[%dma_start3A_145, %add3A, %dma_start3A_153] : memref<10x8x2048xi32, #tpu.memory_space<hbm>> -> memref<1x1x2048xi32, #tpu.memory_space<hbm>>
      %dma_start3A_155 = tpu.memref_squeeze %dma_start3A_154 : memref<1x1x2048xi32, #tpu.memory_space<hbm>> -> memref<2048xi32, #tpu.memory_space<hbm>>
      tpu.enqueue_dma source(%dma_start3A_155 : memref<2048xi32, #tpu.memory_space<hbm>>) target(%dma_start3A_152 : memref<2048xi32, #tpu.memory_space<vmem>>) target_semaphore(%arg17 : memref<!tpu.dma_semaphore, #tpu.memory_space<semaphore_mem>>)
      %dma_start3A_156 = arith.constant 7 : i32
      %dma_start3A_157 = arith.constant 14336 : i32
      %dma_start3A_158 = tpu.memref_slice %arg8[%dma_start3A_157] : memref<20480xi32, #tpu.memory_space<vmem>> -> memref<2048xi32, #tpu.memory_space<vmem>>
      %dma_start3A_159 = arith.constant 0 : i32
      %dma_start3A_160 = tpu.memref_slice %arg2[%dma_start3A_156, %add3A, %dma_start3A_159] : memref<10x8x2048xi32, #tpu.memory_space<hbm>> -> memref<1x1x2048xi32, #tpu.memory_space<hbm>>
      %dma_start3A_161 = tpu.memref_squeeze %dma_start3A_160 : memref<1x1x2048xi32, #tpu.memory_space<hbm>> -> memref<2048xi32, #tpu.memory_space<hbm>>
      %dma_start3A_162 = arith.constant 14336 : i32
      %dma_start3A_163 = tpu.memref_slice %arg8[%dma_start3A_162] : memref<20480xi32, #tpu.memory_space<vmem>> -> memref<2048xi32, #tpu.memory_space<vmem>>
      %dma_start3A_164 = arith.constant 0 : i32
      %dma_start3A_165 = tpu.memref_slice %arg2[%dma_start3A_156, %add3A, %dma_start3A_164] : memref<10x8x2048xi32, #tpu.memory_space<hbm>> -> memref<1x1x2048xi32, #tpu.memory_space<hbm>>
      %dma_start3A_166 = tpu.memref_squeeze %dma_start3A_165 : memref<1x1x2048xi32, #tpu.memory_space<hbm>> -> memref<2048xi32, #tpu.memory_space<hbm>>
      tpu.enqueue_dma source(%dma_start3A_166 : memref<2048xi32, #tpu.memory_space<hbm>>) target(%dma_start3A_163 : memref<2048xi32, #tpu.memory_space<vmem>>) target_semaphore(%arg17 : memref<!tpu.dma_semaphore, #tpu.memory_space<semaphore_mem>>)
      %dma_start3A_167 = arith.constant 7 : i32
      %dma_start3A_168 = arith.constant 14336 : i32
      %dma_start3A_169 = tpu.memref_slice %arg9[%dma_start3A_168] : memref<20480xi32, #tpu.memory_space<vmem>> -> memref<2048xi32, #tpu.memory_space<vmem>>
      %dma_start3A_170 = arith.constant 0 : i32
      %dma_start3A_171 = tpu.memref_slice %arg3[%dma_start3A_167, %add3A, %dma_start3A_170] : memref<10x8x2048xi32, #tpu.memory_space<hbm>> -> memref<1x1x2048xi32, #tpu.memory_space<hbm>>
      %dma_start3A_172 = tpu.memref_squeeze %dma_start3A_171 : memref<1x1x2048xi32, #tpu.memory_space<hbm>> -> memref<2048xi32, #tpu.memory_space<hbm>>
      %dma_start3A_173 = arith.constant 14336 : i32
      %dma_start3A_174 = tpu.memref_slice %arg9[%dma_start3A_173] : memref<20480xi32, #tpu.memory_space<vmem>> -> memref<2048xi32, #tpu.memory_space<vmem>>
      %dma_start3A_175 = arith.constant 0 : i32
      %dma_start3A_176 = tpu.memref_slice %arg3[%dma_start3A_167, %add3A, %dma_start3A_175] : memref<10x8x2048xi32, #tpu.memory_space<hbm>> -> memref<1x1x2048xi32, #tpu.memory_space<hbm>>
      %dma_start3A_177 = tpu.memref_squeeze %dma_start3A_176 : memref<1x1x2048xi32, #tpu.memory_space<hbm>> -> memref<2048xi32, #tpu.memory_space<hbm>>
      tpu.enqueue_dma source(%dma_start3A_177 : memref<2048xi32, #tpu.memory_space<hbm>>) target(%dma_start3A_174 : memref<2048xi32, #tpu.memory_space<vmem>>) target_semaphore(%arg17 : memref<!tpu.dma_semaphore, #tpu.memory_space<semaphore_mem>>)
      %dma_start3A_178 = arith.constant 8 : i32
      %dma_start3A_179 = arith.constant 16384 : i32
      %dma_start3A_180 = tpu.memref_slice %arg8[%dma_start3A_179] : memref<20480xi32, #tpu.memory_space<vmem>> -> memref<2048xi32, #tpu.memory_space<vmem>>
      %dma_start3A_181 = arith.constant 0 : i32
      %dma_start3A_182 = tpu.memref_slice %arg2[%dma_start3A_178, %add3A, %dma_start3A_181] : memref<10x8x2048xi32, #tpu.memory_space<hbm>> -> memref<1x1x2048xi32, #tpu.memory_space<hbm>>
      %dma_start3A_183 = tpu.memref_squeeze %dma_start3A_182 : memref<1x1x2048xi32, #tpu.memory_space<hbm>> -> memref<2048xi32, #tpu.memory_space<hbm>>
      %dma_start3A_184 = arith.constant 16384 : i32
      %dma_start3A_185 = tpu.memref_slice %arg8[%dma_start3A_184] : memref<20480xi32, #tpu.memory_space<vmem>> -> memref<2048xi32, #tpu.memory_space<vmem>>
      %dma_start3A_186 = arith.constant 0 : i32
      %dma_start3A_187 = tpu.memref_slice %arg2[%dma_start3A_178, %add3A, %dma_start3A_186] : memref<10x8x2048xi32, #tpu.memory_space<hbm>> -> memref<1x1x2048xi32, #tpu.memory_space<hbm>>
      %dma_start3A_188 = tpu.memref_squeeze %dma_start3A_187 : memref<1x1x2048xi32, #tpu.memory_space<hbm>> -> memref<2048xi32, #tpu.memory_space<hbm>>
      tpu.enqueue_dma source(%dma_start3A_188 : memref<2048xi32, #tpu.memory_space<hbm>>) target(%dma_start3A_185 : memref<2048xi32, #tpu.memory_space<vmem>>) target_semaphore(%arg17 : memref<!tpu.dma_semaphore, #tpu.memory_space<semaphore_mem>>)
      %dma_start3A_189 = arith.constant 8 : i32
      %dma_start3A_190 = arith.constant 16384 : i32
      %dma_start3A_191 = tpu.memref_slice %arg9[%dma_start3A_190] : memref<20480xi32, #tpu.memory_space<vmem>> -> memref<2048xi32, #tpu.memory_space<vmem>>
      %dma_start3A_192 = arith.constant 0 : i32
      %dma_start3A_193 = tpu.memref_slice %arg3[%dma_start3A_189, %add3A, %dma_start3A_192] : memref<10x8x2048xi32, #tpu.memory_space<hbm>> -> memref<1x1x2048xi32, #tpu.memory_space<hbm>>
      %dma_start3A_194 = tpu.memref_squeeze %dma_start3A_193 : memref<1x1x2048xi32, #tpu.memory_space<hbm>> -> memref<2048xi32, #tpu.memory_space<hbm>>
      %dma_start3A_195 = arith.constant 16384 : i32
      %dma_start3A_196 = tpu.memref_slice %arg9[%dma_start3A_195] : memref<20480xi32, #tpu.memory_space<vmem>> -> memref<2048xi32, #tpu.memory_space<vmem>>
      %dma_start3A_197 = arith.constant 0 : i32
      %dma_start3A_198 = tpu.memref_slice %arg3[%dma_start3A_189, %add3A, %dma_start3A_197] : memref<10x8x2048xi32, #tpu.memory_space<hbm>> -> memref<1x1x2048xi32, #tpu.memory_space<hbm>>
      %dma_start3A_199 = tpu.memref_squeeze %dma_start3A_198 : memref<1x1x2048xi32, #tpu.memory_space<hbm>> -> memref<2048xi32, #tpu.memory_space<hbm>>
      tpu.enqueue_dma source(%dma_start3A_199 : memref<2048xi32, #tpu.memory_space<hbm>>) target(%dma_start3A_196 : memref<2048xi32, #tpu.memory_space<vmem>>) target_semaphore(%arg17 : memref<!tpu.dma_semaphore, #tpu.memory_space<semaphore_mem>>)
      %dma_start3A_200 = arith.constant 9 : i32
      %dma_start3A_201 = arith.constant 18432 : i32
      %dma_start3A_202 = tpu.memref_slice %arg8[%dma_start3A_201] : memref<20480xi32, #tpu.memory_space<vmem>> -> memref<2048xi32, #tpu.memory_space<vmem>>
      %dma_start3A_203 = arith.constant 0 : i32
      %dma_start3A_204 = tpu.memref_slice %arg2[%dma_start3A_200, %add3A, %dma_start3A_203] : memref<10x8x2048xi32, #tpu.memory_space<hbm>> -> memref<1x1x2048xi32, #tpu.memory_space<hbm>>
      %dma_start3A_205 = tpu.memref_squeeze %dma_start3A_204 : memref<1x1x2048xi32, #tpu.memory_space<hbm>> -> memref<2048xi32, #tpu.memory_space<hbm>>
      %dma_start3A_206 = arith.constant 18432 : i32
      %dma_start3A_207 = tpu.memref_slice %arg8[%dma_start3A_206] : memref<20480xi32, #tpu.memory_space<vmem>> -> memref<2048xi32, #tpu.memory_space<vmem>>
      %dma_start3A_208 = arith.constant 0 : i32
      %dma_start3A_209 = tpu.memref_slice %arg2[%dma_start3A_200, %add3A, %dma_start3A_208] : memref<10x8x2048xi32, #tpu.memory_space<hbm>> -> memref<1x1x2048xi32, #tpu.memory_space<hbm>>
      %dma_start3A_210 = tpu.memref_squeeze %dma_start3A_209 : memref<1x1x2048xi32, #tpu.memory_space<hbm>> -> memref<2048xi32, #tpu.memory_space<hbm>>
      tpu.enqueue_dma source(%dma_start3A_210 : memref<2048xi32, #tpu.memory_space<hbm>>) target(%dma_start3A_207 : memref<2048xi32, #tpu.memory_space<vmem>>) target_semaphore(%arg17 : memref<!tpu.dma_semaphore, #tpu.memory_space<semaphore_mem>>)
      %dma_start3A_211 = arith.constant 9 : i32
      %dma_start3A_212 = arith.constant 18432 : i32
      %dma_start3A_213 = tpu.memref_slice %arg9[%dma_start3A_212] : memref<20480xi32, #tpu.memory_space<vmem>> -> memref<2048xi32, #tpu.memory_space<vmem>>
      %dma_start3A_214 = arith.constant 0 : i32
      %dma_start3A_215 = tpu.memref_slice %arg3[%dma_start3A_211, %add3A, %dma_start3A_214] : memref<10x8x2048xi32, #tpu.memory_space<hbm>> -> memref<1x1x2048xi32, #tpu.memory_space<hbm>>
      %dma_start3A_216 = tpu.memref_squeeze %dma_start3A_215 : memref<1x1x2048xi32, #tpu.memory_space<hbm>> -> memref<2048xi32, #tpu.memory_space<hbm>>
      %dma_start3A_217 = arith.constant 18432 : i32
      %dma_start3A_218 = tpu.memref_slice %arg9[%dma_start3A_217] : memref<20480xi32, #tpu.memory_space<vmem>> -> memref<2048xi32, #tpu.memory_space<vmem>>
      %dma_start3A_219 = arith.constant 0 : i32
      %dma_start3A_220 = tpu.memref_slice %arg3[%dma_start3A_211, %add3A, %dma_start3A_219] : memref<10x8x2048xi32, #tpu.memory_space<hbm>> -> memref<1x1x2048xi32, #tpu.memory_space<hbm>>
      %dma_start3A_221 = tpu.memref_squeeze %dma_start3A_220 : memref<1x1x2048xi32, #tpu.memory_space<hbm>> -> memref<2048xi32, #tpu.memory_space<hbm>>
      tpu.enqueue_dma source(%dma_start3A_221 : memref<2048xi32, #tpu.memory_space<hbm>>) target(%dma_start3A_218 : memref<2048xi32, #tpu.memory_space<vmem>>) target_semaphore(%arg17 : memref<!tpu.dma_semaphore, #tpu.memory_space<semaphore_mem>>)
      %broadcast_in_dim3A = arith.constant 0 : i32
      %broadcast_in_dim3A_222 = vector.broadcast %broadcast_in_dim3A : i32 to vector<16xi32>
      %broadcast_in_dim3A_223 = arith.constant true
      %broadcast_in_dim3A_224 = vector.broadcast %broadcast_in_dim3A_223 : i1 to vector<16xi1>
      %unique3A, %unique3A_225 = tpu.scan_count mask(%broadcast_in_dim3A_224 : vector<16xi1>) value(%broadcast_in_dim3A_222 : vector<16xi32>) : vector<16xi1>, vector<16xi32>
      %reduce_min3A = arith.constant true
      %reduce_min3A_226 = vector.broadcast %reduce_min3A : i1 to vector<16xi1>
      %reduce_min3A_227 = arith.constant -2147483648 : i32
      %reduce_min3A_228 = vector.broadcast %reduce_min3A_227 : i32 to vector<16xi32>
      %reduce_min3A_229 = arith.xori %unique3A_225, %reduce_min3A_228 : vector<16xi32>
      %reduce_min3A_230 = tpu.scan <min>, %reduce_min3A_229 masked %reduce_min3A_226 : vector<16xi32>, vector<16xi1> -> vector<16xi32>
      %reduce_min3A_231 = arith.xori %reduce_min3A_230, %reduce_min3A_228 : vector<16xi32>
      %reduce_min3A_232 = vector.extract %reduce_min3A_231[15] : i32 from vector<16xi32>
      %scan3A = arith.constant 0 : i32
      %scan3A_233 = arith.constant 0 : i32
      %scan3A_234 = arith.constant 512 : i32
      %scan3A_235 = arith.addi %scan3A_233, %scan3A_234 : i32
      %scan3A_236 = arith.constant 1 : i32
      %scan3A_237 = scf.for %scan3A_630 = %scan3A_233 to %scan3A_235 step %scan3A_236 iter_args(%scan3A_631 = %scan3A) -> (i32)  : i32 {
        %broadcast_in_dim3A_632 = arith.constant 0 : i32
        %broadcast_in_dim3A_633 = vector.broadcast %broadcast_in_dim3A_632 : i32 to vector<16xi32>
        %mul3A_634 = arith.constant 16 : i32
        %mul3A_635 = arith.muli %scan3A_630, %mul3A_634 : i32
        %swap3A_636 = arith.index_cast %mul3A_635 : i32 to index
        %swap3A_637 = tpu.vector_load %arg12[%swap3A_636] {strides = array<i32>} : memref<8192xi32, #tpu.memory_space<vmem>>, vector<16xi32>,
        tpu.vector_store %arg12[%swap3A_636], %broadcast_in_dim3A_633 {strides = array<i32>} : memref<8192xi32, #tpu.memory_space<vmem>>, vector<16xi32>,
        %scan3A_638 = arith.constant 0 : i32
        scf.yield %scan3A_638 : i32
      }
      %scan3A_238 = arith.constant 512 : i32
      %dma_wait3A = arith.constant 0 : i32
      %dma_wait3A_239 = arith.constant 0 : i32
      %dma_wait3A_240 = tpu.memref_slice %arg8[%dma_wait3A_239] : memref<20480xi32, #tpu.memory_space<vmem>> -> memref<2048xi32, #tpu.memory_space<vmem>>
      %dma_wait3A_241 = arith.constant 0 : i32
      %dma_wait3A_242 = tpu.memref_slice %arg2[%dma_wait3A, %add3A, %dma_wait3A_241] : memref<10x8x2048xi32, #tpu.memory_space<hbm>> -> memref<1x1x2048xi32, #tpu.memory_space<hbm>>
      %dma_wait3A_243 = tpu.memref_squeeze %dma_wait3A_242 : memref<1x1x2048xi32, #tpu.memory_space<hbm>> -> memref<2048xi32, #tpu.memory_space<hbm>>
      %dma_wait3A_244 = arith.constant 0 : i32
      %dma_wait3A_245 = tpu.memref_slice %arg8[%dma_wait3A_244] : memref<20480xi32, #tpu.memory_space<vmem>> -> memref<2048xi32, #tpu.memory_space<vmem>>
      %dma_wait3A_246 = arith.constant 0 : i32
      %dma_wait3A_247 = tpu.memref_slice %arg2[%dma_wait3A, %add3A, %dma_wait3A_246] : memref<10x8x2048xi32, #tpu.memory_space<hbm>> -> memref<1x1x2048xi32, #tpu.memory_space<hbm>>
      %dma_wait3A_248 = tpu.memref_squeeze %dma_wait3A_247 : memref<1x1x2048xi32, #tpu.memory_space<hbm>> -> memref<2048xi32, #tpu.memory_space<hbm>>
      tpu.wait_dma2 semaphore(%arg17 : memref<!tpu.dma_semaphore, #tpu.memory_space<semaphore_mem>>) src(%dma_wait3A_248 : memref<2048xi32, #tpu.memory_space<hbm>>) dst(%dma_wait3A_245 : memref<2048xi32, #tpu.memory_space<vmem>>)
      %dma_wait3A_249 = arith.constant 0 : i32
      %dma_wait3A_250 = arith.constant 0 : i32
      %dma_wait3A_251 = tpu.memref_slice %arg9[%dma_wait3A_250] : memref<20480xi32, #tpu.memory_space<vmem>> -> memref<2048xi32, #tpu.memory_space<vmem>>
      %dma_wait3A_252 = arith.constant 0 : i32
      %dma_wait3A_253 = tpu.memref_slice %arg3[%dma_wait3A_249, %add3A, %dma_wait3A_252] : memref<10x8x2048xi32, #tpu.memory_space<hbm>> -> memref<1x1x2048xi32, #tpu.memory_space<hbm>>
      %dma_wait3A_254 = tpu.memref_squeeze %dma_wait3A_253 : memref<1x1x2048xi32, #tpu.memory_space<hbm>> -> memref<2048xi32, #tpu.memory_space<hbm>>
      %dma_wait3A_255 = arith.constant 0 : i32
      %dma_wait3A_256 = tpu.memref_slice %arg9[%dma_wait3A_255] : memref<20480xi32, #tpu.memory_space<vmem>> -> memref<2048xi32, #tpu.memory_space<vmem>>
      %dma_wait3A_257 = arith.constant 0 : i32
      %dma_wait3A_258 = tpu.memref_slice %arg3[%dma_wait3A_249, %add3A, %dma_wait3A_257] : memref<10x8x2048xi32, #tpu.memory_space<hbm>> -> memref<1x1x2048xi32, #tpu.memory_space<hbm>>
      %dma_wait3A_259 = tpu.memref_squeeze %dma_wait3A_258 : memref<1x1x2048xi32, #tpu.memory_space<hbm>> -> memref<2048xi32, #tpu.memory_space<hbm>>
      tpu.wait_dma2 semaphore(%arg17 : memref<!tpu.dma_semaphore, #tpu.memory_space<semaphore_mem>>) src(%dma_wait3A_259 : memref<2048xi32, #tpu.memory_space<hbm>>) dst(%dma_wait3A_256 : memref<2048xi32, #tpu.memory_space<vmem>>)
      %dma_wait3A_260 = arith.constant 1 : i32
      %dma_wait3A_261 = arith.constant 2048 : i32
      %dma_wait3A_262 = tpu.memref_slice %arg8[%dma_wait3A_261] : memref<20480xi32, #tpu.memory_space<vmem>> -> memref<2048xi32, #tpu.memory_space<vmem>>
      %dma_wait3A_263 = arith.constant 0 : i32
      %dma_wait3A_264 = tpu.memref_slice %arg2[%dma_wait3A_260, %add3A, %dma_wait3A_263] : memref<10x8x2048xi32, #tpu.memory_space<hbm>> -> memref<1x1x2048xi32, #tpu.memory_space<hbm>>
      %dma_wait3A_265 = tpu.memref_squeeze %dma_wait3A_264 : memref<1x1x2048xi32, #tpu.memory_space<hbm>> -> memref<2048xi32, #tpu.memory_space<hbm>>
      %dma_wait3A_266 = arith.constant 2048 : i32
      %dma_wait3A_267 = tpu.memref_slice %arg8[%dma_wait3A_266] : memref<20480xi32, #tpu.memory_space<vmem>> -> memref<2048xi32, #tpu.memory_space<vmem>>
      %dma_wait3A_268 = arith.constant 0 : i32
      %dma_wait3A_269 = tpu.memref_slice %arg2[%dma_wait3A_260, %add3A, %dma_wait3A_268] : memref<10x8x2048xi32, #tpu.memory_space<hbm>> -> memref<1x1x2048xi32, #tpu.memory_space<hbm>>
      %dma_wait3A_270 = tpu.memref_squeeze %dma_wait3A_269 : memref<1x1x2048xi32, #tpu.memory_space<hbm>> -> memref<2048xi32, #tpu.memory_space<hbm>>
      tpu.wait_dma2 semaphore(%arg17 : memref<!tpu.dma_semaphore, #tpu.memory_space<semaphore_mem>>) src(%dma_wait3A_270 : memref<2048xi32, #tpu.memory_space<hbm>>) dst(%dma_wait3A_267 : memref<2048xi32, #tpu.memory_space<vmem>>)
      %dma_wait3A_271 = arith.constant 1 : i32
      %dma_wait3A_272 = arith.constant 2048 : i32
      %dma_wait3A_273 = tpu.memref_slice %arg9[%dma_wait3A_272] : memref<20480xi32, #tpu.memory_space<vmem>> -> memref<2048xi32, #tpu.memory_space<vmem>>
      %dma_wait3A_274 = arith.constant 0 : i32
      %dma_wait3A_275 = tpu.memref_slice %arg3[%dma_wait3A_271, %add3A, %dma_wait3A_274] : memref<10x8x2048xi32, #tpu.memory_space<hbm>> -> memref<1x1x2048xi32, #tpu.memory_space<hbm>>
      %dma_wait3A_276 = tpu.memref_squeeze %dma_wait3A_275 : memref<1x1x2048xi32, #tpu.memory_space<hbm>> -> memref<2048xi32, #tpu.memory_space<hbm>>
      %dma_wait3A_277 = arith.constant 2048 : i32
      %dma_wait3A_278 = tpu.memref_slice %arg9[%dma_wait3A_277] : memref<20480xi32, #tpu.memory_space<vmem>> -> memref<2048xi32, #tpu.memory_space<vmem>>
      %dma_wait3A_279 = arith.constant 0 : i32
      %dma_wait3A_280 = tpu.memref_slice %arg3[%dma_wait3A_271, %add3A, %dma_wait3A_279] : memref<10x8x2048xi32, #tpu.memory_space<hbm>> -> memref<1x1x2048xi32, #tpu.memory_space<hbm>>
      %dma_wait3A_281 = tpu.memref_squeeze %dma_wait3A_280 : memref<1x1x2048xi32, #tpu.memory_space<hbm>> -> memref<2048xi32, #tpu.memory_space<hbm>>
      tpu.wait_dma2 semaphore(%arg17 : memref<!tpu.dma_semaphore, #tpu.memory_space<semaphore_mem>>) src(%dma_wait3A_281 : memref<2048xi32, #tpu.memory_space<hbm>>) dst(%dma_wait3A_278 : memref<2048xi32, #tpu.memory_space<vmem>>)
      %dma_wait3A_282 = arith.constant 2 : i32
      %dma_wait3A_283 = arith.constant 4096 : i32
      %dma_wait3A_284 = tpu.memref_slice %arg8[%dma_wait3A_283] : memref<20480xi32, #tpu.memory_space<vmem>> -> memref<2048xi32, #tpu.memory_space<vmem>>
      %dma_wait3A_285 = arith.constant 0 : i32
      %dma_wait3A_286 = tpu.memref_slice %arg2[%dma_wait3A_282, %add3A, %dma_wait3A_285] : memref<10x8x2048xi32, #tpu.memory_space<hbm>> -> memref<1x1x2048xi32, #tpu.memory_space<hbm>>
      %dma_wait3A_287 = tpu.memref_squeeze %dma_wait3A_286 : memref<1x1x2048xi32, #tpu.memory_space<hbm>> -> memref<2048xi32, #tpu.memory_space<hbm>>
      %dma_wait3A_288 = arith.constant 4096 : i32
      %dma_wait3A_289 = tpu.memref_slice %arg8[%dma_wait3A_288] : memref<20480xi32, #tpu.memory_space<vmem>> -> memref<2048xi32, #tpu.memory_space<vmem>>
      %dma_wait3A_290 = arith.constant 0 : i32
      %dma_wait3A_291 = tpu.memref_slice %arg2[%dma_wait3A_282, %add3A, %dma_wait3A_290] : memref<10x8x2048xi32, #tpu.memory_space<hbm>> -> memref<1x1x2048xi32, #tpu.memory_space<hbm>>
      %dma_wait3A_292 = tpu.memref_squeeze %dma_wait3A_291 : memref<1x1x2048xi32, #tpu.memory_space<hbm>> -> memref<2048xi32, #tpu.memory_space<hbm>>
      tpu.wait_dma2 semaphore(%arg17 : memref<!tpu.dma_semaphore, #tpu.memory_space<semaphore_mem>>) src(%dma_wait3A_292 : memref<2048xi32, #tpu.memory_space<hbm>>) dst(%dma_wait3A_289 : memref<2048xi32, #tpu.memory_space<vmem>>)
      %dma_wait3A_293 = arith.constant 2 : i32
      %dma_wait3A_294 = arith.constant 4096 : i32
      %dma_wait3A_295 = tpu.memref_slice %arg9[%dma_wait3A_294] : memref<20480xi32, #tpu.memory_space<vmem>> -> memref<2048xi32, #tpu.memory_space<vmem>>
      %dma_wait3A_296 = arith.constant 0 : i32
      %dma_wait3A_297 = tpu.memref_slice %arg3[%dma_wait3A_293, %add3A, %dma_wait3A_296] : memref<10x8x2048xi32, #tpu.memory_space<hbm>> -> memref<1x1x2048xi32, #tpu.memory_space<hbm>>
      %dma_wait3A_298 = tpu.memref_squeeze %dma_wait3A_297 : memref<1x1x2048xi32, #tpu.memory_space<hbm>> -> memref<2048xi32, #tpu.memory_space<hbm>>
      %dma_wait3A_299 = arith.constant 4096 : i32
      %dma_wait3A_300 = tpu.memref_slice %arg9[%dma_wait3A_299] : memref<20480xi32, #tpu.memory_space<vmem>> -> memref<2048xi32, #tpu.memory_space<vmem>>
      %dma_wait3A_301 = arith.constant 0 : i32
      %dma_wait3A_302 = tpu.memref_slice %arg3[%dma_wait3A_293, %add3A, %dma_wait3A_301] : memref<10x8x2048xi32, #tpu.memory_space<hbm>> -> memref<1x1x2048xi32, #tpu.memory_space<hbm>>
      %dma_wait3A_303 = tpu.memref_squeeze %dma_wait3A_302 : memref<1x1x2048xi32, #tpu.memory_space<hbm>> -> memref<2048xi32, #tpu.memory_space<hbm>>
      tpu.wait_dma2 semaphore(%arg17 : memref<!tpu.dma_semaphore, #tpu.memory_space<semaphore_mem>>) src(%dma_wait3A_303 : memref<2048xi32, #tpu.memory_space<hbm>>) dst(%dma_wait3A_300 : memref<2048xi32, #tpu.memory_space<vmem>>)
      %dma_wait3A_304 = arith.constant 3 : i32
      %dma_wait3A_305 = arith.constant 6144 : i32
      %dma_wait3A_306 = tpu.memref_slice %arg8[%dma_wait3A_305] : memref<20480xi32, #tpu.memory_space<vmem>> -> memref<2048xi32, #tpu.memory_space<vmem>>
      %dma_wait3A_307 = arith.constant 0 : i32
      %dma_wait3A_308 = tpu.memref_slice %arg2[%dma_wait3A_304, %add3A, %dma_wait3A_307] : memref<10x8x2048xi32, #tpu.memory_space<hbm>> -> memref<1x1x2048xi32, #tpu.memory_space<hbm>>
      %dma_wait3A_309 = tpu.memref_squeeze %dma_wait3A_308 : memref<1x1x2048xi32, #tpu.memory_space<hbm>> -> memref<2048xi32, #tpu.memory_space<hbm>>
      %dma_wait3A_310 = arith.constant 6144 : i32
      %dma_wait3A_311 = tpu.memref_slice %arg8[%dma_wait3A_310] : memref<20480xi32, #tpu.memory_space<vmem>> -> memref<2048xi32, #tpu.memory_space<vmem>>
      %dma_wait3A_312 = arith.constant 0 : i32
      %dma_wait3A_313 = tpu.memref_slice %arg2[%dma_wait3A_304, %add3A, %dma_wait3A_312] : memref<10x8x2048xi32, #tpu.memory_space<hbm>> -> memref<1x1x2048xi32, #tpu.memory_space<hbm>>
      %dma_wait3A_314 = tpu.memref_squeeze %dma_wait3A_313 : memref<1x1x2048xi32, #tpu.memory_space<hbm>> -> memref<2048xi32, #tpu.memory_space<hbm>>
      tpu.wait_dma2 semaphore(%arg17 : memref<!tpu.dma_semaphore, #tpu.memory_space<semaphore_mem>>) src(%dma_wait3A_314 : memref<2048xi32, #tpu.memory_space<hbm>>) dst(%dma_wait3A_311 : memref<2048xi32, #tpu.memory_space<vmem>>)
      %dma_wait3A_315 = arith.constant 3 : i32
      %dma_wait3A_316 = arith.constant 6144 : i32
      %dma_wait3A_317 = tpu.memref_slice %arg9[%dma_wait3A_316] : memref<20480xi32, #tpu.memory_space<vmem>> -> memref<2048xi32, #tpu.memory_space<vmem>>
      %dma_wait3A_318 = arith.constant 0 : i32
      %dma_wait3A_319 = tpu.memref_slice %arg3[%dma_wait3A_315, %add3A, %dma_wait3A_318] : memref<10x8x2048xi32, #tpu.memory_space<hbm>> -> memref<1x1x2048xi32, #tpu.memory_space<hbm>>
      %dma_wait3A_320 = tpu.memref_squeeze %dma_wait3A_319 : memref<1x1x2048xi32, #tpu.memory_space<hbm>> -> memref<2048xi32, #tpu.memory_space<hbm>>
      %dma_wait3A_321 = arith.constant 6144 : i32
      %dma_wait3A_322 = tpu.memref_slice %arg9[%dma_wait3A_321] : memref<20480xi32, #tpu.memory_space<vmem>> -> memref<2048xi32, #tpu.memory_space<vmem>>
      %dma_wait3A_323 = arith.constant 0 : i32
      %dma_wait3A_324 = tpu.memref_slice %arg3[%dma_wait3A_315, %add3A, %dma_wait3A_323] : memref<10x8x2048xi32, #tpu.memory_space<hbm>> -> memref<1x1x2048xi32, #tpu.memory_space<hbm>>
      %dma_wait3A_325 = tpu.memref_squeeze %dma_wait3A_324 : memref<1x1x2048xi32, #tpu.memory_space<hbm>> -> memref<2048xi32, #tpu.memory_space<hbm>>
      tpu.wait_dma2 semaphore(%arg17 : memref<!tpu.dma_semaphore, #tpu.memory_space<semaphore_mem>>) src(%dma_wait3A_325 : memref<2048xi32, #tpu.memory_space<hbm>>) dst(%dma_wait3A_322 : memref<2048xi32, #tpu.memory_space<vmem>>)
      %dma_wait3A_326 = arith.constant 4 : i32
      %dma_wait3A_327 = arith.constant 8192 : i32
      %dma_wait3A_328 = tpu.memref_slice %arg8[%dma_wait3A_327] : memref<20480xi32, #tpu.memory_space<vmem>> -> memref<2048xi32, #tpu.memory_space<vmem>>
      %dma_wait3A_329 = arith.constant 0 : i32
      %dma_wait3A_330 = tpu.memref_slice %arg2[%dma_wait3A_326, %add3A, %dma_wait3A_329] : memref<10x8x2048xi32, #tpu.memory_space<hbm>> -> memref<1x1x2048xi32, #tpu.memory_space<hbm>>
      %dma_wait3A_331 = tpu.memref_squeeze %dma_wait3A_330 : memref<1x1x2048xi32, #tpu.memory_space<hbm>> -> memref<2048xi32, #tpu.memory_space<hbm>>
      %dma_wait3A_332 = arith.constant 8192 : i32
      %dma_wait3A_333 = tpu.memref_slice %arg8[%dma_wait3A_332] : memref<20480xi32, #tpu.memory_space<vmem>> -> memref<2048xi32, #tpu.memory_space<vmem>>
      %dma_wait3A_334 = arith.constant 0 : i32
      %dma_wait3A_335 = tpu.memref_slice %arg2[%dma_wait3A_326, %add3A, %dma_wait3A_334] : memref<10x8x2048xi32, #tpu.memory_space<hbm>> -> memref<1x1x2048xi32, #tpu.memory_space<hbm>>
      %dma_wait3A_336 = tpu.memref_squeeze %dma_wait3A_335 : memref<1x1x2048xi32, #tpu.memory_space<hbm>> -> memref<2048xi32, #tpu.memory_space<hbm>>
      tpu.wait_dma2 semaphore(%arg17 : memref<!tpu.dma_semaphore, #tpu.memory_space<semaphore_mem>>) src(%dma_wait3A_336 : memref<2048xi32, #tpu.memory_space<hbm>>) dst(%dma_wait3A_333 : memref<2048xi32, #tpu.memory_space<vmem>>)
      %dma_wait3A_337 = arith.constant 4 : i32
      %dma_wait3A_338 = arith.constant 8192 : i32
      %dma_wait3A_339 = tpu.memref_slice %arg9[%dma_wait3A_338] : memref<20480xi32, #tpu.memory_space<vmem>> -> memref<2048xi32, #tpu.memory_space<vmem>>
      %dma_wait3A_340 = arith.constant 0 : i32
      %dma_wait3A_341 = tpu.memref_slice %arg3[%dma_wait3A_337, %add3A, %dma_wait3A_340] : memref<10x8x2048xi32, #tpu.memory_space<hbm>> -> memref<1x1x2048xi32, #tpu.memory_space<hbm>>
      %dma_wait3A_342 = tpu.memref_squeeze %dma_wait3A_341 : memref<1x1x2048xi32, #tpu.memory_space<hbm>> -> memref<2048xi32, #tpu.memory_space<hbm>>
      %dma_wait3A_343 = arith.constant 8192 : i32
      %dma_wait3A_344 = tpu.memref_slice %arg9[%dma_wait3A_343] : memref<20480xi32, #tpu.memory_space<vmem>> -> memref<2048xi32, #tpu.memory_space<vmem>>
      %dma_wait3A_345 = arith.constant 0 : i32
      %dma_wait3A_346 = tpu.memref_slice %arg3[%dma_wait3A_337, %add3A, %dma_wait3A_345] : memref<10x8x2048xi32, #tpu.memory_space<hbm>> -> memref<1x1x2048xi32, #tpu.memory_space<hbm>>
      %dma_wait3A_347 = tpu.memref_squeeze %dma_wait3A_346 : memref<1x1x2048xi32, #tpu.memory_space<hbm>> -> memref<2048xi32, #tpu.memory_space<hbm>>
      tpu.wait_dma2 semaphore(%arg17 : memref<!tpu.dma_semaphore, #tpu.memory_space<semaphore_mem>>) src(%dma_wait3A_347 : memref<2048xi32, #tpu.memory_space<hbm>>) dst(%dma_wait3A_344 : memref<2048xi32, #tpu.memory_space<vmem>>)
      %dma_wait3A_348 = arith.constant 5 : i32
      %dma_wait3A_349 = arith.constant 10240 : i32
      %dma_wait3A_350 = tpu.memref_slice %arg8[%dma_wait3A_349] : memref<20480xi32, #tpu.memory_space<vmem>> -> memref<2048xi32, #tpu.memory_space<vmem>>
      %dma_wait3A_351 = arith.constant 0 : i32
      %dma_wait3A_352 = tpu.memref_slice %arg2[%dma_wait3A_348, %add3A, %dma_wait3A_351] : memref<10x8x2048xi32, #tpu.memory_space<hbm>> -> memref<1x1x2048xi32, #tpu.memory_space<hbm>>
      %dma_wait3A_353 = tpu.memref_squeeze %dma_wait3A_352 : memref<1x1x2048xi32, #tpu.memory_space<hbm>> -> memref<2048xi32, #tpu.memory_space<hbm>>
      %dma_wait3A_354 = arith.constant 10240 : i32
      %dma_wait3A_355 = tpu.memref_slice %arg8[%dma_wait3A_354] : memref<20480xi32, #tpu.memory_space<vmem>> -> memref<2048xi32, #tpu.memory_space<vmem>>
      %dma_wait3A_356 = arith.constant 0 : i32
      %dma_wait3A_357 = tpu.memref_slice %arg2[%dma_wait3A_348, %add3A, %dma_wait3A_356] : memref<10x8x2048xi32, #tpu.memory_space<hbm>> -> memref<1x1x2048xi32, #tpu.memory_space<hbm>>
      %dma_wait3A_358 = tpu.memref_squeeze %dma_wait3A_357 : memref<1x1x2048xi32, #tpu.memory_space<hbm>> -> memref<2048xi32, #tpu.memory_space<hbm>>
      tpu.wait_dma2 semaphore(%arg17 : memref<!tpu.dma_semaphore, #tpu.memory_space<semaphore_mem>>) src(%dma_wait3A_358 : memref<2048xi32, #tpu.memory_space<hbm>>) dst(%dma_wait3A_355 : memref<2048xi32, #tpu.memory_space<vmem>>)
      %dma_wait3A_359 = arith.constant 5 : i32
      %dma_wait3A_360 = arith.constant 10240 : i32
      %dma_wait3A_361 = tpu.memref_slice %arg9[%dma_wait3A_360] : memref<20480xi32, #tpu.memory_space<vmem>> -> memref<2048xi32, #tpu.memory_space<vmem>>
      %dma_wait3A_362 = arith.constant 0 : i32
      %dma_wait3A_363 = tpu.memref_slice %arg3[%dma_wait3A_359, %add3A, %dma_wait3A_362] : memref<10x8x2048xi32, #tpu.memory_space<hbm>> -> memref<1x1x2048xi32, #tpu.memory_space<hbm>>
      %dma_wait3A_364 = tpu.memref_squeeze %dma_wait3A_363 : memref<1x1x2048xi32, #tpu.memory_space<hbm>> -> memref<2048xi32, #tpu.memory_space<hbm>>
      %dma_wait3A_365 = arith.constant 10240 : i32
      %dma_wait3A_366 = tpu.memref_slice %arg9[%dma_wait3A_365] : memref<20480xi32, #tpu.memory_space<vmem>> -> memref<2048xi32, #tpu.memory_space<vmem>>
      %dma_wait3A_367 = arith.constant 0 : i32
      %dma_wait3A_368 = tpu.memref_slice %arg3[%dma_wait3A_359, %add3A, %dma_wait3A_367] : memref<10x8x2048xi32, #tpu.memory_space<hbm>> -> memref<1x1x2048xi32, #tpu.memory_space<hbm>>
      %dma_wait3A_369 = tpu.memref_squeeze %dma_wait3A_368 : memref<1x1x2048xi32, #tpu.memory_space<hbm>> -> memref<2048xi32, #tpu.memory_space<hbm>>
      tpu.wait_dma2 semaphore(%arg17 : memref<!tpu.dma_semaphore, #tpu.memory_space<semaphore_mem>>) src(%dma_wait3A_369 : memref<2048xi32, #tpu.memory_space<hbm>>) dst(%dma_wait3A_366 : memref<2048xi32, #tpu.memory_space<vmem>>)
      %dma_wait3A_370 = arith.constant 6 : i32
      %dma_wait3A_371 = arith.constant 12288 : i32
      %dma_wait3A_372 = tpu.memref_slice %arg8[%dma_wait3A_371] : memref<20480xi32, #tpu.memory_space<vmem>> -> memref<2048xi32, #tpu.memory_space<vmem>>
      %dma_wait3A_373 = arith.constant 0 : i32
      %dma_wait3A_374 = tpu.memref_slice %arg2[%dma_wait3A_370, %add3A, %dma_wait3A_373] : memref<10x8x2048xi32, #tpu.memory_space<hbm>> -> memref<1x1x2048xi32, #tpu.memory_space<hbm>>
      %dma_wait3A_375 = tpu.memref_squeeze %dma_wait3A_374 : memref<1x1x2048xi32, #tpu.memory_space<hbm>> -> memref<2048xi32, #tpu.memory_space<hbm>>
      %dma_wait3A_376 = arith.constant 12288 : i32
      %dma_wait3A_377 = tpu.memref_slice %arg8[%dma_wait3A_376] : memref<20480xi32, #tpu.memory_space<vmem>> -> memref<2048xi32, #tpu.memory_space<vmem>>
      %dma_wait3A_378 = arith.constant 0 : i32
      %dma_wait3A_379 = tpu.memref_slice %arg2[%dma_wait3A_370, %add3A, %dma_wait3A_378] : memref<10x8x2048xi32, #tpu.memory_space<hbm>> -> memref<1x1x2048xi32, #tpu.memory_space<hbm>>
      %dma_wait3A_380 = tpu.memref_squeeze %dma_wait3A_379 : memref<1x1x2048xi32, #tpu.memory_space<hbm>> -> memref<2048xi32, #tpu.memory_space<hbm>>
      tpu.wait_dma2 semaphore(%arg17 : memref<!tpu.dma_semaphore, #tpu.memory_space<semaphore_mem>>) src(%dma_wait3A_380 : memref<2048xi32, #tpu.memory_space<hbm>>) dst(%dma_wait3A_377 : memref<2048xi32, #tpu.memory_space<vmem>>)
      %dma_wait3A_381 = arith.constant 6 : i32
      %dma_wait3A_382 = arith.constant 12288 : i32
      %dma_wait3A_383 = tpu.memref_slice %arg9[%dma_wait3A_382] : memref<20480xi32, #tpu.memory_space<vmem>> -> memref<2048xi32, #tpu.memory_space<vmem>>
      %dma_wait3A_384 = arith.constant 0 : i32
      %dma_wait3A_385 = tpu.memref_slice %arg3[%dma_wait3A_381, %add3A, %dma_wait3A_384] : memref<10x8x2048xi32, #tpu.memory_space<hbm>> -> memref<1x1x2048xi32, #tpu.memory_space<hbm>>
      %dma_wait3A_386 = tpu.memref_squeeze %dma_wait3A_385 : memref<1x1x2048xi32, #tpu.memory_space<hbm>> -> memref<2048xi32, #tpu.memory_space<hbm>>
      %dma_wait3A_387 = arith.constant 12288 : i32
      %dma_wait3A_388 = tpu.memref_slice %arg9[%dma_wait3A_387] : memref<20480xi32, #tpu.memory_space<vmem>> -> memref<2048xi32, #tpu.memory_space<vmem>>
      %dma_wait3A_389 = arith.constant 0 : i32
      %dma_wait3A_390 = tpu.memref_slice %arg3[%dma_wait3A_381, %add3A, %dma_wait3A_389] : memref<10x8x2048xi32, #tpu.memory_space<hbm>> -> memref<1x1x2048xi32, #tpu.memory_space<hbm>>
      %dma_wait3A_391 = tpu.memref_squeeze %dma_wait3A_390 : memref<1x1x2048xi32, #tpu.memory_space<hbm>> -> memref<2048xi32, #tpu.memory_space<hbm>>
      tpu.wait_dma2 semaphore(%arg17 : memref<!tpu.dma_semaphore, #tpu.memory_space<semaphore_mem>>) src(%dma_wait3A_391 : memref<2048xi32, #tpu.memory_space<hbm>>) dst(%dma_wait3A_388 : memref<2048xi32, #tpu.memory_space<vmem>>)
      %dma_wait3A_392 = arith.constant 7 : i32
      %dma_wait3A_393 = arith.constant 14336 : i32
      %dma_wait3A_394 = tpu.memref_slice %arg8[%dma_wait3A_393] : memref<20480xi32, #tpu.memory_space<vmem>> -> memref<2048xi32, #tpu.memory_space<vmem>>
      %dma_wait3A_395 = arith.constant 0 : i32
      %dma_wait3A_396 = tpu.memref_slice %arg2[%dma_wait3A_392, %add3A, %dma_wait3A_395] : memref<10x8x2048xi32, #tpu.memory_space<hbm>> -> memref<1x1x2048xi32, #tpu.memory_space<hbm>>
      %dma_wait3A_397 = tpu.memref_squeeze %dma_wait3A_396 : memref<1x1x2048xi32, #tpu.memory_space<hbm>> -> memref<2048xi32, #tpu.memory_space<hbm>>
      %dma_wait3A_398 = arith.constant 14336 : i32
      %dma_wait3A_399 = tpu.memref_slice %arg8[%dma_wait3A_398] : memref<20480xi32, #tpu.memory_space<vmem>> -> memref<2048xi32, #tpu.memory_space<vmem>>
      %dma_wait3A_400 = arith.constant 0 : i32
      %dma_wait3A_401 = tpu.memref_slice %arg2[%dma_wait3A_392, %add3A, %dma_wait3A_400] : memref<10x8x2048xi32, #tpu.memory_space<hbm>> -> memref<1x1x2048xi32, #tpu.memory_space<hbm>>
      %dma_wait3A_402 = tpu.memref_squeeze %dma_wait3A_401 : memref<1x1x2048xi32, #tpu.memory_space<hbm>> -> memref<2048xi32, #tpu.memory_space<hbm>>
      tpu.wait_dma2 semaphore(%arg17 : memref<!tpu.dma_semaphore, #tpu.memory_space<semaphore_mem>>) src(%dma_wait3A_402 : memref<2048xi32, #tpu.memory_space<hbm>>) dst(%dma_wait3A_399 : memref<2048xi32, #tpu.memory_space<vmem>>)
      %dma_wait3A_403 = arith.constant 7 : i32
      %dma_wait3A_404 = arith.constant 14336 : i32
      %dma_wait3A_405 = tpu.memref_slice %arg9[%dma_wait3A_404] : memref<20480xi32, #tpu.memory_space<vmem>> -> memref<2048xi32, #tpu.memory_space<vmem>>
      %dma_wait3A_406 = arith.constant 0 : i32
      %dma_wait3A_407 = tpu.memref_slice %arg3[%dma_wait3A_403, %add3A, %dma_wait3A_406] : memref<10x8x2048xi32, #tpu.memory_space<hbm>> -> memref<1x1x2048xi32, #tpu.memory_space<hbm>>
      %dma_wait3A_408 = tpu.memref_squeeze %dma_wait3A_407 : memref<1x1x2048xi32, #tpu.memory_space<hbm>> -> memref<2048xi32, #tpu.memory_space<hbm>>
      %dma_wait3A_409 = arith.constant 14336 : i32
      %dma_wait3A_410 = tpu.memref_slice %arg9[%dma_wait3A_409] : memref<20480xi32, #tpu.memory_space<vmem>> -> memref<2048xi32, #tpu.memory_space<vmem>>
      %dma_wait3A_411 = arith.constant 0 : i32
      %dma_wait3A_412 = tpu.memref_slice %arg3[%dma_wait3A_403, %add3A, %dma_wait3A_411] : memref<10x8x2048xi32, #tpu.memory_space<hbm>> -> memref<1x1x2048xi32, #tpu.memory_space<hbm>>
      %dma_wait3A_413 = tpu.memref_squeeze %dma_wait3A_412 : memref<1x1x2048xi32, #tpu.memory_space<hbm>> -> memref<2048xi32, #tpu.memory_space<hbm>>
      tpu.wait_dma2 semaphore(%arg17 : memref<!tpu.dma_semaphore, #tpu.memory_space<semaphore_mem>>) src(%dma_wait3A_413 : memref<2048xi32, #tpu.memory_space<hbm>>) dst(%dma_wait3A_410 : memref<2048xi32, #tpu.memory_space<vmem>>)
      %dma_wait3A_414 = arith.constant 8 : i32
      %dma_wait3A_415 = arith.constant 16384 : i32
      %dma_wait3A_416 = tpu.memref_slice %arg8[%dma_wait3A_415] : memref<20480xi32, #tpu.memory_space<vmem>> -> memref<2048xi32, #tpu.memory_space<vmem>>
      %dma_wait3A_417 = arith.constant 0 : i32
      %dma_wait3A_418 = tpu.memref_slice %arg2[%dma_wait3A_414, %add3A, %dma_wait3A_417] : memref<10x8x2048xi32, #tpu.memory_space<hbm>> -> memref<1x1x2048xi32, #tpu.memory_space<hbm>>
      %dma_wait3A_419 = tpu.memref_squeeze %dma_wait3A_418 : memref<1x1x2048xi32, #tpu.memory_space<hbm>> -> memref<2048xi32, #tpu.memory_space<hbm>>
      %dma_wait3A_420 = arith.constant 16384 : i32
      %dma_wait3A_421 = tpu.memref_slice %arg8[%dma_wait3A_420] : memref<20480xi32, #tpu.memory_space<vmem>> -> memref<2048xi32, #tpu.memory_space<vmem>>
      %dma_wait3A_422 = arith.constant 0 : i32
      %dma_wait3A_423 = tpu.memref_slice %arg2[%dma_wait3A_414, %add3A, %dma_wait3A_422] : memref<10x8x2048xi32, #tpu.memory_space<hbm>> -> memref<1x1x2048xi32, #tpu.memory_space<hbm>>
      %dma_wait3A_424 = tpu.memref_squeeze %dma_wait3A_423 : memref<1x1x2048xi32, #tpu.memory_space<hbm>> -> memref<2048xi32, #tpu.memory_space<hbm>>
      tpu.wait_dma2 semaphore(%arg17 : memref<!tpu.dma_semaphore, #tpu.memory_space<semaphore_mem>>) src(%dma_wait3A_424 : memref<2048xi32, #tpu.memory_space<hbm>>) dst(%dma_wait3A_421 : memref<2048xi32, #tpu.memory_space<vmem>>)
      %dma_wait3A_425 = arith.constant 8 : i32
      %dma_wait3A_426 = arith.constant 16384 : i32
      %dma_wait3A_427 = tpu.memref_slice %arg9[%dma_wait3A_426] : memref<20480xi32, #tpu.memory_space<vmem>> -> memref<2048xi32, #tpu.memory_space<vmem>>
      %dma_wait3A_428 = arith.constant 0 : i32
      %dma_wait3A_429 = tpu.memref_slice %arg3[%dma_wait3A_425, %add3A, %dma_wait3A_428] : memref<10x8x2048xi32, #tpu.memory_space<hbm>> -> memref<1x1x2048xi32, #tpu.memory_space<hbm>>
      %dma_wait3A_430 = tpu.memref_squeeze %dma_wait3A_429 : memref<1x1x2048xi32, #tpu.memory_space<hbm>> -> memref<2048xi32, #tpu.memory_space<hbm>>
      %dma_wait3A_431 = arith.constant 16384 : i32
      %dma_wait3A_432 = tpu.memref_slice %arg9[%dma_wait3A_431] : memref<20480xi32, #tpu.memory_space<vmem>> -> memref<2048xi32, #tpu.memory_space<vmem>>
      %dma_wait3A_433 = arith.constant 0 : i32
      %dma_wait3A_434 = tpu.memref_slice %arg3[%dma_wait3A_425, %add3A, %dma_wait3A_433] : memref<10x8x2048xi32, #tpu.memory_space<hbm>> -> memref<1x1x2048xi32, #tpu.memory_space<hbm>>
      %dma_wait3A_435 = tpu.memref_squeeze %dma_wait3A_434 : memref<1x1x2048xi32, #tpu.memory_space<hbm>> -> memref<2048xi32, #tpu.memory_space<hbm>>
      tpu.wait_dma2 semaphore(%arg17 : memref<!tpu.dma_semaphore, #tpu.memory_space<semaphore_mem>>) src(%dma_wait3A_435 : memref<2048xi32, #tpu.memory_space<hbm>>) dst(%dma_wait3A_432 : memref<2048xi32, #tpu.memory_space<vmem>>)
      %dma_wait3A_436 = arith.constant 9 : i32
      %dma_wait3A_437 = arith.constant 18432 : i32
      %dma_wait3A_438 = tpu.memref_slice %arg8[%dma_wait3A_437] : memref<20480xi32, #tpu.memory_space<vmem>> -> memref<2048xi32, #tpu.memory_space<vmem>>
      %dma_wait3A_439 = arith.constant 0 : i32
      %dma_wait3A_440 = tpu.memref_slice %arg2[%dma_wait3A_436, %add3A, %dma_wait3A_439] : memref<10x8x2048xi32, #tpu.memory_space<hbm>> -> memref<1x1x2048xi32, #tpu.memory_space<hbm>>
      %dma_wait3A_441 = tpu.memref_squeeze %dma_wait3A_440 : memref<1x1x2048xi32, #tpu.memory_space<hbm>> -> memref<2048xi32, #tpu.memory_space<hbm>>
      %dma_wait3A_442 = arith.constant 18432 : i32
      %dma_wait3A_443 = tpu.memref_slice %arg8[%dma_wait3A_442] : memref<20480xi32, #tpu.memory_space<vmem>> -> memref<2048xi32, #tpu.memory_space<vmem>>
      %dma_wait3A_444 = arith.constant 0 : i32
      %dma_wait3A_445 = tpu.memref_slice %arg2[%dma_wait3A_436, %add3A, %dma_wait3A_444] : memref<10x8x2048xi32, #tpu.memory_space<hbm>> -> memref<1x1x2048xi32, #tpu.memory_space<hbm>>
      %dma_wait3A_446 = tpu.memref_squeeze %dma_wait3A_445 : memref<1x1x2048xi32, #tpu.memory_space<hbm>> -> memref<2048xi32, #tpu.memory_space<hbm>>
      tpu.wait_dma2 semaphore(%arg17 : memref<!tpu.dma_semaphore, #tpu.memory_space<semaphore_mem>>) src(%dma_wait3A_446 : memref<2048xi32, #tpu.memory_space<hbm>>) dst(%dma_wait3A_443 : memref<2048xi32, #tpu.memory_space<vmem>>)
      %dma_wait3A_447 = arith.constant 9 : i32
      %dma_wait3A_448 = arith.constant 18432 : i32
      %dma_wait3A_449 = tpu.memref_slice %arg9[%dma_wait3A_448] : memref<20480xi32, #tpu.memory_space<vmem>> -> memref<2048xi32, #tpu.memory_space<vmem>>
      %dma_wait3A_450 = arith.constant 0 : i32
      %dma_wait3A_451 = tpu.memref_slice %arg3[%dma_wait3A_447, %add3A, %dma_wait3A_450] : memref<10x8x2048xi32, #tpu.memory_space<hbm>> -> memref<1x1x2048xi32, #tpu.memory_space<hbm>>
      %dma_wait3A_452 = tpu.memref_squeeze %dma_wait3A_451 : memref<1x1x2048xi32, #tpu.memory_space<hbm>> -> memref<2048xi32, #tpu.memory_space<hbm>>
      %dma_wait3A_453 = arith.constant 18432 : i32
      %dma_wait3A_454 = tpu.memref_slice %arg9[%dma_wait3A_453] : memref<20480xi32, #tpu.memory_space<vmem>> -> memref<2048xi32, #tpu.memory_space<vmem>>
      %dma_wait3A_455 = arith.constant 0 : i32
      %dma_wait3A_456 = tpu.memref_slice %arg3[%dma_wait3A_447, %add3A, %dma_wait3A_455] : memref<10x8x2048xi32, #tpu.memory_space<hbm>> -> memref<1x1x2048xi32, #tpu.memory_space<hbm>>
      %dma_wait3A_457 = tpu.memref_squeeze %dma_wait3A_456 : memref<1x1x2048xi32, #tpu.memory_space<hbm>> -> memref<2048xi32, #tpu.memory_space<hbm>>
      tpu.wait_dma2 semaphore(%arg17 : memref<!tpu.dma_semaphore, #tpu.memory_space<semaphore_mem>>) src(%dma_wait3A_457 : memref<2048xi32, #tpu.memory_space<hbm>>) dst(%dma_wait3A_454 : memref<2048xi32, #tpu.memory_space<vmem>>)
      %scan3A_458 = arith.constant 0 : i32
      %scan3A_459 = arith.constant 0 : i32
      %scan3A_460 = arith.constant 640 : i32
      %scan3A_461 = arith.addi %scan3A_459, %scan3A_460 : i32
      %scan3A_462 = arith.constant 1 : i32
      %scan3A_463 = scf.for %scan3A_630 = %scan3A_459 to %scan3A_461 step %scan3A_462 iter_args(%scan3A_631 = %scan3A_458) -> (i32)  : i32 {
        %mul3A_632 = arith.constant 32 : i32
        %mul3A_633 = arith.muli %scan3A_630, %mul3A_632 : i32
        %add3A_634 = arith.constant 0 : i32
        %add3A_635 = arith.addi %mul3A_633, %add3A_634 : i32
        %get3A = arith.index_cast %add3A_635 : i32 to index
        %get3A_636 = tpu.vector_load %arg8[%get3A] {strides = array<i32>} : memref<20480xi32, #tpu.memory_space<vmem>>, vector<16xi32>,
        %shift_right_arithmetic3A_637 = arith.constant 13 : i32
        %shift_right_arithmetic3A_638 = vector.broadcast %shift_right_arithmetic3A_637 : i32 to vector<16xi32>
        %shift_right_arithmetic3A_639 = arith.shrsi %get3A_636, %shift_right_arithmetic3A_638 : vector<16xi32>
        %and3A = arith.constant 8191 : i32
        %and3A_640 = vector.broadcast %and3A : i32 to vector<16xi32>
        %and3A_641 = arith.andi %shift_right_arithmetic3A_639, %and3A_640 : vector<16xi32>
        %sub3A = arith.constant 8191 : i32
        %sub3A_642 = vector.broadcast %sub3A : i32 to vector<16xi32>
        %sub3A_643 = arith.subi %sub3A_642, %and3A_641 : vector<16xi32>
        %broadcast_in_dim3A_644 = arith.constant true
        %broadcast_in_dim3A_645 = vector.broadcast %broadcast_in_dim3A_644 : i1 to vector<16xi1>
        %unique3A_646, %unique3A_647 = tpu.scan_count mask(%broadcast_in_dim3A_645 : vector<16xi1>) value(%sub3A_643 : vector<16xi32>) : vector<16xi1>, vector<16xi32>
        %sub3A_648 = vector.broadcast %reduce_min3A_232 : i32 to vector<16xi32>
        %sub3A_649 = arith.subi %unique3A_647, %sub3A_648 : vector<16xi32>
        %add3A_650 = arith.constant 1 : i32
        %add3A_651 = vector.broadcast %add3A_650 : i32 to vector<16xi32>
        %add3A_652 = arith.addi %sub3A_649, %add3A_651 : vector<16xi32>
        tpu.vector_store_idx %arg12[%sub3A_643], %add3A_652 masked %unique3A_646 {add = true} : memref<8192xi32, #tpu.memory_space<vmem>>[vector<16xi32>], vector<16xi32>, vector<16xi1>
        %mul3A_653 = arith.constant 32 : i32
        %mul3A_654 = arith.muli %scan3A_630, %mul3A_653 : i32
        %add3A_655 = arith.constant 16 : i32
        %add3A_656 = arith.addi %mul3A_654, %add3A_655 : i32
        %get3A_657 = arith.index_cast %add3A_656 : i32 to index
        %get3A_658 = tpu.vector_load %arg8[%get3A_657] {strides = array<i32>} : memref<20480xi32, #tpu.memory_space<vmem>>, vector<16xi32>,
        %shift_right_arithmetic3A_659 = arith.constant 13 : i32
        %shift_right_arithmetic3A_660 = vector.broadcast %shift_right_arithmetic3A_659 : i32 to vector<16xi32>
        %shift_right_arithmetic3A_661 = arith.shrsi %get3A_658, %shift_right_arithmetic3A_660 : vector<16xi32>
        %and3A_662 = arith.constant 8191 : i32
        %and3A_663 = vector.broadcast %and3A_662 : i32 to vector<16xi32>
        %and3A_664 = arith.andi %shift_right_arithmetic3A_661, %and3A_663 : vector<16xi32>
        %sub3A_665 = arith.constant 8191 : i32
        %sub3A_666 = vector.broadcast %sub3A_665 : i32 to vector<16xi32>
        %sub3A_667 = arith.subi %sub3A_666, %and3A_664 : vector<16xi32>
        %broadcast_in_dim3A_668 = arith.constant true
        %broadcast_in_dim3A_669 = vector.broadcast %broadcast_in_dim3A_668 : i1 to vector<16xi1>
        %unique3A_670, %unique3A_671 = tpu.scan_count mask(%broadcast_in_dim3A_669 : vector<16xi1>) value(%sub3A_667 : vector<16xi32>) : vector<16xi1>, vector<16xi32>
        %sub3A_672 = vector.broadcast %reduce_min3A_232 : i32 to vector<16xi32>
        %sub3A_673 = arith.subi %unique3A_671, %sub3A_672 : vector<16xi32>
        %add3A_674 = arith.constant 1 : i32
        %add3A_675 = vector.broadcast %add3A_674 : i32 to vector<16xi32>
        %add3A_676 = arith.addi %sub3A_673, %add3A_675 : vector<16xi32>
        tpu.vector_store_idx %arg12[%sub3A_667], %add3A_676 masked %unique3A_670 {add = true} : memref<8192xi32, #tpu.memory_space<vmem>>[vector<16xi32>], vector<16xi32>, vector<16xi1>
        %scan3A_677 = arith.constant 0 : i32
        scf.yield %scan3A_677 : i32
      }
      %scan3A_464 = arith.constant 640 : i32
      %scan3A_465 = arith.constant 8192 : i32
      %scan3A_466 = arith.constant 0 : i32
      %scan3A_467 = arith.constant 0 : i32
      %scan3A_468 = arith.constant 512 : i32
      %scan3A_469 = arith.addi %scan3A_467, %scan3A_468 : i32
      %scan3A_470 = arith.constant 1 : i32
      %scan3A_471:2 = scf.for %scan3A_630 = %scan3A_467 to %scan3A_469 step %scan3A_470 iter_args(%scan3A_631 = %scan3A_465, %scan3A_632 = %scan3A_466) -> (i32, i32)  : i32 {
        %mul3A_633 = arith.constant 16 : i32
        %mul3A_634 = arith.muli %scan3A_630, %mul3A_633 : i32
        %get3A = arith.index_cast %mul3A_634 : i32 to index
        %get3A_635 = tpu.vector_load %arg12[%get3A] {strides = array<i32>} : memref<8192xi32, #tpu.memory_space<vmem>>, vector<16xi32>,
        %broadcast_in_dim3A_636 = arith.constant true
        %broadcast_in_dim3A_637 = vector.broadcast %broadcast_in_dim3A_636 : i1 to vector<16xi1>
        %masked_cumsum3A = tpu.scan <sum>, %get3A_635 masked %broadcast_in_dim3A_637 : vector<16xi32>, vector<16xi1> -> vector<16xi32>
        %add3A_638 = vector.broadcast %scan3A_632 : i32 to vector<16xi32>
        %add3A_639 = arith.addi %masked_cumsum3A, %add3A_638 : vector<16xi32>
        %ge3A = arith.constant 2000 : i32
        %ge3A_640 = vector.broadcast %ge3A : i32 to vector<16xi32>
        %ge3A_641 = arith.cmpi sge, %add3A_639, %ge3A_640 : vector<16xi32>
        %all_reduce_population_count3A = tpu.all_reduce %ge3A_641 {dim = 0 : i64, kind = #tpu.reduction_kind<sum>} : vector<16xi1> -> vector<16xi32>
        %reduce_max3A = arith.constant true
        %reduce_max3A_642 = vector.broadcast %reduce_max3A : i1 to vector<16xi1>
        %reduce_max3A_643 = arith.constant -2147483648 : i32
        %reduce_max3A_644 = vector.broadcast %reduce_max3A_643 : i32 to vector<16xi32>
        %reduce_max3A_645 = arith.xori %all_reduce_population_count3A, %reduce_max3A_644 : vector<16xi32>
        %reduce_max3A_646 = tpu.scan <max>, %reduce_max3A_645 masked %reduce_max3A_642 : vector<16xi32>, vector<16xi1> -> vector<16xi32>
        %reduce_max3A_647 = arith.xori %reduce_max3A_646, %reduce_max3A_644 : vector<16xi32>
        %reduce_max3A_648 = vector.extract %reduce_max3A_647[15] : i32 from vector<16xi32>
        %mul3A_649 = arith.constant 16 : i32
        %mul3A_650 = arith.muli %scan3A_630, %mul3A_649 : i32
        %sub3A = arith.constant 16 : i32
        %sub3A_651 = arith.subi %sub3A, %reduce_max3A_648 : i32
        %add3A_652 = arith.addi %mul3A_650, %sub3A_651 : i32
        %gt3A = arith.constant 0 : i32
        %gt3A_653 = arith.cmpi sgt, %reduce_max3A_648, %gt3A : i32
        %jit3A = arith.constant 8192 : i32
        %select_n3A = arith.select %gt3A_653, %add3A_652, %jit3A : i32
        %min3A = arith.minsi %scan3A_631, %select_n3A : i32
        %reduce_max3A_654 = arith.constant true
        %reduce_max3A_655 = vector.broadcast %reduce_max3A_654 : i1 to vector<16xi1>
        %reduce_max3A_656 = arith.constant -2147483648 : i32
        %reduce_max3A_657 = vector.broadcast %reduce_max3A_656 : i32 to vector<16xi32>
        %reduce_max3A_658 = arith.xori %add3A_639, %reduce_max3A_657 : vector<16xi32>
        %reduce_max3A_659 = tpu.scan <max>, %reduce_max3A_658 masked %reduce_max3A_655 : vector<16xi32>, vector<16xi1> -> vector<16xi32>
        %reduce_max3A_660 = arith.xori %reduce_max3A_659, %reduce_max3A_657 : vector<16xi32>
        %reduce_max3A_661 = vector.extract %reduce_max3A_660[15] : i32 from vector<16xi32>
        scf.yield %min3A, %reduce_max3A_661 : i32, i32
      }
      %scan3A_472 = arith.constant 512 : i32
      %scan3A_473 = arith.constant 0 : i32
      %scan3A_474 = arith.constant 0 : i32
      %scan3A_475 = arith.constant 640 : i32
      %scan3A_476 = arith.addi %scan3A_474, %scan3A_475 : i32
      %scan3A_477 = arith.constant 1 : i32
      %scan3A_478 = scf.for %scan3A_630 = %scan3A_474 to %scan3A_476 step %scan3A_477 iter_args(%scan3A_631 = %scan3A_473) -> (i32)  : i32 {
        %mul3A_632 = arith.constant 32 : i32
        %mul3A_633 = arith.muli %scan3A_630, %mul3A_632 : i32
        %add3A_634 = arith.constant 0 : i32
        %add3A_635 = arith.addi %mul3A_633, %add3A_634 : i32
        %get3A = arith.index_cast %add3A_635 : i32 to index
        %get3A_636 = tpu.vector_load %arg8[%get3A] {strides = array<i32>} : memref<20480xi32, #tpu.memory_space<vmem>>, vector<16xi32>,
        %mul3A_637 = arith.constant 32 : i32
        %mul3A_638 = arith.muli %scan3A_630, %mul3A_637 : i32
        %add3A_639 = arith.constant 0 : i32
        %add3A_640 = arith.addi %mul3A_638, %add3A_639 : i32
        %get3A_641 = arith.index_cast %add3A_640 : i32 to index
        %get3A_642 = tpu.vector_load %arg9[%get3A_641] {strides = array<i32>} : memref<20480xi32, #tpu.memory_space<vmem>>, vector<16xi32>,
        %shift_right_arithmetic3A_643 = arith.constant 13 : i32
        %shift_right_arithmetic3A_644 = vector.broadcast %shift_right_arithmetic3A_643 : i32 to vector<16xi32>
        %shift_right_arithmetic3A_645 = arith.shrsi %get3A_636, %shift_right_arithmetic3A_644 : vector<16xi32>
        %and3A = arith.constant 8191 : i32
        %and3A_646 = vector.broadcast %and3A : i32 to vector<16xi32>
        %and3A_647 = arith.andi %shift_right_arithmetic3A_645, %and3A_646 : vector<16xi32>
        %sub3A = arith.constant 8191 : i32
        %sub3A_648 = vector.broadcast %sub3A : i32 to vector<16xi32>
        %sub3A_649 = arith.subi %sub3A_648, %and3A_647 : vector<16xi32>
        %le3A = vector.broadcast %scan3A_471#0 : i32 to vector<16xi32>
        %le3A_650 = arith.cmpi sle, %sub3A_649, %le3A : vector<16xi32>
        %swap3A_651 = arith.index_cast %scan3A_631 : i32 to index
        %swap3A_652 = tpu.vector_load %arg10[%swap3A_651] masked %le3A_650 {strides = array<i32>} : memref<20496xi32, #tpu.memory_space<vmem>>, vector<16xi32>, vector<16xi1>
        tpu.vector_store %arg10[%swap3A_651], %get3A_636 masked %le3A_650 {strides = array<i32>} : memref<20496xi32, #tpu.memory_space<vmem>>, vector<16xi32>, vector<16xi1>
        %swap3A_653 = arith.index_cast %scan3A_631 : i32 to index
        %swap3A_654 = tpu.vector_load %arg11[%swap3A_653] masked %le3A_650 {strides = array<i32>} : memref<20496xi32, #tpu.memory_space<vmem>>, vector<16xi32>, vector<16xi1>
        tpu.vector_store %arg11[%swap3A_653], %get3A_642 masked %le3A_650 {strides = array<i32>} : memref<20496xi32, #tpu.memory_space<vmem>>, vector<16xi32>, vector<16xi1>
        %all_reduce_population_count3A = tpu.all_reduce %le3A_650 {dim = 0 : i64, kind = #tpu.reduction_kind<sum>} : vector<16xi1> -> vector<16xi32>
        %reduce_max3A = arith.constant true
        %reduce_max3A_655 = vector.broadcast %reduce_max3A : i1 to vector<16xi1>
        %reduce_max3A_656 = arith.constant -2147483648 : i32
        %reduce_max3A_657 = vector.broadcast %reduce_max3A_656 : i32 to vector<16xi32>
        %reduce_max3A_658 = arith.xori %all_reduce_population_count3A, %reduce_max3A_657 : vector<16xi32>
        %reduce_max3A_659 = tpu.scan <max>, %reduce_max3A_658 masked %reduce_max3A_655 : vector<16xi32>, vector<16xi1> -> vector<16xi32>
        %reduce_max3A_660 = arith.xori %reduce_max3A_659, %reduce_max3A_657 : vector<16xi32>
        %reduce_max3A_661 = vector.extract %reduce_max3A_660[15] : i32 from vector<16xi32>
        %add3A_662 = arith.addi %scan3A_631, %reduce_max3A_661 : i32
        %mul3A_663 = arith.constant 32 : i32
        %mul3A_664 = arith.muli %scan3A_630, %mul3A_663 : i32
        %add3A_665 = arith.constant 16 : i32
        %add3A_666 = arith.addi %mul3A_664, %add3A_665 : i32
        %get3A_667 = arith.index_cast %add3A_666 : i32 to index
        %get3A_668 = tpu.vector_load %arg8[%get3A_667] {strides = array<i32>} : memref<20480xi32, #tpu.memory_space<vmem>>, vector<16xi32>,
        %mul3A_669 = arith.constant 32 : i32
        %mul3A_670 = arith.muli %scan3A_630, %mul3A_669 : i32
        %add3A_671 = arith.constant 16 : i32
        %add3A_672 = arith.addi %mul3A_670, %add3A_671 : i32
        %get3A_673 = arith.index_cast %add3A_672 : i32 to index
        %get3A_674 = tpu.vector_load %arg9[%get3A_673] {strides = array<i32>} : memref<20480xi32, #tpu.memory_space<vmem>>, vector<16xi32>,
        %shift_right_arithmetic3A_675 = arith.constant 13 : i32
        %shift_right_arithmetic3A_676 = vector.broadcast %shift_right_arithmetic3A_675 : i32 to vector<16xi32>
        %shift_right_arithmetic3A_677 = arith.shrsi %get3A_668, %shift_right_arithmetic3A_676 : vector<16xi32>
        %and3A_678 = arith.constant 8191 : i32
        %and3A_679 = vector.broadcast %and3A_678 : i32 to vector<16xi32>
        %and3A_680 = arith.andi %shift_right_arithmetic3A_677, %and3A_679 : vector<16xi32>
        %sub3A_681 = arith.constant 8191 : i32
        %sub3A_682 = vector.broadcast %sub3A_681 : i32 to vector<16xi32>
        %sub3A_683 = arith.subi %sub3A_682, %and3A_680 : vector<16xi32>
        %le3A_684 = vector.broadcast %scan3A_471#0 : i32 to vector<16xi32>
        %le3A_685 = arith.cmpi sle, %sub3A_683, %le3A_684 : vector<16xi32>
        %swap3A_686 = arith.index_cast %add3A_662 : i32 to index
        %swap3A_687 = tpu.vector_load %arg10[%swap3A_686] masked %le3A_685 {strides = array<i32>} : memref<20496xi32, #tpu.memory_space<vmem>>, vector<16xi32>, vector<16xi1>
        tpu.vector_store %arg10[%swap3A_686], %get3A_668 masked %le3A_685 {strides = array<i32>} : memref<20496xi32, #tpu.memory_space<vmem>>, vector<16xi32>, vector<16xi1>
        %swap3A_688 = arith.index_cast %add3A_662 : i32 to index
        %swap3A_689 = tpu.vector_load %arg11[%swap3A_688] masked %le3A_685 {strides = array<i32>} : memref<20496xi32, #tpu.memory_space<vmem>>, vector<16xi32>, vector<16xi1>
        tpu.vector_store %arg11[%swap3A_688], %get3A_674 masked %le3A_685 {strides = array<i32>} : memref<20496xi32, #tpu.memory_space<vmem>>, vector<16xi32>, vector<16xi1>
        %all_reduce_population_count3A_690 = tpu.all_reduce %le3A_685 {dim = 0 : i64, kind = #tpu.reduction_kind<sum>} : vector<16xi1> -> vector<16xi32>
        %reduce_max3A_691 = arith.constant true
        %reduce_max3A_692 = vector.broadcast %reduce_max3A_691 : i1 to vector<16xi1>
        %reduce_max3A_693 = arith.constant -2147483648 : i32
        %reduce_max3A_694 = vector.broadcast %reduce_max3A_693 : i32 to vector<16xi32>
        %reduce_max3A_695 = arith.xori %all_reduce_population_count3A_690, %reduce_max3A_694 : vector<16xi32>
        %reduce_max3A_696 = tpu.scan <max>, %reduce_max3A_695 masked %reduce_max3A_692 : vector<16xi32>, vector<16xi1> -> vector<16xi32>
        %reduce_max3A_697 = arith.xori %reduce_max3A_696, %reduce_max3A_694 : vector<16xi32>
        %reduce_max3A_698 = vector.extract %reduce_max3A_697[15] : i32 from vector<16xi32>
        %add3A_699 = arith.addi %add3A_662, %reduce_max3A_698 : i32
        scf.yield %add3A_699 : i32
      }
      %scan3A_479 = arith.constant 640 : i32
      %broadcast_in_dim3A_480 = arith.constant 0 : i32
      %broadcast_in_dim3A_481 = vector.broadcast %broadcast_in_dim3A_480 : i32 to vector<16xi32>
      %swap3A = arith.index_cast %scan3A_478 : i32 to index
      %swap3A_482 = tpu.vector_load %arg10[%swap3A] {strides = array<i32>} : memref<20496xi32, #tpu.memory_space<vmem>>, vector<16xi32>,
      tpu.vector_store %arg10[%swap3A], %broadcast_in_dim3A_481 {strides = array<i32>} : memref<20496xi32, #tpu.memory_space<vmem>>, vector<16xi32>,
      %broadcast_in_dim3A_483 = arith.constant 0 : i32
      %broadcast_in_dim3A_484 = vector.broadcast %broadcast_in_dim3A_483 : i32 to vector<16xi32>
      %swap3A_485 = arith.index_cast %scan3A_478 : i32 to index
      %swap3A_486 = tpu.vector_load %arg11[%swap3A_485] {strides = array<i32>} : memref<20496xi32, #tpu.memory_space<vmem>>, vector<16xi32>,
      tpu.vector_store %arg11[%swap3A_485], %broadcast_in_dim3A_484 {strides = array<i32>} : memref<20496xi32, #tpu.memory_space<vmem>>, vector<16xi32>,
      %add3A_487 = arith.constant 15 : i32
      %add3A_488 = arith.addi %scan3A_478, %add3A_487 : i32
      %shift_right_arithmetic3A = arith.constant 4 : i32
      %shift_right_arithmetic3A_489 = arith.shrsi %add3A_488, %shift_right_arithmetic3A : i32
      %scan3A_490 = arith.constant 0 : i32
      %scan3A_491 = arith.constant 0 : i32
      %scan3A_492 = arith.constant 32 : i32
      %scan3A_493 = arith.addi %scan3A_491, %scan3A_492 : i32
      %scan3A_494 = arith.constant 1 : i32
      %scan3A_495 = scf.for %scan3A_630 = %scan3A_491 to %scan3A_493 step %scan3A_494 iter_args(%scan3A_631 = %scan3A_490) -> (i32)  : i32 {
        %broadcast_in_dim3A_632 = arith.constant 0 : i32
        %broadcast_in_dim3A_633 = vector.broadcast %broadcast_in_dim3A_632 : i32 to vector<16xi32>
        %mul3A_634 = arith.constant 16 : i32
        %mul3A_635 = arith.muli %scan3A_630, %mul3A_634 : i32
        %swap3A_636 = arith.index_cast %mul3A_635 : i32 to index
        %swap3A_637 = tpu.vector_load %arg12[%swap3A_636] {strides = array<i32>} : memref<8192xi32, #tpu.memory_space<vmem>>, vector<16xi32>,
        tpu.vector_store %arg12[%swap3A_636], %broadcast_in_dim3A_633 {strides = array<i32>} : memref<8192xi32, #tpu.memory_space<vmem>>, vector<16xi32>,
        %scan3A_638 = arith.constant 0 : i32
        scf.yield %scan3A_638 : i32
      }
      %scan3A_496 = arith.constant 32 : i32
      %while3A = arith.constant 0 : i32
      %while3A_497 = arith.constant 0 : i32
      %while3A_498 = arith.subi %shift_right_arithmetic3A_489, %while3A : i32
      %while3A_499 = arith.addi %while3A, %while3A_498 : i32
      %while3A_500 = arith.constant 1 : i32
      %while3A_501 = arith.divsi %while3A_498, %while3A_500 : i32
      %while3A_502 = arith.muli %while3A_501, %while3A_500 : i32
      %while3A_503 = arith.addi %while3A, %while3A_502 : i32
      %while3A_504 = arith.constant 1 : i32
      %while3A_505 = scf.for %while3A_630 = %while3A to %while3A_503 step %while3A_504 iter_args(%while3A_631 = %while3A_497) -> (i32)  : i32 {
        %mul3A_632 = arith.constant 16 : i32
        %mul3A_633 = arith.muli %while3A_630, %mul3A_632 : i32
        %get3A = arith.index_cast %mul3A_633 : i32 to index
        %get3A_634 = tpu.vector_load %arg10[%get3A] {strides = array<i32>} : memref<20496xi32, #tpu.memory_space<vmem>>, vector<16xi32>,
        %shift_right_arithmetic3A_635 = arith.constant 0 : i32
        %shift_right_arithmetic3A_636 = vector.broadcast %shift_right_arithmetic3A_635 : i32 to vector<16xi32>
        %shift_right_arithmetic3A_637 = arith.shrsi %get3A_634, %shift_right_arithmetic3A_636 : vector<16xi32>
        %and3A = arith.constant 511 : i32
        %and3A_638 = vector.broadcast %and3A : i32 to vector<16xi32>
        %and3A_639 = arith.andi %shift_right_arithmetic3A_637, %and3A_638 : vector<16xi32>
        %sub3A = arith.constant 511 : i32
        %sub3A_640 = vector.broadcast %sub3A : i32 to vector<16xi32>
        %sub3A_641 = arith.subi %sub3A_640, %and3A_639 : vector<16xi32>
        %broadcast_in_dim3A_642 = arith.constant true
        %broadcast_in_dim3A_643 = vector.broadcast %broadcast_in_dim3A_642 : i1 to vector<16xi1>
        %unique3A_644, %unique3A_645 = tpu.scan_count mask(%broadcast_in_dim3A_643 : vector<16xi1>) value(%sub3A_641 : vector<16xi32>) : vector<16xi1>, vector<16xi32>
        %sub3A_646 = vector.broadcast %reduce_min3A_232 : i32 to vector<16xi32>
        %sub3A_647 = arith.subi %unique3A_645, %sub3A_646 : vector<16xi32>
        %add3A_648 = arith.constant 1 : i32
        %add3A_649 = vector.broadcast %add3A_648 : i32 to vector<16xi32>
        %add3A_650 = arith.addi %sub3A_647, %add3A_649 : vector<16xi32>
        tpu.vector_store_idx %arg12[%sub3A_641], %add3A_650 masked %unique3A_644 {add = true} : memref<8192xi32, #tpu.memory_space<vmem>>[vector<16xi32>], vector<16xi32>, vector<16xi1>
        %while3A_651 = arith.constant 0 : i32
        scf.yield %while3A_651 : i32
      }
      %while3A_506 = arith.constant 1 : i32
      %while3A_507 = scf.for %while3A_630 = %while3A_503 to %while3A_499 step %while3A_506 iter_args(%while3A_631 = %while3A_505) -> (i32)  : i32 {
        %mul3A_632 = arith.constant 16 : i32
        %mul3A_633 = arith.muli %while3A_630, %mul3A_632 : i32
        %get3A = arith.index_cast %mul3A_633 : i32 to index
        %get3A_634 = tpu.vector_load %arg10[%get3A] {strides = array<i32>} : memref<20496xi32, #tpu.memory_space<vmem>>, vector<16xi32>,
        %shift_right_arithmetic3A_635 = arith.constant 0 : i32
        %shift_right_arithmetic3A_636 = vector.broadcast %shift_right_arithmetic3A_635 : i32 to vector<16xi32>
        %shift_right_arithmetic3A_637 = arith.shrsi %get3A_634, %shift_right_arithmetic3A_636 : vector<16xi32>
        %and3A = arith.constant 511 : i32
        %and3A_638 = vector.broadcast %and3A : i32 to vector<16xi32>
        %and3A_639 = arith.andi %shift_right_arithmetic3A_637, %and3A_638 : vector<16xi32>
        %sub3A = arith.constant 511 : i32
        %sub3A_640 = vector.broadcast %sub3A : i32 to vector<16xi32>
        %sub3A_641 = arith.subi %sub3A_640, %and3A_639 : vector<16xi32>
        %broadcast_in_dim3A_642 = arith.constant true
        %broadcast_in_dim3A_643 = vector.broadcast %broadcast_in_dim3A_642 : i1 to vector<16xi1>
        %unique3A_644, %unique3A_645 = tpu.scan_count mask(%broadcast_in_dim3A_643 : vector<16xi1>) value(%sub3A_641 : vector<16xi32>) : vector<16xi1>, vector<16xi32>
        %sub3A_646 = vector.broadcast %reduce_min3A_232 : i32 to vector<16xi32>
        %sub3A_647 = arith.subi %unique3A_645, %sub3A_646 : vector<16xi32>
        %add3A_648 = arith.constant 1 : i32
        %add3A_649 = vector.broadcast %add3A_648 : i32 to vector<16xi32>
        %add3A_650 = arith.addi %sub3A_647, %add3A_649 : vector<16xi32>
        tpu.vector_store_idx %arg12[%sub3A_641], %add3A_650 masked %unique3A_644 {add = true} : memref<8192xi32, #tpu.memory_space<vmem>>[vector<16xi32>], vector<16xi32>, vector<16xi1>
        %while3A_651 = arith.constant 0 : i32
        scf.yield %while3A_651 : i32
      }
      %scan3A_508 = arith.constant 0 : i32
      %scan3A_509 = arith.constant 0 : i32
      %scan3A_510 = arith.constant 32 : i32
      %scan3A_511 = arith.addi %scan3A_509, %scan3A_510 : i32
      %scan3A_512 = arith.constant 1 : i32
      %scan3A_513 = scf.for %scan3A_630 = %scan3A_509 to %scan3A_511 step %scan3A_512 iter_args(%scan3A_631 = %scan3A_508) -> (i32)  : i32 {
        %mul3A_632 = arith.constant 16 : i32
        %mul3A_633 = arith.muli %scan3A_630, %mul3A_632 : i32
        %get3A = arith.index_cast %mul3A_633 : i32 to index
        %get3A_634 = tpu.vector_load %arg12[%get3A] {strides = array<i32>} : memref<8192xi32, #tpu.memory_space<vmem>>, vector<16xi32>,
        %broadcast_in_dim3A_635 = arith.constant true
        %broadcast_in_dim3A_636 = vector.broadcast %broadcast_in_dim3A_635 : i1 to vector<16xi1>
        %masked_cumsum3A = tpu.scan <sum>, %get3A_634 masked %broadcast_in_dim3A_636 : vector<16xi32>, vector<16xi1> -> vector<16xi32>
        %sub3A = arith.subi %masked_cumsum3A, %get3A_634 : vector<16xi32>
        %add3A_637 = vector.broadcast %scan3A_631 : i32 to vector<16xi32>
        %add3A_638 = arith.addi %sub3A, %add3A_637 : vector<16xi32>
        %mul3A_639 = arith.constant 16 : i32
        %mul3A_640 = arith.muli %scan3A_630, %mul3A_639 : i32
        %swap3A_641 = arith.index_cast %mul3A_640 : i32 to index
        %swap3A_642 = tpu.vector_load %arg12[%swap3A_641] {strides = array<i32>} : memref<8192xi32, #tpu.memory_space<vmem>>, vector<16xi32>,
        tpu.vector_store %arg12[%swap3A_641], %add3A_638 {strides = array<i32>} : memref<8192xi32, #tpu.memory_space<vmem>>, vector<16xi32>,
        %reduce_max3A = arith.constant true
        %reduce_max3A_643 = vector.broadcast %reduce_max3A : i1 to vector<16xi1>
        %reduce_max3A_644 = arith.constant -2147483648 : i32
        %reduce_max3A_645 = vector.broadcast %reduce_max3A_644 : i32 to vector<16xi32>
        %reduce_max3A_646 = arith.xori %masked_cumsum3A, %reduce_max3A_645 : vector<16xi32>
        %reduce_max3A_647 = tpu.scan <max>, %reduce_max3A_646 masked %reduce_max3A_643 : vector<16xi32>, vector<16xi1> -> vector<16xi32>
        %reduce_max3A_648 = arith.xori %reduce_max3A_647, %reduce_max3A_645 : vector<16xi32>
        %reduce_max3A_649 = vector.extract %reduce_max3A_648[15] : i32 from vector<16xi32>
        %add3A_650 = arith.addi %scan3A_631, %reduce_max3A_649 : i32
        scf.yield %add3A_650 : i32
      }
      %scan3A_514 = arith.constant 32 : i32
      %while3A_515 = arith.constant 0 : i32
      %while3A_516 = arith.constant 0 : i32
      %while3A_517 = arith.subi %shift_right_arithmetic3A_489, %while3A_515 : i32
      %while3A_518 = arith.addi %while3A_515, %while3A_517 : i32
      %while3A_519 = arith.constant 1 : i32
      %while3A_520 = arith.divsi %while3A_517, %while3A_519 : i32
      %while3A_521 = arith.muli %while3A_520, %while3A_519 : i32
      %while3A_522 = arith.addi %while3A_515, %while3A_521 : i32
      %while3A_523 = arith.constant 1 : i32
      %while3A_524 = scf.for %while3A_630 = %while3A_515 to %while3A_522 step %while3A_523 iter_args(%while3A_631 = %while3A_516) -> (i32)  : i32 {
        %mul3A_632 = arith.constant 16 : i32
        %mul3A_633 = arith.muli %while3A_630, %mul3A_632 : i32
        %get3A = arith.index_cast %mul3A_633 : i32 to index
        %get3A_634 = tpu.vector_load %arg10[%get3A] {strides = array<i32>} : memref<20496xi32, #tpu.memory_space<vmem>>, vector<16xi32>,
        %mul3A_635 = arith.constant 16 : i32
        %mul3A_636 = arith.muli %while3A_630, %mul3A_635 : i32
        %get3A_637 = arith.index_cast %mul3A_636 : i32 to index
        %get3A_638 = tpu.vector_load %arg11[%get3A_637] {strides = array<i32>} : memref<20496xi32, #tpu.memory_space<vmem>>, vector<16xi32>,
        %shift_right_arithmetic3A_639 = arith.constant 0 : i32
        %shift_right_arithmetic3A_640 = vector.broadcast %shift_right_arithmetic3A_639 : i32 to vector<16xi32>
        %shift_right_arithmetic3A_641 = arith.shrsi %get3A_634, %shift_right_arithmetic3A_640 : vector<16xi32>
        %and3A = arith.constant 511 : i32
        %and3A_642 = vector.broadcast %and3A : i32 to vector<16xi32>
        %and3A_643 = arith.andi %shift_right_arithmetic3A_641, %and3A_642 : vector<16xi32>
        %sub3A = arith.constant 511 : i32
        %sub3A_644 = vector.broadcast %sub3A : i32 to vector<16xi32>
        %sub3A_645 = arith.subi %sub3A_644, %and3A_643 : vector<16xi32>
        %broadcast_in_dim3A_646 = arith.constant true
        %broadcast_in_dim3A_647 = vector.broadcast %broadcast_in_dim3A_646 : i1 to vector<16xi1>
        %unique3A_648, %unique3A_649 = tpu.scan_count mask(%broadcast_in_dim3A_647 : vector<16xi1>) value(%sub3A_645 : vector<16xi32>) : vector<16xi1>, vector<16xi32>
        %sub3A_650 = vector.broadcast %reduce_min3A_232 : i32 to vector<16xi32>
        %sub3A_651 = arith.subi %unique3A_649, %sub3A_650 : vector<16xi32>
        %gather3A = tpu.vector_load_idx %arg12[%sub3A_645] : memref<8192xi32, #tpu.memory_space<vmem>>[vector<16xi32>], vector<16xi32>,
        %add3A_652 = arith.addi %gather3A, %sub3A_651 : vector<16xi32>
        tpu.vector_store_idx %arg8[%add3A_652], %get3A_634 : memref<20480xi32, #tpu.memory_space<vmem>>[vector<16xi32>], vector<16xi32>,
        tpu.vector_store_idx %arg9[%add3A_652], %get3A_638 : memref<20480xi32, #tpu.memory_space<vmem>>[vector<16xi32>], vector<16xi32>,
        %add3A_653 = arith.constant 1 : i32
        %add3A_654 = vector.broadcast %add3A_653 : i32 to vector<16xi32>
        %add3A_655 = arith.addi %add3A_652, %add3A_654 : vector<16xi32>
        tpu.vector_store_idx %arg12[%sub3A_645], %add3A_655 masked %unique3A_648 : memref<8192xi32, #tpu.memory_space<vmem>>[vector<16xi32>], vector<16xi32>, vector<16xi1>
        %while3A_656 = arith.constant 0 : i32
        scf.yield %while3A_656 : i32
      }
      %while3A_525 = arith.constant 1 : i32
      %while3A_526 = scf.for %while3A_630 = %while3A_522 to %while3A_518 step %while3A_525 iter_args(%while3A_631 = %while3A_524) -> (i32)  : i32 {
        %mul3A_632 = arith.constant 16 : i32
        %mul3A_633 = arith.muli %while3A_630, %mul3A_632 : i32
        %get3A = arith.index_cast %mul3A_633 : i32 to index
        %get3A_634 = tpu.vector_load %arg10[%get3A] {strides = array<i32>} : memref<20496xi32, #tpu.memory_space<vmem>>, vector<16xi32>,
        %mul3A_635 = arith.constant 16 : i32
        %mul3A_636 = arith.muli %while3A_630, %mul3A_635 : i32
        %get3A_637 = arith.index_cast %mul3A_636 : i32 to index
        %get3A_638 = tpu.vector_load %arg11[%get3A_637] {strides = array<i32>} : memref<20496xi32, #tpu.memory_space<vmem>>, vector<16xi32>,
        %shift_right_arithmetic3A_639 = arith.constant 0 : i32
        %shift_right_arithmetic3A_640 = vector.broadcast %shift_right_arithmetic3A_639 : i32 to vector<16xi32>
        %shift_right_arithmetic3A_641 = arith.shrsi %get3A_634, %shift_right_arithmetic3A_640 : vector<16xi32>
        %and3A = arith.constant 511 : i32
        %and3A_642 = vector.broadcast %and3A : i32 to vector<16xi32>
        %and3A_643 = arith.andi %shift_right_arithmetic3A_641, %and3A_642 : vector<16xi32>
        %sub3A = arith.constant 511 : i32
        %sub3A_644 = vector.broadcast %sub3A : i32 to vector<16xi32>
        %sub3A_645 = arith.subi %sub3A_644, %and3A_643 : vector<16xi32>
        %broadcast_in_dim3A_646 = arith.constant true
        %broadcast_in_dim3A_647 = vector.broadcast %broadcast_in_dim3A_646 : i1 to vector<16xi1>
        %unique3A_648, %unique3A_649 = tpu.scan_count mask(%broadcast_in_dim3A_647 : vector<16xi1>) value(%sub3A_645 : vector<16xi32>) : vector<16xi1>, vector<16xi32>
        %sub3A_650 = vector.broadcast %reduce_min3A_232 : i32 to vector<16xi32>
        %sub3A_651 = arith.subi %unique3A_649, %sub3A_650 : vector<16xi32>
        %gather3A = tpu.vector_load_idx %arg12[%sub3A_645] : memref<8192xi32, #tpu.memory_space<vmem>>[vector<16xi32>], vector<16xi32>,
        %add3A_652 = arith.addi %gather3A, %sub3A_651 : vector<16xi32>
        tpu.vector_store_idx %arg8[%add3A_652], %get3A_634 : memref<20480xi32, #tpu.memory_space<vmem>>[vector<16xi32>], vector<16xi32>,
        tpu.vector_store_idx %arg9[%add3A_652], %get3A_638 : memref<20480xi32, #tpu.memory_space<vmem>>[vector<16xi32>], vector<16xi32>,
        %add3A_653 = arith.constant 1 : i32
        %add3A_654 = vector.broadcast %add3A_653 : i32 to vector<16xi32>
        %add3A_655 = arith.addi %add3A_652, %add3A_654 : vector<16xi32>
        tpu.vector_store_idx %arg12[%sub3A_645], %add3A_655 masked %unique3A_648 : memref<8192xi32, #tpu.memory_space<vmem>>[vector<16xi32>], vector<16xi32>, vector<16xi1>
        %while3A_656 = arith.constant 0 : i32
        scf.yield %while3A_656 : i32
      }
      %scan3A_527 = arith.constant 0 : i32
      %scan3A_528 = arith.constant 0 : i32
      %scan3A_529 = arith.constant 32 : i32
      %scan3A_530 = arith.addi %scan3A_528, %scan3A_529 : i32
      %scan3A_531 = arith.constant 1 : i32
      %scan3A_532 = scf.for %scan3A_630 = %scan3A_528 to %scan3A_530 step %scan3A_531 iter_args(%scan3A_631 = %scan3A_527) -> (i32)  : i32 {
        %broadcast_in_dim3A_632 = arith.constant 0 : i32
        %broadcast_in_dim3A_633 = vector.broadcast %broadcast_in_dim3A_632 : i32 to vector<16xi32>
        %mul3A_634 = arith.constant 16 : i32
        %mul3A_635 = arith.muli %scan3A_630, %mul3A_634 : i32
        %swap3A_636 = arith.index_cast %mul3A_635 : i32 to index
        %swap3A_637 = tpu.vector_load %arg12[%swap3A_636] {strides = array<i32>} : memref<8192xi32, #tpu.memory_space<vmem>>, vector<16xi32>,
        tpu.vector_store %arg12[%swap3A_636], %broadcast_in_dim3A_633 {strides = array<i32>} : memref<8192xi32, #tpu.memory_space<vmem>>, vector<16xi32>,
        %scan3A_638 = arith.constant 0 : i32
        scf.yield %scan3A_638 : i32
      }
      %scan3A_533 = arith.constant 32 : i32
      %while3A_534 = arith.constant 0 : i32
      %while3A_535 = arith.constant 0 : i32
      %while3A_536 = arith.subi %shift_right_arithmetic3A_489, %while3A_534 : i32
      %while3A_537 = arith.addi %while3A_534, %while3A_536 : i32
      %while3A_538 = arith.constant 1 : i32
      %while3A_539 = arith.divsi %while3A_536, %while3A_538 : i32
      %while3A_540 = arith.muli %while3A_539, %while3A_538 : i32
      %while3A_541 = arith.addi %while3A_534, %while3A_540 : i32
      %while3A_542 = arith.constant 1 : i32
      %while3A_543 = scf.for %while3A_630 = %while3A_534 to %while3A_541 step %while3A_542 iter_args(%while3A_631 = %while3A_535) -> (i32)  : i32 {
        %mul3A_632 = arith.constant 16 : i32
        %mul3A_633 = arith.muli %while3A_630, %mul3A_632 : i32
        %get3A = arith.index_cast %mul3A_633 : i32 to index
        %get3A_634 = tpu.vector_load %arg8[%get3A] {strides = array<i32>} : memref<20480xi32, #tpu.memory_space<vmem>>, vector<16xi32>,
        %shift_right_arithmetic3A_635 = arith.constant 9 : i32
        %shift_right_arithmetic3A_636 = vector.broadcast %shift_right_arithmetic3A_635 : i32 to vector<16xi32>
        %shift_right_arithmetic3A_637 = arith.shrsi %get3A_634, %shift_right_arithmetic3A_636 : vector<16xi32>
        %and3A = arith.constant 511 : i32
        %and3A_638 = vector.broadcast %and3A : i32 to vector<16xi32>
        %and3A_639 = arith.andi %shift_right_arithmetic3A_637, %and3A_638 : vector<16xi32>
        %sub3A = arith.constant 511 : i32
        %sub3A_640 = vector.broadcast %sub3A : i32 to vector<16xi32>
        %sub3A_641 = arith.subi %sub3A_640, %and3A_639 : vector<16xi32>
        %broadcast_in_dim3A_642 = arith.constant true
        %broadcast_in_dim3A_643 = vector.broadcast %broadcast_in_dim3A_642 : i1 to vector<16xi1>
        %unique3A_644, %unique3A_645 = tpu.scan_count mask(%broadcast_in_dim3A_643 : vector<16xi1>) value(%sub3A_641 : vector<16xi32>) : vector<16xi1>, vector<16xi32>
        %sub3A_646 = vector.broadcast %reduce_min3A_232 : i32 to vector<16xi32>
        %sub3A_647 = arith.subi %unique3A_645, %sub3A_646 : vector<16xi32>
        %add3A_648 = arith.constant 1 : i32
        %add3A_649 = vector.broadcast %add3A_648 : i32 to vector<16xi32>
        %add3A_650 = arith.addi %sub3A_647, %add3A_649 : vector<16xi32>
        tpu.vector_store_idx %arg12[%sub3A_641], %add3A_650 masked %unique3A_644 {add = true} : memref<8192xi32, #tpu.memory_space<vmem>>[vector<16xi32>], vector<16xi32>, vector<16xi1>
        %while3A_651 = arith.constant 0 : i32
        scf.yield %while3A_651 : i32
      }
      %while3A_544 = arith.constant 1 : i32
      %while3A_545 = scf.for %while3A_630 = %while3A_541 to %while3A_537 step %while3A_544 iter_args(%while3A_631 = %while3A_543) -> (i32)  : i32 {
        %mul3A_632 = arith.constant 16 : i32
        %mul3A_633 = arith.muli %while3A_630, %mul3A_632 : i32
        %get3A = arith.index_cast %mul3A_633 : i32 to index
        %get3A_634 = tpu.vector_load %arg8[%get3A] {strides = array<i32>} : memref<20480xi32, #tpu.memory_space<vmem>>, vector<16xi32>,
        %shift_right_arithmetic3A_635 = arith.constant 9 : i32
        %shift_right_arithmetic3A_636 = vector.broadcast %shift_right_arithmetic3A_635 : i32 to vector<16xi32>
        %shift_right_arithmetic3A_637 = arith.shrsi %get3A_634, %shift_right_arithmetic3A_636 : vector<16xi32>
        %and3A = arith.constant 511 : i32
        %and3A_638 = vector.broadcast %and3A : i32 to vector<16xi32>
        %and3A_639 = arith.andi %shift_right_arithmetic3A_637, %and3A_638 : vector<16xi32>
        %sub3A = arith.constant 511 : i32
        %sub3A_640 = vector.broadcast %sub3A : i32 to vector<16xi32>
        %sub3A_641 = arith.subi %sub3A_640, %and3A_639 : vector<16xi32>
        %broadcast_in_dim3A_642 = arith.constant true
        %broadcast_in_dim3A_643 = vector.broadcast %broadcast_in_dim3A_642 : i1 to vector<16xi1>
        %unique3A_644, %unique3A_645 = tpu.scan_count mask(%broadcast_in_dim3A_643 : vector<16xi1>) value(%sub3A_641 : vector<16xi32>) : vector<16xi1>, vector<16xi32>
        %sub3A_646 = vector.broadcast %reduce_min3A_232 : i32 to vector<16xi32>
        %sub3A_647 = arith.subi %unique3A_645, %sub3A_646 : vector<16xi32>
        %add3A_648 = arith.constant 1 : i32
        %add3A_649 = vector.broadcast %add3A_648 : i32 to vector<16xi32>
        %add3A_650 = arith.addi %sub3A_647, %add3A_649 : vector<16xi32>
        tpu.vector_store_idx %arg12[%sub3A_641], %add3A_650 masked %unique3A_644 {add = true} : memref<8192xi32, #tpu.memory_space<vmem>>[vector<16xi32>], vector<16xi32>, vector<16xi1>
        %while3A_651 = arith.constant 0 : i32
        scf.yield %while3A_651 : i32
      }
      %scan3A_546 = arith.constant 0 : i32
      %scan3A_547 = arith.constant 0 : i32
      %scan3A_548 = arith.constant 32 : i32
      %scan3A_549 = arith.addi %scan3A_547, %scan3A_548 : i32
      %scan3A_550 = arith.constant 1 : i32
      %scan3A_551 = scf.for %scan3A_630 = %scan3A_547 to %scan3A_549 step %scan3A_550 iter_args(%scan3A_631 = %scan3A_546) -> (i32)  : i32 {
        %mul3A_632 = arith.constant 16 : i32
        %mul3A_633 = arith.muli %scan3A_630, %mul3A_632 : i32
        %get3A = arith.index_cast %mul3A_633 : i32 to index
        %get3A_634 = tpu.vector_load %arg12[%get3A] {strides = array<i32>} : memref<8192xi32, #tpu.memory_space<vmem>>, vector<16xi32>,
        %broadcast_in_dim3A_635 = arith.constant true
        %broadcast_in_dim3A_636 = vector.broadcast %broadcast_in_dim3A_635 : i1 to vector<16xi1>
        %masked_cumsum3A = tpu.scan <sum>, %get3A_634 masked %broadcast_in_dim3A_636 : vector<16xi32>, vector<16xi1> -> vector<16xi32>
        %sub3A = arith.subi %masked_cumsum3A, %get3A_634 : vector<16xi32>
        %add3A_637 = vector.broadcast %scan3A_631 : i32 to vector<16xi32>
        %add3A_638 = arith.addi %sub3A, %add3A_637 : vector<16xi32>
        %mul3A_639 = arith.constant 16 : i32
        %mul3A_640 = arith.muli %scan3A_630, %mul3A_639 : i32
        %swap3A_641 = arith.index_cast %mul3A_640 : i32 to index
        %swap3A_642 = tpu.vector_load %arg12[%swap3A_641] {strides = array<i32>} : memref<8192xi32, #tpu.memory_space<vmem>>, vector<16xi32>,
        tpu.vector_store %arg12[%swap3A_641], %add3A_638 {strides = array<i32>} : memref<8192xi32, #tpu.memory_space<vmem>>, vector<16xi32>,
        %reduce_max3A = arith.constant true
        %reduce_max3A_643 = vector.broadcast %reduce_max3A : i1 to vector<16xi1>
        %reduce_max3A_644 = arith.constant -2147483648 : i32
        %reduce_max3A_645 = vector.broadcast %reduce_max3A_644 : i32 to vector<16xi32>
        %reduce_max3A_646 = arith.xori %masked_cumsum3A, %reduce_max3A_645 : vector<16xi32>
        %reduce_max3A_647 = tpu.scan <max>, %reduce_max3A_646 masked %reduce_max3A_643 : vector<16xi32>, vector<16xi1> -> vector<16xi32>
        %reduce_max3A_648 = arith.xori %reduce_max3A_647, %reduce_max3A_645 : vector<16xi32>
        %reduce_max3A_649 = vector.extract %reduce_max3A_648[15] : i32 from vector<16xi32>
        %add3A_650 = arith.addi %scan3A_631, %reduce_max3A_649 : i32
        scf.yield %add3A_650 : i32
      }
      %scan3A_552 = arith.constant 32 : i32
      %while3A_553 = arith.constant 0 : i32
      %while3A_554 = arith.constant 0 : i32
      %while3A_555 = arith.subi %shift_right_arithmetic3A_489, %while3A_553 : i32
      %while3A_556 = arith.addi %while3A_553, %while3A_555 : i32
      %while3A_557 = arith.constant 1 : i32
      %while3A_558 = arith.divsi %while3A_555, %while3A_557 : i32
      %while3A_559 = arith.muli %while3A_558, %while3A_557 : i32
      %while3A_560 = arith.addi %while3A_553, %while3A_559 : i32
      %while3A_561 = arith.constant 1 : i32
      %while3A_562 = scf.for %while3A_630 = %while3A_553 to %while3A_560 step %while3A_561 iter_args(%while3A_631 = %while3A_554) -> (i32)  : i32 {
        %mul3A_632 = arith.constant 16 : i32
        %mul3A_633 = arith.muli %while3A_630, %mul3A_632 : i32
        %get3A = arith.index_cast %mul3A_633 : i32 to index
        %get3A_634 = tpu.vector_load %arg8[%get3A] {strides = array<i32>} : memref<20480xi32, #tpu.memory_space<vmem>>, vector<16xi32>,
        %mul3A_635 = arith.constant 16 : i32
        %mul3A_636 = arith.muli %while3A_630, %mul3A_635 : i32
        %get3A_637 = arith.index_cast %mul3A_636 : i32 to index
        %get3A_638 = tpu.vector_load %arg9[%get3A_637] {strides = array<i32>} : memref<20480xi32, #tpu.memory_space<vmem>>, vector<16xi32>,
        %shift_right_arithmetic3A_639 = arith.constant 9 : i32
        %shift_right_arithmetic3A_640 = vector.broadcast %shift_right_arithmetic3A_639 : i32 to vector<16xi32>
        %shift_right_arithmetic3A_641 = arith.shrsi %get3A_634, %shift_right_arithmetic3A_640 : vector<16xi32>
        %and3A = arith.constant 511 : i32
        %and3A_642 = vector.broadcast %and3A : i32 to vector<16xi32>
        %and3A_643 = arith.andi %shift_right_arithmetic3A_641, %and3A_642 : vector<16xi32>
        %sub3A = arith.constant 511 : i32
        %sub3A_644 = vector.broadcast %sub3A : i32 to vector<16xi32>
        %sub3A_645 = arith.subi %sub3A_644, %and3A_643 : vector<16xi32>
        %broadcast_in_dim3A_646 = arith.constant true
        %broadcast_in_dim3A_647 = vector.broadcast %broadcast_in_dim3A_646 : i1 to vector<16xi1>
        %unique3A_648, %unique3A_649 = tpu.scan_count mask(%broadcast_in_dim3A_647 : vector<16xi1>) value(%sub3A_645 : vector<16xi32>) : vector<16xi1>, vector<16xi32>
        %sub3A_650 = vector.broadcast %reduce_min3A_232 : i32 to vector<16xi32>
        %sub3A_651 = arith.subi %unique3A_649, %sub3A_650 : vector<16xi32>
        %gather3A = tpu.vector_load_idx %arg12[%sub3A_645] : memref<8192xi32, #tpu.memory_space<vmem>>[vector<16xi32>], vector<16xi32>,
        %add3A_652 = arith.addi %gather3A, %sub3A_651 : vector<16xi32>
        tpu.vector_store_idx %arg10[%add3A_652], %get3A_634 : memref<20496xi32, #tpu.memory_space<vmem>>[vector<16xi32>], vector<16xi32>,
        tpu.vector_store_idx %arg11[%add3A_652], %get3A_638 : memref<20496xi32, #tpu.memory_space<vmem>>[vector<16xi32>], vector<16xi32>,
        %add3A_653 = arith.constant 1 : i32
        %add3A_654 = vector.broadcast %add3A_653 : i32 to vector<16xi32>
        %add3A_655 = arith.addi %add3A_652, %add3A_654 : vector<16xi32>
        tpu.vector_store_idx %arg12[%sub3A_645], %add3A_655 masked %unique3A_648 : memref<8192xi32, #tpu.memory_space<vmem>>[vector<16xi32>], vector<16xi32>, vector<16xi1>
        %while3A_656 = arith.constant 0 : i32
        scf.yield %while3A_656 : i32
      }
      %while3A_563 = arith.constant 1 : i32
      %while3A_564 = scf.for %while3A_630 = %while3A_560 to %while3A_556 step %while3A_563 iter_args(%while3A_631 = %while3A_562) -> (i32)  : i32 {
        %mul3A_632 = arith.constant 16 : i32
        %mul3A_633 = arith.muli %while3A_630, %mul3A_632 : i32
        %get3A = arith.index_cast %mul3A_633 : i32 to index
        %get3A_634 = tpu.vector_load %arg8[%get3A] {strides = array<i32>} : memref<20480xi32, #tpu.memory_space<vmem>>, vector<16xi32>,
        %mul3A_635 = arith.constant 16 : i32
        %mul3A_636 = arith.muli %while3A_630, %mul3A_635 : i32
        %get3A_637 = arith.index_cast %mul3A_636 : i32 to index
        %get3A_638 = tpu.vector_load %arg9[%get3A_637] {strides = array<i32>} : memref<20480xi32, #tpu.memory_space<vmem>>, vector<16xi32>,
        %shift_right_arithmetic3A_639 = arith.constant 9 : i32
        %shift_right_arithmetic3A_640 = vector.broadcast %shift_right_arithmetic3A_639 : i32 to vector<16xi32>
        %shift_right_arithmetic3A_641 = arith.shrsi %get3A_634, %shift_right_arithmetic3A_640 : vector<16xi32>
        %and3A = arith.constant 511 : i32
        %and3A_642 = vector.broadcast %and3A : i32 to vector<16xi32>
        %and3A_643 = arith.andi %shift_right_arithmetic3A_641, %and3A_642 : vector<16xi32>
        %sub3A = arith.constant 511 : i32
        %sub3A_644 = vector.broadcast %sub3A : i32 to vector<16xi32>
        %sub3A_645 = arith.subi %sub3A_644, %and3A_643 : vector<16xi32>
        %broadcast_in_dim3A_646 = arith.constant true
        %broadcast_in_dim3A_647 = vector.broadcast %broadcast_in_dim3A_646 : i1 to vector<16xi1>
        %unique3A_648, %unique3A_649 = tpu.scan_count mask(%broadcast_in_dim3A_647 : vector<16xi1>) value(%sub3A_645 : vector<16xi32>) : vector<16xi1>, vector<16xi32>
        %sub3A_650 = vector.broadcast %reduce_min3A_232 : i32 to vector<16xi32>
        %sub3A_651 = arith.subi %unique3A_649, %sub3A_650 : vector<16xi32>
        %gather3A = tpu.vector_load_idx %arg12[%sub3A_645] : memref<8192xi32, #tpu.memory_space<vmem>>[vector<16xi32>], vector<16xi32>,
        %add3A_652 = arith.addi %gather3A, %sub3A_651 : vector<16xi32>
        tpu.vector_store_idx %arg10[%add3A_652], %get3A_634 : memref<20496xi32, #tpu.memory_space<vmem>>[vector<16xi32>], vector<16xi32>,
        tpu.vector_store_idx %arg11[%add3A_652], %get3A_638 : memref<20496xi32, #tpu.memory_space<vmem>>[vector<16xi32>], vector<16xi32>,
        %add3A_653 = arith.constant 1 : i32
        %add3A_654 = vector.broadcast %add3A_653 : i32 to vector<16xi32>
        %add3A_655 = arith.addi %add3A_652, %add3A_654 : vector<16xi32>
        tpu.vector_store_idx %arg12[%sub3A_645], %add3A_655 masked %unique3A_648 : memref<8192xi32, #tpu.memory_space<vmem>>[vector<16xi32>], vector<16xi32>, vector<16xi1>
        %while3A_656 = arith.constant 0 : i32
        scf.yield %while3A_656 : i32
      }
      %scan3A_565 = arith.constant 0 : i32
      %scan3A_566 = arith.constant 0 : i32
      %scan3A_567 = arith.constant 32 : i32
      %scan3A_568 = arith.addi %scan3A_566, %scan3A_567 : i32
      %scan3A_569 = arith.constant 1 : i32
      %scan3A_570 = scf.for %scan3A_630 = %scan3A_566 to %scan3A_568 step %scan3A_569 iter_args(%scan3A_631 = %scan3A_565) -> (i32)  : i32 {
        %broadcast_in_dim3A_632 = arith.constant 0 : i32
        %broadcast_in_dim3A_633 = vector.broadcast %broadcast_in_dim3A_632 : i32 to vector<16xi32>
        %mul3A_634 = arith.constant 16 : i32
        %mul3A_635 = arith.muli %scan3A_630, %mul3A_634 : i32
        %swap3A_636 = arith.index_cast %mul3A_635 : i32 to index
        %swap3A_637 = tpu.vector_load %arg12[%swap3A_636] {strides = array<i32>} : memref<8192xi32, #tpu.memory_space<vmem>>, vector<16xi32>,
        tpu.vector_store %arg12[%swap3A_636], %broadcast_in_dim3A_633 {strides = array<i32>} : memref<8192xi32, #tpu.memory_space<vmem>>, vector<16xi32>,
        %scan3A_638 = arith.constant 0 : i32
        scf.yield %scan3A_638 : i32
      }
      %scan3A_571 = arith.constant 32 : i32
      %while3A_572 = arith.constant 0 : i32
      %while3A_573 = arith.constant 0 : i32
      %while3A_574 = arith.subi %shift_right_arithmetic3A_489, %while3A_572 : i32
      %while3A_575 = arith.addi %while3A_572, %while3A_574 : i32
      %while3A_576 = arith.constant 1 : i32
      %while3A_577 = arith.divsi %while3A_574, %while3A_576 : i32
      %while3A_578 = arith.muli %while3A_577, %while3A_576 : i32
      %while3A_579 = arith.addi %while3A_572, %while3A_578 : i32
      %while3A_580 = arith.constant 1 : i32
      %while3A_581 = scf.for %while3A_630 = %while3A_572 to %while3A_579 step %while3A_580 iter_args(%while3A_631 = %while3A_573) -> (i32)  : i32 {
        %mul3A_632 = arith.constant 16 : i32
        %mul3A_633 = arith.muli %while3A_630, %mul3A_632 : i32
        %get3A = arith.index_cast %mul3A_633 : i32 to index
        %get3A_634 = tpu.vector_load %arg10[%get3A] {strides = array<i32>} : memref<20496xi32, #tpu.memory_space<vmem>>, vector<16xi32>,
        %shift_right_arithmetic3A_635 = arith.constant 18 : i32
        %shift_right_arithmetic3A_636 = vector.broadcast %shift_right_arithmetic3A_635 : i32 to vector<16xi32>
        %shift_right_arithmetic3A_637 = arith.shrsi %get3A_634, %shift_right_arithmetic3A_636 : vector<16xi32>
        %and3A = arith.constant 511 : i32
        %and3A_638 = vector.broadcast %and3A : i32 to vector<16xi32>
        %and3A_639 = arith.andi %shift_right_arithmetic3A_637, %and3A_638 : vector<16xi32>
        %sub3A = arith.constant 511 : i32
        %sub3A_640 = vector.broadcast %sub3A : i32 to vector<16xi32>
        %sub3A_641 = arith.subi %sub3A_640, %and3A_639 : vector<16xi32>
        %broadcast_in_dim3A_642 = arith.constant true
        %broadcast_in_dim3A_643 = vector.broadcast %broadcast_in_dim3A_642 : i1 to vector<16xi1>
        %unique3A_644, %unique3A_645 = tpu.scan_count mask(%broadcast_in_dim3A_643 : vector<16xi1>) value(%sub3A_641 : vector<16xi32>) : vector<16xi1>, vector<16xi32>
        %sub3A_646 = vector.broadcast %reduce_min3A_232 : i32 to vector<16xi32>
        %sub3A_647 = arith.subi %unique3A_645, %sub3A_646 : vector<16xi32>
        %add3A_648 = arith.constant 1 : i32
        %add3A_649 = vector.broadcast %add3A_648 : i32 to vector<16xi32>
        %add3A_650 = arith.addi %sub3A_647, %add3A_649 : vector<16xi32>
        tpu.vector_store_idx %arg12[%sub3A_641], %add3A_650 masked %unique3A_644 {add = true} : memref<8192xi32, #tpu.memory_space<vmem>>[vector<16xi32>], vector<16xi32>, vector<16xi1>
        %while3A_651 = arith.constant 0 : i32
        scf.yield %while3A_651 : i32
      }
      %while3A_582 = arith.constant 1 : i32
      %while3A_583 = scf.for %while3A_630 = %while3A_579 to %while3A_575 step %while3A_582 iter_args(%while3A_631 = %while3A_581) -> (i32)  : i32 {
        %mul3A_632 = arith.constant 16 : i32
        %mul3A_633 = arith.muli %while3A_630, %mul3A_632 : i32
        %get3A = arith.index_cast %mul3A_633 : i32 to index
        %get3A_634 = tpu.vector_load %arg10[%get3A] {strides = array<i32>} : memref<20496xi32, #tpu.memory_space<vmem>>, vector<16xi32>,
        %shift_right_arithmetic3A_635 = arith.constant 18 : i32
        %shift_right_arithmetic3A_636 = vector.broadcast %shift_right_arithmetic3A_635 : i32 to vector<16xi32>
        %shift_right_arithmetic3A_637 = arith.shrsi %get3A_634, %shift_right_arithmetic3A_636 : vector<16xi32>
        %and3A = arith.constant 511 : i32
        %and3A_638 = vector.broadcast %and3A : i32 to vector<16xi32>
        %and3A_639 = arith.andi %shift_right_arithmetic3A_637, %and3A_638 : vector<16xi32>
        %sub3A = arith.constant 511 : i32
        %sub3A_640 = vector.broadcast %sub3A : i32 to vector<16xi32>
        %sub3A_641 = arith.subi %sub3A_640, %and3A_639 : vector<16xi32>
        %broadcast_in_dim3A_642 = arith.constant true
        %broadcast_in_dim3A_643 = vector.broadcast %broadcast_in_dim3A_642 : i1 to vector<16xi1>
        %unique3A_644, %unique3A_645 = tpu.scan_count mask(%broadcast_in_dim3A_643 : vector<16xi1>) value(%sub3A_641 : vector<16xi32>) : vector<16xi1>, vector<16xi32>
        %sub3A_646 = vector.broadcast %reduce_min3A_232 : i32 to vector<16xi32>
        %sub3A_647 = arith.subi %unique3A_645, %sub3A_646 : vector<16xi32>
        %add3A_648 = arith.constant 1 : i32
        %add3A_649 = vector.broadcast %add3A_648 : i32 to vector<16xi32>
        %add3A_650 = arith.addi %sub3A_647, %add3A_649 : vector<16xi32>
        tpu.vector_store_idx %arg12[%sub3A_641], %add3A_650 masked %unique3A_644 {add = true} : memref<8192xi32, #tpu.memory_space<vmem>>[vector<16xi32>], vector<16xi32>, vector<16xi1>
        %while3A_651 = arith.constant 0 : i32
        scf.yield %while3A_651 : i32
      }
      %scan3A_584 = arith.constant 0 : i32
      %scan3A_585 = arith.constant 0 : i32
      %scan3A_586 = arith.constant 32 : i32
      %scan3A_587 = arith.addi %scan3A_585, %scan3A_586 : i32
      %scan3A_588 = arith.constant 1 : i32
      %scan3A_589 = scf.for %scan3A_630 = %scan3A_585 to %scan3A_587 step %scan3A_588 iter_args(%scan3A_631 = %scan3A_584) -> (i32)  : i32 {
        %mul3A_632 = arith.constant 16 : i32
        %mul3A_633 = arith.muli %scan3A_630, %mul3A_632 : i32
        %get3A = arith.index_cast %mul3A_633 : i32 to index
        %get3A_634 = tpu.vector_load %arg12[%get3A] {strides = array<i32>} : memref<8192xi32, #tpu.memory_space<vmem>>, vector<16xi32>,
        %broadcast_in_dim3A_635 = arith.constant true
        %broadcast_in_dim3A_636 = vector.broadcast %broadcast_in_dim3A_635 : i1 to vector<16xi1>
        %masked_cumsum3A = tpu.scan <sum>, %get3A_634 masked %broadcast_in_dim3A_636 : vector<16xi32>, vector<16xi1> -> vector<16xi32>
        %sub3A = arith.subi %masked_cumsum3A, %get3A_634 : vector<16xi32>
        %add3A_637 = vector.broadcast %scan3A_631 : i32 to vector<16xi32>
        %add3A_638 = arith.addi %sub3A, %add3A_637 : vector<16xi32>
        %mul3A_639 = arith.constant 16 : i32
        %mul3A_640 = arith.muli %scan3A_630, %mul3A_639 : i32
        %swap3A_641 = arith.index_cast %mul3A_640 : i32 to index
        %swap3A_642 = tpu.vector_load %arg12[%swap3A_641] {strides = array<i32>} : memref<8192xi32, #tpu.memory_space<vmem>>, vector<16xi32>,
        tpu.vector_store %arg12[%swap3A_641], %add3A_638 {strides = array<i32>} : memref<8192xi32, #tpu.memory_space<vmem>>, vector<16xi32>,
        %reduce_max3A = arith.constant true
        %reduce_max3A_643 = vector.broadcast %reduce_max3A : i1 to vector<16xi1>
        %reduce_max3A_644 = arith.constant -2147483648 : i32
        %reduce_max3A_645 = vector.broadcast %reduce_max3A_644 : i32 to vector<16xi32>
        %reduce_max3A_646 = arith.xori %masked_cumsum3A, %reduce_max3A_645 : vector<16xi32>
        %reduce_max3A_647 = tpu.scan <max>, %reduce_max3A_646 masked %reduce_max3A_643 : vector<16xi32>, vector<16xi1> -> vector<16xi32>
        %reduce_max3A_648 = arith.xori %reduce_max3A_647, %reduce_max3A_645 : vector<16xi32>
        %reduce_max3A_649 = vector.extract %reduce_max3A_648[15] : i32 from vector<16xi32>
        %add3A_650 = arith.addi %scan3A_631, %reduce_max3A_649 : i32
        scf.yield %add3A_650 : i32
      }
      %scan3A_590 = arith.constant 32 : i32
      %while3A_591 = arith.constant 0 : i32
      %while3A_592 = arith.constant 0 : i32
      %while3A_593 = arith.subi %shift_right_arithmetic3A_489, %while3A_591 : i32
      %while3A_594 = arith.addi %while3A_591, %while3A_593 : i32
      %while3A_595 = arith.constant 1 : i32
      %while3A_596 = arith.divsi %while3A_593, %while3A_595 : i32
      %while3A_597 = arith.muli %while3A_596, %while3A_595 : i32
      %while3A_598 = arith.addi %while3A_591, %while3A_597 : i32
      %while3A_599 = arith.constant 1 : i32
      %while3A_600 = scf.for %while3A_630 = %while3A_591 to %while3A_598 step %while3A_599 iter_args(%while3A_631 = %while3A_592) -> (i32)  : i32 {
        %mul3A_632 = arith.constant 16 : i32
        %mul3A_633 = arith.muli %while3A_630, %mul3A_632 : i32
        %get3A = arith.index_cast %mul3A_633 : i32 to index
        %get3A_634 = tpu.vector_load %arg10[%get3A] {strides = array<i32>} : memref<20496xi32, #tpu.memory_space<vmem>>, vector<16xi32>,
        %mul3A_635 = arith.constant 16 : i32
        %mul3A_636 = arith.muli %while3A_630, %mul3A_635 : i32
        %get3A_637 = arith.index_cast %mul3A_636 : i32 to index
        %get3A_638 = tpu.vector_load %arg11[%get3A_637] {strides = array<i32>} : memref<20496xi32, #tpu.memory_space<vmem>>, vector<16xi32>,
        %shift_right_arithmetic3A_639 = arith.constant 18 : i32
        %shift_right_arithmetic3A_640 = vector.broadcast %shift_right_arithmetic3A_639 : i32 to vector<16xi32>
        %shift_right_arithmetic3A_641 = arith.shrsi %get3A_634, %shift_right_arithmetic3A_640 : vector<16xi32>
        %and3A = arith.constant 511 : i32
        %and3A_642 = vector.broadcast %and3A : i32 to vector<16xi32>
        %and3A_643 = arith.andi %shift_right_arithmetic3A_641, %and3A_642 : vector<16xi32>
        %sub3A = arith.constant 511 : i32
        %sub3A_644 = vector.broadcast %sub3A : i32 to vector<16xi32>
        %sub3A_645 = arith.subi %sub3A_644, %and3A_643 : vector<16xi32>
        %broadcast_in_dim3A_646 = arith.constant true
        %broadcast_in_dim3A_647 = vector.broadcast %broadcast_in_dim3A_646 : i1 to vector<16xi1>
        %unique3A_648, %unique3A_649 = tpu.scan_count mask(%broadcast_in_dim3A_647 : vector<16xi1>) value(%sub3A_645 : vector<16xi32>) : vector<16xi1>, vector<16xi32>
        %sub3A_650 = vector.broadcast %reduce_min3A_232 : i32 to vector<16xi32>
        %sub3A_651 = arith.subi %unique3A_649, %sub3A_650 : vector<16xi32>
        %gather3A = tpu.vector_load_idx %arg12[%sub3A_645] : memref<8192xi32, #tpu.memory_space<vmem>>[vector<16xi32>], vector<16xi32>,
        %add3A_652 = arith.addi %gather3A, %sub3A_651 : vector<16xi32>
        tpu.vector_store_idx %arg8[%add3A_652], %get3A_634 : memref<20480xi32, #tpu.memory_space<vmem>>[vector<16xi32>], vector<16xi32>,
        tpu.vector_store_idx %arg9[%add3A_652], %get3A_638 : memref<20480xi32, #tpu.memory_space<vmem>>[vector<16xi32>], vector<16xi32>,
        %add3A_653 = arith.constant 1 : i32
        %add3A_654 = vector.broadcast %add3A_653 : i32 to vector<16xi32>
        %add3A_655 = arith.addi %add3A_652, %add3A_654 : vector<16xi32>
        tpu.vector_store_idx %arg12[%sub3A_645], %add3A_655 masked %unique3A_648 : memref<8192xi32, #tpu.memory_space<vmem>>[vector<16xi32>], vector<16xi32>, vector<16xi1>
        %while3A_656 = arith.constant 0 : i32
        scf.yield %while3A_656 : i32
      }
      %while3A_601 = arith.constant 1 : i32
      %while3A_602 = scf.for %while3A_630 = %while3A_598 to %while3A_594 step %while3A_601 iter_args(%while3A_631 = %while3A_600) -> (i32)  : i32 {
        %mul3A_632 = arith.constant 16 : i32
        %mul3A_633 = arith.muli %while3A_630, %mul3A_632 : i32
        %get3A = arith.index_cast %mul3A_633 : i32 to index
        %get3A_634 = tpu.vector_load %arg10[%get3A] {strides = array<i32>} : memref<20496xi32, #tpu.memory_space<vmem>>, vector<16xi32>,
        %mul3A_635 = arith.constant 16 : i32
        %mul3A_636 = arith.muli %while3A_630, %mul3A_635 : i32
        %get3A_637 = arith.index_cast %mul3A_636 : i32 to index
        %get3A_638 = tpu.vector_load %arg11[%get3A_637] {strides = array<i32>} : memref<20496xi32, #tpu.memory_space<vmem>>, vector<16xi32>,
        %shift_right_arithmetic3A_639 = arith.constant 18 : i32
        %shift_right_arithmetic3A_640 = vector.broadcast %shift_right_arithmetic3A_639 : i32 to vector<16xi32>
        %shift_right_arithmetic3A_641 = arith.shrsi %get3A_634, %shift_right_arithmetic3A_640 : vector<16xi32>
        %and3A = arith.constant 511 : i32
        %and3A_642 = vector.broadcast %and3A : i32 to vector<16xi32>
        %and3A_643 = arith.andi %shift_right_arithmetic3A_641, %and3A_642 : vector<16xi32>
        %sub3A = arith.constant 511 : i32
        %sub3A_644 = vector.broadcast %sub3A : i32 to vector<16xi32>
        %sub3A_645 = arith.subi %sub3A_644, %and3A_643 : vector<16xi32>
        %broadcast_in_dim3A_646 = arith.constant true
        %broadcast_in_dim3A_647 = vector.broadcast %broadcast_in_dim3A_646 : i1 to vector<16xi1>
        %unique3A_648, %unique3A_649 = tpu.scan_count mask(%broadcast_in_dim3A_647 : vector<16xi1>) value(%sub3A_645 : vector<16xi32>) : vector<16xi1>, vector<16xi32>
        %sub3A_650 = vector.broadcast %reduce_min3A_232 : i32 to vector<16xi32>
        %sub3A_651 = arith.subi %unique3A_649, %sub3A_650 : vector<16xi32>
        %gather3A = tpu.vector_load_idx %arg12[%sub3A_645] : memref<8192xi32, #tpu.memory_space<vmem>>[vector<16xi32>], vector<16xi32>,
        %add3A_652 = arith.addi %gather3A, %sub3A_651 : vector<16xi32>
        tpu.vector_store_idx %arg8[%add3A_652], %get3A_634 : memref<20480xi32, #tpu.memory_space<vmem>>[vector<16xi32>], vector<16xi32>,
        tpu.vector_store_idx %arg9[%add3A_652], %get3A_638 : memref<20480xi32, #tpu.memory_space<vmem>>[vector<16xi32>], vector<16xi32>,
        %add3A_653 = arith.constant 1 : i32
        %add3A_654 = vector.broadcast %add3A_653 : i32 to vector<16xi32>
        %add3A_655 = arith.addi %add3A_652, %add3A_654 : vector<16xi32>
        tpu.vector_store_idx %arg12[%sub3A_645], %add3A_655 masked %unique3A_648 : memref<8192xi32, #tpu.memory_space<vmem>>[vector<16xi32>], vector<16xi32>, vector<16xi1>
        %while3A_656 = arith.constant 0 : i32
        scf.yield %while3A_656 : i32
      }
      %scan3A_603 = arith.constant 0 : i32
      %scan3A_604 = arith.constant 0 : i32
      %scan3A_605 = arith.constant 125 : i32
      %scan3A_606 = arith.addi %scan3A_604, %scan3A_605 : i32
      %scan3A_607 = arith.constant 1 : i32
      %scan3A_608 = scf.for %scan3A_630 = %scan3A_604 to %scan3A_606 step %scan3A_607 iter_args(%scan3A_631 = %scan3A_603) -> (i32)  : i32 {
        %mul3A_632 = arith.constant 16 : i32
        %mul3A_633 = arith.muli %scan3A_630, %mul3A_632 : i32
        %get3A = arith.index_cast %mul3A_633 : i32 to index
        %get3A_634 = tpu.vector_load %arg8[%get3A] {strides = array<i32>} : memref<20480xi32, #tpu.memory_space<vmem>>, vector<16xi32>,
        %mul3A_635 = arith.constant 16 : i32
        %mul3A_636 = arith.muli %scan3A_630, %mul3A_635 : i32
        %get3A_637 = arith.index_cast %mul3A_636 : i32 to index
        %get3A_638 = tpu.vector_load %arg9[%get3A_637] {strides = array<i32>} : memref<20480xi32, #tpu.memory_space<vmem>>, vector<16xi32>,
        %gt3A = arith.constant 0 : i32
        %gt3A_639 = vector.broadcast %gt3A : i32 to vector<16xi32>
        %gt3A_640 = arith.cmpi sgt, %get3A_634, %gt3A_639 : vector<16xi32>
        %add3A_641 = arith.constant 1028443341 : i32
        %add3A_642 = vector.broadcast %add3A_641 : i32 to vector<16xi32>
        %add3A_643 = arith.addi %get3A_634, %add3A_642 : vector<16xi32>
        %bitcast3A = vector.bitcast %add3A_643 : vector<16xi32> to vector<16xf32>
        %jit3A = arith.constant -1.000000e+00 : f32
        %broadcast_in_dim3A_644 = vector.broadcast %jit3A : f32 to vector<16xf32>
        %select_n3A = arith.select %gt3A_640, %bitcast3A, %broadcast_in_dim3A_644 : vector<16xi1>, vector<16xf32>
        %mul3A_645 = arith.constant 16 : i32
        %mul3A_646 = arith.muli %scan3A_630, %mul3A_645 : i32
        %swap3A_647 = arith.index_cast %mul3A_646 : i32 to index
        %swap3A_648 = tpu.vector_load %arg14[%swap3A_647] {strides = array<i32>} : memref<2000xf32, #tpu.memory_space<vmem>>, vector<16xf32>,
        tpu.vector_store %arg14[%swap3A_647], %select_n3A {strides = array<i32>} : memref<2000xf32, #tpu.memory_space<vmem>>, vector<16xf32>,
        %and3A = arith.constant 127 : i32
        %and3A_649 = vector.broadcast %and3A : i32 to vector<16xi32>
        %and3A_650 = arith.andi %get3A_638, %and3A_649 : vector<16xi32>
        %jit3A_651 = arith.constant -1 : i32
        %broadcast_in_dim3A_652 = vector.broadcast %jit3A_651 : i32 to vector<16xi32>
        %select_n3A_653 = arith.select %gt3A_640, %and3A_650, %broadcast_in_dim3A_652 : vector<16xi1>, vector<16xi32>
        %mul3A_654 = arith.constant 16 : i32
        %mul3A_655 = arith.muli %scan3A_630, %mul3A_654 : i32
        %swap3A_656 = arith.index_cast %mul3A_655 : i32 to index
        %swap3A_657 = tpu.vector_load %arg15[%swap3A_656] {strides = array<i32>} : memref<2000xi32, #tpu.memory_space<vmem>>, vector<16xi32>,
        tpu.vector_store %arg15[%swap3A_656], %select_n3A_653 {strides = array<i32>} : memref<2000xi32, #tpu.memory_space<vmem>>, vector<16xi32>,
        %shift_right_arithmetic3A_658 = arith.constant 7 : i32
        %shift_right_arithmetic3A_659 = vector.broadcast %shift_right_arithmetic3A_658 : i32 to vector<16xi32>
        %shift_right_arithmetic3A_660 = arith.shrsi %get3A_638, %shift_right_arithmetic3A_659 : vector<16xi32>
        %jit3A_661 = arith.constant 0 : i32
        %broadcast_in_dim3A_662 = vector.broadcast %jit3A_661 : i32 to vector<16xi32>
        %select_n3A_663 = arith.select %gt3A_640, %shift_right_arithmetic3A_660, %broadcast_in_dim3A_662 : vector<16xi1>, vector<16xi32>
        %shift_right_arithmetic3A_664 = arith.constant 11 : i32
        %shift_right_arithmetic3A_665 = vector.broadcast %shift_right_arithmetic3A_664 : i32 to vector<16xi32>
        %shift_right_arithmetic3A_666 = arith.shrsi %select_n3A_663, %shift_right_arithmetic3A_665 : vector<16xi32>
        %shift_left3A = arith.constant 17 : i32
        %shift_left3A_667 = vector.broadcast %shift_left3A : i32 to vector<16xi32>
        %shift_left3A_668 = arith.shli %shift_right_arithmetic3A_666, %shift_left3A_667 : vector<16xi32>
        %shift_left3A_669 = arith.constant 14 : i32
        %shift_left3A_670 = arith.shli %add3A, %shift_left3A_669 : i32
        %add3A_671 = vector.broadcast %shift_left3A_670 : i32 to vector<16xi32>
        %add3A_672 = arith.addi %shift_left3A_668, %add3A_671 : vector<16xi32>
        %and3A_673 = arith.constant 2047 : i32
        %and3A_674 = vector.broadcast %and3A_673 : i32 to vector<16xi32>
        %and3A_675 = arith.andi %select_n3A_663, %and3A_674 : vector<16xi32>
        %add3A_676 = arith.addi %add3A_672, %and3A_675 : vector<16xi32>
        %mul3A_677 = arith.constant 16 : i32
        %mul3A_678 = arith.muli %scan3A_630, %mul3A_677 : i32
        %iota3A = tpu.iota {dimensions = array<i32: 0>} : vector<16xi32>
        %add3A_679 = vector.broadcast %mul3A_678 : i32 to vector<16xi32>
        %add3A_680 = arith.addi %add3A_679, %iota3A : vector<16xi32>
        %mul3A_681 = arith.constant 6 : i32
        %mul3A_682 = vector.broadcast %mul3A_681 : i32 to vector<16xi32>
        %mul3A_683 = arith.muli %add3A_680, %mul3A_682 : vector<16xi32>
        %add3A_684 = arith.constant 0 : i32
        %add3A_685 = vector.broadcast %add3A_684 : i32 to vector<16xi32>
        %add3A_686 = arith.addi %mul3A_683, %add3A_685 : vector<16xi32>
        %add3A_687 = arith.constant 0 : i32
        %add3A_688 = vector.broadcast %add3A_687 : i32 to vector<16xi32>
        %add3A_689 = arith.addi %add3A_676, %add3A_688 : vector<16xi32>
        tpu.vector_store_idx %arg13[%add3A_686], %add3A_689 : memref<12000xi32, #tpu.memory_space<vmem>>[vector<16xi32>], vector<16xi32>,
        %add3A_690 = arith.constant 1 : i32
        %add3A_691 = vector.broadcast %add3A_690 : i32 to vector<16xi32>
        %add3A_692 = arith.addi %mul3A_683, %add3A_691 : vector<16xi32>
        %add3A_693 = arith.constant 2048 : i32
        %add3A_694 = vector.broadcast %add3A_693 : i32 to vector<16xi32>
        %add3A_695 = arith.addi %add3A_676, %add3A_694 : vector<16xi32>
        tpu.vector_store_idx %arg13[%add3A_692], %add3A_695 : memref<12000xi32, #tpu.memory_space<vmem>>[vector<16xi32>], vector<16xi32>,
        %add3A_696 = arith.constant 2 : i32
        %add3A_697 = vector.broadcast %add3A_696 : i32 to vector<16xi32>
        %add3A_698 = arith.addi %mul3A_683, %add3A_697 : vector<16xi32>
        %add3A_699 = arith.constant 4096 : i32
        %add3A_700 = vector.broadcast %add3A_699 : i32 to vector<16xi32>
        %add3A_701 = arith.addi %add3A_676, %add3A_700 : vector<16xi32>
        tpu.vector_store_idx %arg13[%add3A_698], %add3A_701 : memref<12000xi32, #tpu.memory_space<vmem>>[vector<16xi32>], vector<16xi32>,
        %add3A_702 = arith.constant 3 : i32
        %add3A_703 = vector.broadcast %add3A_702 : i32 to vector<16xi32>
        %add3A_704 = arith.addi %mul3A_683, %add3A_703 : vector<16xi32>
        %add3A_705 = arith.constant 6144 : i32
        %add3A_706 = vector.broadcast %add3A_705 : i32 to vector<16xi32>
        %add3A_707 = arith.addi %add3A_676, %add3A_706 : vector<16xi32>
        tpu.vector_store_idx %arg13[%add3A_704], %add3A_707 : memref<12000xi32, #tpu.memory_space<vmem>>[vector<16xi32>], vector<16xi32>,
        %add3A_708 = arith.constant 4 : i32
        %add3A_709 = vector.broadcast %add3A_708 : i32 to vector<16xi32>
        %add3A_710 = arith.addi %mul3A_683, %add3A_709 : vector<16xi32>
        %add3A_711 = arith.constant 8192 : i32
        %add3A_712 = vector.broadcast %add3A_711 : i32 to vector<16xi32>
        %add3A_713 = arith.addi %add3A_676, %add3A_712 : vector<16xi32>
        tpu.vector_store_idx %arg13[%add3A_710], %add3A_713 : memref<12000xi32, #tpu.memory_space<vmem>>[vector<16xi32>], vector<16xi32>,
        %add3A_714 = arith.constant 5 : i32
        %add3A_715 = vector.broadcast %add3A_714 : i32 to vector<16xi32>
        %add3A_716 = arith.addi %mul3A_683, %add3A_715 : vector<16xi32>
        %add3A_717 = arith.constant 10240 : i32
        %add3A_718 = vector.broadcast %add3A_717 : i32 to vector<16xi32>
        %add3A_719 = arith.addi %add3A_676, %add3A_718 : vector<16xi32>
        tpu.vector_store_idx %arg13[%add3A_716], %add3A_719 : memref<12000xi32, #tpu.memory_space<vmem>>[vector<16xi32>], vector<16xi32>,
        %all_reduce_population_count3A = tpu.all_reduce %gt3A_640 {dim = 0 : i64, kind = #tpu.reduction_kind<sum>} : vector<16xi1> -> vector<16xi32>
        %reduce_max3A = arith.constant true
        %reduce_max3A_720 = vector.broadcast %reduce_max3A : i1 to vector<16xi1>
        %reduce_max3A_721 = arith.constant -2147483648 : i32
        %reduce_max3A_722 = vector.broadcast %reduce_max3A_721 : i32 to vector<16xi32>
        %reduce_max3A_723 = arith.xori %all_reduce_population_count3A, %reduce_max3A_722 : vector<16xi32>
        %reduce_max3A_724 = tpu.scan <max>, %reduce_max3A_723 masked %reduce_max3A_720 : vector<16xi32>, vector<16xi1> -> vector<16xi32>
        %reduce_max3A_725 = arith.xori %reduce_max3A_724, %reduce_max3A_722 : vector<16xi32>
        %reduce_max3A_726 = vector.extract %reduce_max3A_725[15] : i32 from vector<16xi32>
        %add3A_727 = arith.addi %scan3A_631, %reduce_max3A_726 : i32
        scf.yield %add3A_727 : i32
      }
      %scan3A_609 = arith.constant 125 : i32
      "tpu.region"() ({
        %run_scoped3A = tpu.sem_alloc : memref<!tpu.dma_semaphore, #tpu.memory_space<semaphore_mem>>
        %dma_start3A_630 = arith.constant 0 : i32
        %dma_start3A_631 = tpu.memref_slice %arg6[%add3A, %dma_start3A_630] : memref<8x2000xf32, #tpu.memory_space<hbm>> -> memref<1x2000xf32, #tpu.memory_space<hbm>>
        %dma_start3A_632 = tpu.memref_squeeze %dma_start3A_631 : memref<1x2000xf32, #tpu.memory_space<hbm>> -> memref<2000xf32, #tpu.memory_space<hbm>>
        %dma_start3A_633 = arith.constant 0 : i32
        %dma_start3A_634 = tpu.memref_slice %arg6[%add3A, %dma_start3A_633] : memref<8x2000xf32, #tpu.memory_space<hbm>> -> memref<1x2000xf32, #tpu.memory_space<hbm>>
        %dma_start3A_635 = tpu.memref_squeeze %dma_start3A_634 : memref<1x2000xf32, #tpu.memory_space<hbm>> -> memref<2000xf32, #tpu.memory_space<hbm>>
        tpu.enqueue_dma source(%arg14 : memref<2000xf32, #tpu.memory_space<vmem>>) target(%dma_start3A_635 : memref<2000xf32, #tpu.memory_space<hbm>>) target_semaphore(%run_scoped3A : memref<!tpu.dma_semaphore, #tpu.memory_space<semaphore_mem>>)
        %dma_wait3A_636 = arith.constant 0 : i32
        %dma_wait3A_637 = tpu.memref_slice %arg6[%add3A, %dma_wait3A_636] : memref<8x2000xf32, #tpu.memory_space<hbm>> -> memref<1x2000xf32, #tpu.memory_space<hbm>>
        %dma_wait3A_638 = tpu.memref_squeeze %dma_wait3A_637 : memref<1x2000xf32, #tpu.memory_space<hbm>> -> memref<2000xf32, #tpu.memory_space<hbm>>
        %dma_wait3A_639 = arith.constant 0 : i32
        %dma_wait3A_640 = tpu.memref_slice %arg6[%add3A, %dma_wait3A_639] : memref<8x2000xf32, #tpu.memory_space<hbm>> -> memref<1x2000xf32, #tpu.memory_space<hbm>>
        %dma_wait3A_641 = tpu.memref_squeeze %dma_wait3A_640 : memref<1x2000xf32, #tpu.memory_space<hbm>> -> memref<2000xf32, #tpu.memory_space<hbm>>
        tpu.wait_dma2 semaphore(%run_scoped3A : memref<!tpu.dma_semaphore, #tpu.memory_space<semaphore_mem>>) src(%arg14 : memref<2000xf32, #tpu.memory_space<vmem>>) dst(%dma_wait3A_641 : memref<2000xf32, #tpu.memory_space<hbm>>)
        tpu.yield
      }) : () -> ()
      "tpu.region"() ({
        %run_scoped3A = tpu.sem_alloc : memref<!tpu.dma_semaphore, #tpu.memory_space<semaphore_mem>>
        %dma_start3A_630 = arith.constant 0 : i32
        %dma_start3A_631 = tpu.memref_slice %arg7[%add3A, %dma_start3A_630] : memref<8x2000xi32, #tpu.memory_space<hbm>> -> memref<1x2000xi32, #tpu.memory_space<hbm>>
        %dma_start3A_632 = tpu.memref_squeeze %dma_start3A_631 : memref<1x2000xi32, #tpu.memory_space<hbm>> -> memref<2000xi32, #tpu.memory_space<hbm>>
        %dma_start3A_633 = arith.constant 0 : i32
        %dma_start3A_634 = tpu.memref_slice %arg7[%add3A, %dma_start3A_633] : memref<8x2000xi32, #tpu.memory_space<hbm>> -> memref<1x2000xi32, #tpu.memory_space<hbm>>
        %dma_start3A_635 = tpu.memref_squeeze %dma_start3A_634 : memref<1x2000xi32, #tpu.memory_space<hbm>> -> memref<2000xi32, #tpu.memory_space<hbm>>
        tpu.enqueue_dma source(%arg15 : memref<2000xi32, #tpu.memory_space<vmem>>) target(%dma_start3A_635 : memref<2000xi32, #tpu.memory_space<hbm>>) target_semaphore(%run_scoped3A : memref<!tpu.dma_semaphore, #tpu.memory_space<semaphore_mem>>)
        %dma_wait3A_636 = arith.constant 0 : i32
        %dma_wait3A_637 = tpu.memref_slice %arg7[%add3A, %dma_wait3A_636] : memref<8x2000xi32, #tpu.memory_space<hbm>> -> memref<1x2000xi32, #tpu.memory_space<hbm>>
        %dma_wait3A_638 = tpu.memref_squeeze %dma_wait3A_637 : memref<1x2000xi32, #tpu.memory_space<hbm>> -> memref<2000xi32, #tpu.memory_space<hbm>>
        %dma_wait3A_639 = arith.constant 0 : i32
        %dma_wait3A_640 = tpu.memref_slice %arg7[%add3A, %dma_wait3A_639] : memref<8x2000xi32, #tpu.memory_space<hbm>> -> memref<1x2000xi32, #tpu.memory_space<hbm>>
        %dma_wait3A_641 = tpu.memref_squeeze %dma_wait3A_640 : memref<1x2000xi32, #tpu.memory_space<hbm>> -> memref<2000xi32, #tpu.memory_space<hbm>>
        tpu.wait_dma2 semaphore(%run_scoped3A : memref<!tpu.dma_semaphore, #tpu.memory_space<semaphore_mem>>) src(%arg15 : memref<2000xi32, #tpu.memory_space<vmem>>) dst(%dma_wait3A_641 : memref<2000xi32, #tpu.memory_space<hbm>>)
        tpu.yield
      }) : () -> ()
      %dma_start3A_610 = arith.constant 0 : i32
      %dma_start3A_611 = tpu.memref_slice %arg4[%dma_start3A_610] : memref<1310720xf32, #tpu.memory_space<hbm>> -> memref<1310720xf32, #tpu.memory_space<hbm>>
      tpu.enqueue_indirect_dma source(%dma_start3A_611 : memref<1310720xf32, #tpu.memory_space<hbm>>) target(%arg16 : memref<12000xf32, #tpu.memory_space<vmem>>) offsets(%arg13 : memref<12000xi32, #tpu.memory_space<vmem>>) semaphore(%arg17 : memref<!tpu.dma_semaphore, #tpu.memory_space<semaphore_mem>>)
      %dma_wait3A_612 = arith.constant 0 : i32
      %dma_wait3A_613 = tpu.memref_slice %arg4[%dma_wait3A_612] : memref<1310720xf32, #tpu.memory_space<hbm>> -> memref<1310720xf32, #tpu.memory_space<hbm>>
      tpu.wait_indirect_dma semaphore(%arg17 : memref<!tpu.dma_semaphore, #tpu.memory_space<semaphore_mem>>) src(%dma_wait3A_613 : memref<1310720xf32, #tpu.memory_space<hbm>>) dst(%arg16 : memref<12000xf32, #tpu.memory_space<vmem>>)
      %mul3A_614 = arith.constant 6 : i32
      %mul3A_615 = arith.muli %scan3A_608, %mul3A_614 : i32
      %shift_right_arithmetic3A_616 = arith.constant 4 : i32
      %shift_right_arithmetic3A_617 = arith.shrsi %mul3A_615, %shift_right_arithmetic3A_616 : i32
      %while3A_618 = arith.constant 750 : i32
      %while3A_619 = arith.constant 0 : i32
      %while3A_620 = arith.subi %while3A_618, %shift_right_arithmetic3A_617 : i32
      %while3A_621 = arith.addi %shift_right_arithmetic3A_617, %while3A_620 : i32
      %while3A_622 = arith.constant 1 : i32
      %while3A_623 = arith.divsi %while3A_620, %while3A_622 : i32
      %while3A_624 = arith.muli %while3A_623, %while3A_622 : i32
      %while3A_625 = arith.addi %shift_right_arithmetic3A_617, %while3A_624 : i32
      %while3A_626 = arith.constant 1 : i32
      %while3A_627 = scf.for %while3A_630 = %shift_right_arithmetic3A_617 to %while3A_625 step %while3A_626 iter_args(%while3A_631 = %while3A_619) -> (i32)  : i32 {
        %mul3A_632 = arith.constant 16 : i32
        %mul3A_633 = arith.muli %while3A_630, %mul3A_632 : i32
        %iota3A = tpu.iota {dimensions = array<i32: 0>} : vector<16xi32>
        %add3A_634 = vector.broadcast %mul3A_633 : i32 to vector<16xi32>
        %add3A_635 = arith.addi %add3A_634, %iota3A : vector<16xi32>
        %ge3A = vector.broadcast %mul3A_615 : i32 to vector<16xi32>
        %ge3A_636 = arith.cmpi sge, %add3A_635, %ge3A : vector<16xi32>
        %get3A = arith.index_cast %mul3A_633 : i32 to index
        %get3A_637 = tpu.vector_load %arg16[%get3A] {strides = array<i32>} : memref<12000xf32, #tpu.memory_space<vmem>>, vector<16xf32>,
        %jit3A = arith.constant -1.000000e+00 : f32
        %broadcast_in_dim3A_638 = vector.broadcast %jit3A : f32 to vector<16xf32>
        %select_n3A = arith.select %ge3A_636, %broadcast_in_dim3A_638, %get3A_637 : vector<16xi1>, vector<16xf32>
        %swap3A_639 = arith.index_cast %mul3A_633 : i32 to index
        %swap3A_640 = tpu.vector_load %arg16[%swap3A_639] {strides = array<i32>} : memref<12000xf32, #tpu.memory_space<vmem>>, vector<16xf32>,
        tpu.vector_store %arg16[%swap3A_639], %select_n3A {strides = array<i32>} : memref<12000xf32, #tpu.memory_space<vmem>>, vector<16xf32>,
        %while3A_641 = arith.constant 0 : i32
        scf.yield %while3A_641 : i32
      }
      %while3A_628 = arith.constant 1 : i32
      %while3A_629 = scf.for %while3A_630 = %while3A_625 to %while3A_621 step %while3A_628 iter_args(%while3A_631 = %while3A_627) -> (i32)  : i32 {
        %mul3A_632 = arith.constant 16 : i32
        %mul3A_633 = arith.muli %while3A_630, %mul3A_632 : i32
        %iota3A = tpu.iota {dimensions = array<i32: 0>} : vector<16xi32>
        %add3A_634 = vector.broadcast %mul3A_633 : i32 to vector<16xi32>
        %add3A_635 = arith.addi %add3A_634, %iota3A : vector<16xi32>
        %ge3A = vector.broadcast %mul3A_615 : i32 to vector<16xi32>
        %ge3A_636 = arith.cmpi sge, %add3A_635, %ge3A : vector<16xi32>
        %get3A = arith.index_cast %mul3A_633 : i32 to index
        %get3A_637 = tpu.vector_load %arg16[%get3A] {strides = array<i32>} : memref<12000xf32, #tpu.memory_space<vmem>>, vector<16xf32>,
        %jit3A = arith.constant -1.000000e+00 : f32
        %broadcast_in_dim3A_638 = vector.broadcast %jit3A : f32 to vector<16xf32>
        %select_n3A = arith.select %ge3A_636, %broadcast_in_dim3A_638, %get3A_637 : vector<16xi1>, vector<16xf32>
        %swap3A_639 = arith.index_cast %mul3A_633 : i32 to index
        %swap3A_640 = tpu.vector_load %arg16[%swap3A_639] {strides = array<i32>} : memref<12000xf32, #tpu.memory_space<vmem>>, vector<16xf32>,
        tpu.vector_store %arg16[%swap3A_639], %select_n3A {strides = array<i32>} : memref<12000xf32, #tpu.memory_space<vmem>>, vector<16xf32>,
        %while3A_641 = arith.constant 0 : i32
        scf.yield %while3A_641 : i32
      }
      "tpu.region"() ({
        %run_scoped3A = tpu.sem_alloc : memref<!tpu.dma_semaphore, #tpu.memory_space<semaphore_mem>>
        %dma_start3A_630 = arith.constant 0 : i32
        %dma_start3A_631 = tpu.memref_slice %arg5[%add3A, %dma_start3A_630] : memref<8x12000xf32, #tpu.memory_space<hbm>> -> memref<1x12000xf32, #tpu.memory_space<hbm>>
        %dma_start3A_632 = tpu.memref_squeeze %dma_start3A_631 : memref<1x12000xf32, #tpu.memory_space<hbm>> -> memref<12000xf32, #tpu.memory_space<hbm>>
        %dma_start3A_633 = arith.constant 0 : i32
        %dma_start3A_634 = tpu.memref_slice %arg5[%add3A, %dma_start3A_633] : memref<8x12000xf32, #tpu.memory_space<hbm>> -> memref<1x12000xf32, #tpu.memory_space<hbm>>
        %dma_start3A_635 = tpu.memref_squeeze %dma_start3A_634 : memref<1x12000xf32, #tpu.memory_space<hbm>> -> memref<12000xf32, #tpu.memory_space<hbm>>
        tpu.enqueue_dma source(%arg16 : memref<12000xf32, #tpu.memory_space<vmem>>) target(%dma_start3A_635 : memref<12000xf32, #tpu.memory_space<hbm>>) target_semaphore(%run_scoped3A : memref<!tpu.dma_semaphore, #tpu.memory_space<semaphore_mem>>)
        %dma_wait3A_636 = arith.constant 0 : i32
        %dma_wait3A_637 = tpu.memref_slice %arg5[%add3A, %dma_wait3A_636] : memref<8x12000xf32, #tpu.memory_space<hbm>> -> memref<1x12000xf32, #tpu.memory_space<hbm>>
        %dma_wait3A_638 = tpu.memref_squeeze %dma_wait3A_637 : memref<1x12000xf32, #tpu.memory_space<hbm>> -> memref<12000xf32, #tpu.memory_space<hbm>>
        %dma_wait3A_639 = arith.constant 0 : i32
        %dma_wait3A_640 = tpu.memref_slice %arg5[%add3A, %dma_wait3A_639] : memref<8x12000xf32, #tpu.memory_space<hbm>> -> memref<1x12000xf32, #tpu.memory_space<hbm>>
        %dma_wait3A_641 = tpu.memref_squeeze %dma_wait3A_640 : memref<1x12000xf32, #tpu.memory_space<hbm>> -> memref<12000xf32, #tpu.memory_space<hbm>>
        tpu.wait_dma2 semaphore(%run_scoped3A : memref<!tpu.dma_semaphore, #tpu.memory_space<semaphore_mem>>) src(%arg16 : memref<12000xf32, #tpu.memory_space<vmem>>) dst(%dma_wait3A_641 : memref<12000xf32, #tpu.memory_space<hbm>>)
        tpu.yield
      }) : () -> ()
    } else {
    }
    return
  }
}

module attributes {stable_mosaic.version = 14 : i64} {
  func.func @_tc_body(%arg0: i32, %arg1: memref<8x2000x80xf32, #tpu.memory_space<vmem>>, %arg2: memref<8x2000x6xf32, #tpu.memory_space<vmem>>, %arg3: memref<1x8x2048xi32, #tpu.memory_space<vmem>>, %arg4: memref<1x8x2048xi32, #tpu.memory_space<vmem>>, %arg5: memref<1x8x8x2048xf32, #tpu.memory_space<vmem>>) attributes {dimension_semantics = [#tpu.dimension_semantics<arbitrary>], iteration_bounds = array<i64: 10>, scalar_prefetch = 0 : i64, scratch_operands = 0 : i64, tpu.core_type = #tpu.core_type<tc>, window_params = [{transform_indices = @transform_0, window_bounds = array<i64: 8, 2000, 80>}, {transform_indices = @transform_1, window_bounds = array<i64: 8, 2000, 6>}, {transform_indices = @transform_2, window_bounds = array<i64: 1, 8, 2048>}, {transform_indices = @transform_3, window_bounds = array<i64: 1, 8, 2048>}, {transform_indices = @transform_4, window_bounds = array<i64: 1, 8, 8, 2048>}]} {
    %mul3A = arith.constant 2048 : i32
    %mul3A_0 = arith.muli %arg0, %mul3A : i32
    %iota3A = tpu.iota {dimensions = array<i32: 1>} : vector<1x2000xi32>
    %add3A = vector.broadcast %mul3A_0 : i32 to vector<1x2000xi32>
    %add3A_1 = arith.addi %add3A, %iota3A : vector<1x2000xi32>
    %get3A = arith.constant 0 : index
    %get3A_2 = arith.constant 0 : index
    %get3A_3 = arith.constant 0 : index
    %get3A_4 = vector.load %arg1[%get3A, %get3A_2, %get3A_3] : memref<8x2000x80xf32, #tpu.memory_space<vmem>>, vector<1x2000x80xf32>
    %get3A_5 = vector.shape_cast %get3A_4 : vector<1x2000x80xf32> to vector<2000x80xf32>
    %transpose3A = tpu.transpose %get3A_5, [1, 0] : vector<2000x80xf32> -> vector<80x2000xf32>
    %reduce_max3A = arith.constant dense<0xFF800000> : vector<2000xf32>
    %reduce_max3A_6 = vector.multi_reduction <maximumf>, %transpose3A, %reduce_max3A [0] : vector<80x2000xf32> to vector<2000xf32>
    %broadcast_in_dim3A = vector.shape_cast %reduce_max3A_6 : vector<2000xf32> to vector<1x2000xf32>
    %bitcast_convert_type3A = tpu.bitcast %broadcast_in_dim3A : vector<1x2000xf32> -> vector<1x2000xi32>
    %gt3A = arith.constant 5.000000e-02 : f32
    %gt3A_7 = vector.broadcast %gt3A : f32 to vector<1x2000xf32>
    %gt3A_8 = arith.cmpf ogt, %broadcast_in_dim3A, %gt3A_7 : vector<1x2000xf32>
    %sub3A = arith.constant 1028443341 : i32
    %sub3A_9 = vector.broadcast %sub3A : i32 to vector<1x2000xi32>
    %sub3A_10 = arith.subi %bitcast_convert_type3A, %sub3A_9 : vector<1x2000xi32>
    %jit3A = arith.constant 0 : i32
    %broadcast_in_dim3A_11 = vector.broadcast %jit3A : i32 to vector<1x2000xi32>
    %select_n3A = arith.select %gt3A_8, %sub3A_10, %broadcast_in_dim3A_11 : vector<1x2000xi1>, vector<1x2000xi32>
    %iota3A_12 = tpu.iota {dimensions = array<i32: 0>} : vector<80x2000xi32>
    %eq3A = vector.broadcast %broadcast_in_dim3A : vector<1x2000xf32> to vector<80x2000xf32>
    %eq3A_13 = arith.cmpf oeq, %transpose3A, %eq3A : vector<80x2000xf32>
    %jit3A_14 = arith.constant 160 : i32
    %broadcast_in_dim3A_15 = vector.broadcast %jit3A_14 : i32 to vector<80x2000xi32>
    %select_n3A_16 = arith.select %eq3A_13, %iota3A_12, %broadcast_in_dim3A_15 : vector<80x2000xi1>, vector<80x2000xi32>
    %reduce_min3A = arith.constant dense<2147483647> : vector<2000xi32>
    %reduce_min3A_17 = vector.multi_reduction <minsi>, %select_n3A_16, %reduce_min3A [0] : vector<80x2000xi32> to vector<2000xi32>
    %broadcast_in_dim3A_18 = vector.shape_cast %reduce_min3A_17 : vector<2000xi32> to vector<1x2000xi32>
    %shift_left3A = arith.constant 7 : i32
    %shift_left3A_19 = vector.broadcast %shift_left3A : i32 to vector<1x2000xi32>
    %shift_left3A_20 = arith.shli %add3A_1, %shift_left3A_19 : vector<1x2000xi32>
    %or3A = arith.ori %shift_left3A_20, %broadcast_in_dim3A_18 : vector<1x2000xi32>
    %get3A_21 = arith.constant 0 : index
    %get3A_22 = arith.constant 0 : index
    %get3A_23 = arith.constant 0 : index
    %get3A_24 = vector.load %arg2[%get3A_21, %get3A_22, %get3A_23] : memref<8x2000x6xf32, #tpu.memory_space<vmem>>, vector<1x2000x6xf32>
    %get3A_25 = vector.shape_cast %get3A_24 : vector<1x2000x6xf32> to vector<2000x6xf32>
    %transpose3A_26 = tpu.transpose %get3A_25, [1, 0] : vector<2000x6xf32> -> vector<6x2000xf32>
    %broadcast_in_dim3A_27 = arith.constant 0.000000e+00 : f32
    %broadcast_in_dim3A_28 = vector.broadcast %broadcast_in_dim3A_27 : f32 to vector<2x2000xf32>
    %concatenate3A = tpu.concatenate %transpose3A_26, %broadcast_in_dim3A_28 in 0 : vector<6x2000xf32>, vector<2x2000xf32> -> vector<8x2000xf32>
    %broadcast_in_dim3A_29 = arith.constant 0.000000e+00 : f32
    %broadcast_in_dim3A_30 = vector.broadcast %broadcast_in_dim3A_29 : f32 to vector<8x48xf32>
    %concatenate3A_31 = tpu.concatenate %concatenate3A, %broadcast_in_dim3A_30 in 1 : vector<8x2000xf32>, vector<8x48xf32> -> vector<8x2048xf32>
    %swap3A = arith.constant 0 : index
    %swap3A_32 = arith.constant 0 : index
    %swap3A_33 = arith.constant 0 : index
    %swap3A_34 = arith.constant 0 : index
    %swap3A_35 = vector.load %arg5[%swap3A, %swap3A_32, %swap3A_33, %swap3A_34] : memref<1x8x8x2048xf32, #tpu.memory_space<vmem>>, vector<1x1x8x2048xf32>
    %swap3A_36 = vector.shape_cast %swap3A_35 : vector<1x1x8x2048xf32> to vector<8x2048xf32>
    %swap3A_37 = vector.shape_cast %concatenate3A_31 : vector<8x2048xf32> to vector<1x1x8x2048xf32>
    tpu.vector_store %arg5[%swap3A, %swap3A_32, %swap3A_33, %swap3A_34], %swap3A_37 {strides = array<i32>} : memref<1x8x8x2048xf32, #tpu.memory_space<vmem>>, vector<1x1x8x2048xf32>,
    %get3A_38 = arith.constant 1 : index
    %get3A_39 = arith.constant 0 : index
    %get3A_40 = arith.constant 0 : index
    %get3A_41 = vector.load %arg1[%get3A_38, %get3A_39, %get3A_40] : memref<8x2000x80xf32, #tpu.memory_space<vmem>>, vector<1x2000x80xf32>
    %get3A_42 = vector.shape_cast %get3A_41 : vector<1x2000x80xf32> to vector<2000x80xf32>
    %transpose3A_43 = tpu.transpose %get3A_42, [1, 0] : vector<2000x80xf32> -> vector<80x2000xf32>
    %reduce_max3A_44 = arith.constant dense<0xFF800000> : vector<2000xf32>
    %reduce_max3A_45 = vector.multi_reduction <maximumf>, %transpose3A_43, %reduce_max3A_44 [0] : vector<80x2000xf32> to vector<2000xf32>
    %broadcast_in_dim3A_46 = vector.shape_cast %reduce_max3A_45 : vector<2000xf32> to vector<1x2000xf32>
    %bitcast_convert_type3A_47 = tpu.bitcast %broadcast_in_dim3A_46 : vector<1x2000xf32> -> vector<1x2000xi32>
    %gt3A_48 = arith.constant 5.000000e-02 : f32
    %gt3A_49 = vector.broadcast %gt3A_48 : f32 to vector<1x2000xf32>
    %gt3A_50 = arith.cmpf ogt, %broadcast_in_dim3A_46, %gt3A_49 : vector<1x2000xf32>
    %sub3A_51 = arith.constant 1028443341 : i32
    %sub3A_52 = vector.broadcast %sub3A_51 : i32 to vector<1x2000xi32>
    %sub3A_53 = arith.subi %bitcast_convert_type3A_47, %sub3A_52 : vector<1x2000xi32>
    %jit3A_54 = arith.constant 0 : i32
    %broadcast_in_dim3A_55 = vector.broadcast %jit3A_54 : i32 to vector<1x2000xi32>
    %select_n3A_56 = arith.select %gt3A_50, %sub3A_53, %broadcast_in_dim3A_55 : vector<1x2000xi1>, vector<1x2000xi32>
    %iota3A_57 = tpu.iota {dimensions = array<i32: 0>} : vector<80x2000xi32>
    %eq3A_58 = vector.broadcast %broadcast_in_dim3A_46 : vector<1x2000xf32> to vector<80x2000xf32>
    %eq3A_59 = arith.cmpf oeq, %transpose3A_43, %eq3A_58 : vector<80x2000xf32>
    %jit3A_60 = arith.constant 160 : i32
    %broadcast_in_dim3A_61 = vector.broadcast %jit3A_60 : i32 to vector<80x2000xi32>
    %select_n3A_62 = arith.select %eq3A_59, %iota3A_57, %broadcast_in_dim3A_61 : vector<80x2000xi1>, vector<80x2000xi32>
    %reduce_min3A_63 = arith.constant dense<2147483647> : vector<2000xi32>
    %reduce_min3A_64 = vector.multi_reduction <minsi>, %select_n3A_62, %reduce_min3A_63 [0] : vector<80x2000xi32> to vector<2000xi32>
    %broadcast_in_dim3A_65 = vector.shape_cast %reduce_min3A_64 : vector<2000xi32> to vector<1x2000xi32>
    %shift_left3A_66 = arith.constant 7 : i32
    %shift_left3A_67 = vector.broadcast %shift_left3A_66 : i32 to vector<1x2000xi32>
    %shift_left3A_68 = arith.shli %add3A_1, %shift_left3A_67 : vector<1x2000xi32>
    %or3A_69 = arith.ori %shift_left3A_68, %broadcast_in_dim3A_65 : vector<1x2000xi32>
    %get3A_70 = arith.constant 1 : index
    %get3A_71 = arith.constant 0 : index
    %get3A_72 = arith.constant 0 : index
    %get3A_73 = vector.load %arg2[%get3A_70, %get3A_71, %get3A_72] : memref<8x2000x6xf32, #tpu.memory_space<vmem>>, vector<1x2000x6xf32>
    %get3A_74 = vector.shape_cast %get3A_73 : vector<1x2000x6xf32> to vector<2000x6xf32>
    %transpose3A_75 = tpu.transpose %get3A_74, [1, 0] : vector<2000x6xf32> -> vector<6x2000xf32>
    %broadcast_in_dim3A_76 = arith.constant 0.000000e+00 : f32
    %broadcast_in_dim3A_77 = vector.broadcast %broadcast_in_dim3A_76 : f32 to vector<2x2000xf32>
    %concatenate3A_78 = tpu.concatenate %transpose3A_75, %broadcast_in_dim3A_77 in 0 : vector<6x2000xf32>, vector<2x2000xf32> -> vector<8x2000xf32>
    %broadcast_in_dim3A_79 = arith.constant 0.000000e+00 : f32
    %broadcast_in_dim3A_80 = vector.broadcast %broadcast_in_dim3A_79 : f32 to vector<8x48xf32>
    %concatenate3A_81 = tpu.concatenate %concatenate3A_78, %broadcast_in_dim3A_80 in 1 : vector<8x2000xf32>, vector<8x48xf32> -> vector<8x2048xf32>
    %swap3A_82 = arith.constant 0 : index
    %swap3A_83 = arith.constant 1 : index
    %swap3A_84 = arith.constant 0 : index
    %swap3A_85 = arith.constant 0 : index
    %swap3A_86 = vector.load %arg5[%swap3A_82, %swap3A_83, %swap3A_84, %swap3A_85] : memref<1x8x8x2048xf32, #tpu.memory_space<vmem>>, vector<1x1x8x2048xf32>
    %swap3A_87 = vector.shape_cast %swap3A_86 : vector<1x1x8x2048xf32> to vector<8x2048xf32>
    %swap3A_88 = vector.shape_cast %concatenate3A_81 : vector<8x2048xf32> to vector<1x1x8x2048xf32>
    tpu.vector_store %arg5[%swap3A_82, %swap3A_83, %swap3A_84, %swap3A_85], %swap3A_88 {strides = array<i32>} : memref<1x8x8x2048xf32, #tpu.memory_space<vmem>>, vector<1x1x8x2048xf32>,
    %get3A_89 = arith.constant 2 : index
    %get3A_90 = arith.constant 0 : index
    %get3A_91 = arith.constant 0 : index
    %get3A_92 = vector.load %arg1[%get3A_89, %get3A_90, %get3A_91] : memref<8x2000x80xf32, #tpu.memory_space<vmem>>, vector<1x2000x80xf32>
    %get3A_93 = vector.shape_cast %get3A_92 : vector<1x2000x80xf32> to vector<2000x80xf32>
    %transpose3A_94 = tpu.transpose %get3A_93, [1, 0] : vector<2000x80xf32> -> vector<80x2000xf32>
    %reduce_max3A_95 = arith.constant dense<0xFF800000> : vector<2000xf32>
    %reduce_max3A_96 = vector.multi_reduction <maximumf>, %transpose3A_94, %reduce_max3A_95 [0] : vector<80x2000xf32> to vector<2000xf32>
    %broadcast_in_dim3A_97 = vector.shape_cast %reduce_max3A_96 : vector<2000xf32> to vector<1x2000xf32>
    %bitcast_convert_type3A_98 = tpu.bitcast %broadcast_in_dim3A_97 : vector<1x2000xf32> -> vector<1x2000xi32>
    %gt3A_99 = arith.constant 5.000000e-02 : f32
    %gt3A_100 = vector.broadcast %gt3A_99 : f32 to vector<1x2000xf32>
    %gt3A_101 = arith.cmpf ogt, %broadcast_in_dim3A_97, %gt3A_100 : vector<1x2000xf32>
    %sub3A_102 = arith.constant 1028443341 : i32
    %sub3A_103 = vector.broadcast %sub3A_102 : i32 to vector<1x2000xi32>
    %sub3A_104 = arith.subi %bitcast_convert_type3A_98, %sub3A_103 : vector<1x2000xi32>
    %jit3A_105 = arith.constant 0 : i32
    %broadcast_in_dim3A_106 = vector.broadcast %jit3A_105 : i32 to vector<1x2000xi32>
    %select_n3A_107 = arith.select %gt3A_101, %sub3A_104, %broadcast_in_dim3A_106 : vector<1x2000xi1>, vector<1x2000xi32>
    %iota3A_108 = tpu.iota {dimensions = array<i32: 0>} : vector<80x2000xi32>
    %eq3A_109 = vector.broadcast %broadcast_in_dim3A_97 : vector<1x2000xf32> to vector<80x2000xf32>
    %eq3A_110 = arith.cmpf oeq, %transpose3A_94, %eq3A_109 : vector<80x2000xf32>
    %jit3A_111 = arith.constant 160 : i32
    %broadcast_in_dim3A_112 = vector.broadcast %jit3A_111 : i32 to vector<80x2000xi32>
    %select_n3A_113 = arith.select %eq3A_110, %iota3A_108, %broadcast_in_dim3A_112 : vector<80x2000xi1>, vector<80x2000xi32>
    %reduce_min3A_114 = arith.constant dense<2147483647> : vector<2000xi32>
    %reduce_min3A_115 = vector.multi_reduction <minsi>, %select_n3A_113, %reduce_min3A_114 [0] : vector<80x2000xi32> to vector<2000xi32>
    %broadcast_in_dim3A_116 = vector.shape_cast %reduce_min3A_115 : vector<2000xi32> to vector<1x2000xi32>
    %shift_left3A_117 = arith.constant 7 : i32
    %shift_left3A_118 = vector.broadcast %shift_left3A_117 : i32 to vector<1x2000xi32>
    %shift_left3A_119 = arith.shli %add3A_1, %shift_left3A_118 : vector<1x2000xi32>
    %or3A_120 = arith.ori %shift_left3A_119, %broadcast_in_dim3A_116 : vector<1x2000xi32>
    %get3A_121 = arith.constant 2 : index
    %get3A_122 = arith.constant 0 : index
    %get3A_123 = arith.constant 0 : index
    %get3A_124 = vector.load %arg2[%get3A_121, %get3A_122, %get3A_123] : memref<8x2000x6xf32, #tpu.memory_space<vmem>>, vector<1x2000x6xf32>
    %get3A_125 = vector.shape_cast %get3A_124 : vector<1x2000x6xf32> to vector<2000x6xf32>
    %transpose3A_126 = tpu.transpose %get3A_125, [1, 0] : vector<2000x6xf32> -> vector<6x2000xf32>
    %broadcast_in_dim3A_127 = arith.constant 0.000000e+00 : f32
    %broadcast_in_dim3A_128 = vector.broadcast %broadcast_in_dim3A_127 : f32 to vector<2x2000xf32>
    %concatenate3A_129 = tpu.concatenate %transpose3A_126, %broadcast_in_dim3A_128 in 0 : vector<6x2000xf32>, vector<2x2000xf32> -> vector<8x2000xf32>
    %broadcast_in_dim3A_130 = arith.constant 0.000000e+00 : f32
    %broadcast_in_dim3A_131 = vector.broadcast %broadcast_in_dim3A_130 : f32 to vector<8x48xf32>
    %concatenate3A_132 = tpu.concatenate %concatenate3A_129, %broadcast_in_dim3A_131 in 1 : vector<8x2000xf32>, vector<8x48xf32> -> vector<8x2048xf32>
    %swap3A_133 = arith.constant 0 : index
    %swap3A_134 = arith.constant 2 : index
    %swap3A_135 = arith.constant 0 : index
    %swap3A_136 = arith.constant 0 : index
    %swap3A_137 = vector.load %arg5[%swap3A_133, %swap3A_134, %swap3A_135, %swap3A_136] : memref<1x8x8x2048xf32, #tpu.memory_space<vmem>>, vector<1x1x8x2048xf32>
    %swap3A_138 = vector.shape_cast %swap3A_137 : vector<1x1x8x2048xf32> to vector<8x2048xf32>
    %swap3A_139 = vector.shape_cast %concatenate3A_132 : vector<8x2048xf32> to vector<1x1x8x2048xf32>
    tpu.vector_store %arg5[%swap3A_133, %swap3A_134, %swap3A_135, %swap3A_136], %swap3A_139 {strides = array<i32>} : memref<1x8x8x2048xf32, #tpu.memory_space<vmem>>, vector<1x1x8x2048xf32>,
    %get3A_140 = arith.constant 3 : index
    %get3A_141 = arith.constant 0 : index
    %get3A_142 = arith.constant 0 : index
    %get3A_143 = vector.load %arg1[%get3A_140, %get3A_141, %get3A_142] : memref<8x2000x80xf32, #tpu.memory_space<vmem>>, vector<1x2000x80xf32>
    %get3A_144 = vector.shape_cast %get3A_143 : vector<1x2000x80xf32> to vector<2000x80xf32>
    %transpose3A_145 = tpu.transpose %get3A_144, [1, 0] : vector<2000x80xf32> -> vector<80x2000xf32>
    %reduce_max3A_146 = arith.constant dense<0xFF800000> : vector<2000xf32>
    %reduce_max3A_147 = vector.multi_reduction <maximumf>, %transpose3A_145, %reduce_max3A_146 [0] : vector<80x2000xf32> to vector<2000xf32>
    %broadcast_in_dim3A_148 = vector.shape_cast %reduce_max3A_147 : vector<2000xf32> to vector<1x2000xf32>
    %bitcast_convert_type3A_149 = tpu.bitcast %broadcast_in_dim3A_148 : vector<1x2000xf32> -> vector<1x2000xi32>
    %gt3A_150 = arith.constant 5.000000e-02 : f32
    %gt3A_151 = vector.broadcast %gt3A_150 : f32 to vector<1x2000xf32>
    %gt3A_152 = arith.cmpf ogt, %broadcast_in_dim3A_148, %gt3A_151 : vector<1x2000xf32>
    %sub3A_153 = arith.constant 1028443341 : i32
    %sub3A_154 = vector.broadcast %sub3A_153 : i32 to vector<1x2000xi32>
    %sub3A_155 = arith.subi %bitcast_convert_type3A_149, %sub3A_154 : vector<1x2000xi32>
    %jit3A_156 = arith.constant 0 : i32
    %broadcast_in_dim3A_157 = vector.broadcast %jit3A_156 : i32 to vector<1x2000xi32>
    %select_n3A_158 = arith.select %gt3A_152, %sub3A_155, %broadcast_in_dim3A_157 : vector<1x2000xi1>, vector<1x2000xi32>
    %iota3A_159 = tpu.iota {dimensions = array<i32: 0>} : vector<80x2000xi32>
    %eq3A_160 = vector.broadcast %broadcast_in_dim3A_148 : vector<1x2000xf32> to vector<80x2000xf32>
    %eq3A_161 = arith.cmpf oeq, %transpose3A_145, %eq3A_160 : vector<80x2000xf32>
    %jit3A_162 = arith.constant 160 : i32
    %broadcast_in_dim3A_163 = vector.broadcast %jit3A_162 : i32 to vector<80x2000xi32>
    %select_n3A_164 = arith.select %eq3A_161, %iota3A_159, %broadcast_in_dim3A_163 : vector<80x2000xi1>, vector<80x2000xi32>
    %reduce_min3A_165 = arith.constant dense<2147483647> : vector<2000xi32>
    %reduce_min3A_166 = vector.multi_reduction <minsi>, %select_n3A_164, %reduce_min3A_165 [0] : vector<80x2000xi32> to vector<2000xi32>
    %broadcast_in_dim3A_167 = vector.shape_cast %reduce_min3A_166 : vector<2000xi32> to vector<1x2000xi32>
    %shift_left3A_168 = arith.constant 7 : i32
    %shift_left3A_169 = vector.broadcast %shift_left3A_168 : i32 to vector<1x2000xi32>
    %shift_left3A_170 = arith.shli %add3A_1, %shift_left3A_169 : vector<1x2000xi32>
    %or3A_171 = arith.ori %shift_left3A_170, %broadcast_in_dim3A_167 : vector<1x2000xi32>
    %get3A_172 = arith.constant 3 : index
    %get3A_173 = arith.constant 0 : index
    %get3A_174 = arith.constant 0 : index
    %get3A_175 = vector.load %arg2[%get3A_172, %get3A_173, %get3A_174] : memref<8x2000x6xf32, #tpu.memory_space<vmem>>, vector<1x2000x6xf32>
    %get3A_176 = vector.shape_cast %get3A_175 : vector<1x2000x6xf32> to vector<2000x6xf32>
    %transpose3A_177 = tpu.transpose %get3A_176, [1, 0] : vector<2000x6xf32> -> vector<6x2000xf32>
    %broadcast_in_dim3A_178 = arith.constant 0.000000e+00 : f32
    %broadcast_in_dim3A_179 = vector.broadcast %broadcast_in_dim3A_178 : f32 to vector<2x2000xf32>
    %concatenate3A_180 = tpu.concatenate %transpose3A_177, %broadcast_in_dim3A_179 in 0 : vector<6x2000xf32>, vector<2x2000xf32> -> vector<8x2000xf32>
    %broadcast_in_dim3A_181 = arith.constant 0.000000e+00 : f32
    %broadcast_in_dim3A_182 = vector.broadcast %broadcast_in_dim3A_181 : f32 to vector<8x48xf32>
    %concatenate3A_183 = tpu.concatenate %concatenate3A_180, %broadcast_in_dim3A_182 in 1 : vector<8x2000xf32>, vector<8x48xf32> -> vector<8x2048xf32>
    %swap3A_184 = arith.constant 0 : index
    %swap3A_185 = arith.constant 3 : index
    %swap3A_186 = arith.constant 0 : index
    %swap3A_187 = arith.constant 0 : index
    %swap3A_188 = vector.load %arg5[%swap3A_184, %swap3A_185, %swap3A_186, %swap3A_187] : memref<1x8x8x2048xf32, #tpu.memory_space<vmem>>, vector<1x1x8x2048xf32>
    %swap3A_189 = vector.shape_cast %swap3A_188 : vector<1x1x8x2048xf32> to vector<8x2048xf32>
    %swap3A_190 = vector.shape_cast %concatenate3A_183 : vector<8x2048xf32> to vector<1x1x8x2048xf32>
    tpu.vector_store %arg5[%swap3A_184, %swap3A_185, %swap3A_186, %swap3A_187], %swap3A_190 {strides = array<i32>} : memref<1x8x8x2048xf32, #tpu.memory_space<vmem>>, vector<1x1x8x2048xf32>,
    %get3A_191 = arith.constant 4 : index
    %get3A_192 = arith.constant 0 : index
    %get3A_193 = arith.constant 0 : index
    %get3A_194 = vector.load %arg1[%get3A_191, %get3A_192, %get3A_193] : memref<8x2000x80xf32, #tpu.memory_space<vmem>>, vector<1x2000x80xf32>
    %get3A_195 = vector.shape_cast %get3A_194 : vector<1x2000x80xf32> to vector<2000x80xf32>
    %transpose3A_196 = tpu.transpose %get3A_195, [1, 0] : vector<2000x80xf32> -> vector<80x2000xf32>
    %reduce_max3A_197 = arith.constant dense<0xFF800000> : vector<2000xf32>
    %reduce_max3A_198 = vector.multi_reduction <maximumf>, %transpose3A_196, %reduce_max3A_197 [0] : vector<80x2000xf32> to vector<2000xf32>
    %broadcast_in_dim3A_199 = vector.shape_cast %reduce_max3A_198 : vector<2000xf32> to vector<1x2000xf32>
    %bitcast_convert_type3A_200 = tpu.bitcast %broadcast_in_dim3A_199 : vector<1x2000xf32> -> vector<1x2000xi32>
    %gt3A_201 = arith.constant 5.000000e-02 : f32
    %gt3A_202 = vector.broadcast %gt3A_201 : f32 to vector<1x2000xf32>
    %gt3A_203 = arith.cmpf ogt, %broadcast_in_dim3A_199, %gt3A_202 : vector<1x2000xf32>
    %sub3A_204 = arith.constant 1028443341 : i32
    %sub3A_205 = vector.broadcast %sub3A_204 : i32 to vector<1x2000xi32>
    %sub3A_206 = arith.subi %bitcast_convert_type3A_200, %sub3A_205 : vector<1x2000xi32>
    %jit3A_207 = arith.constant 0 : i32
    %broadcast_in_dim3A_208 = vector.broadcast %jit3A_207 : i32 to vector<1x2000xi32>
    %select_n3A_209 = arith.select %gt3A_203, %sub3A_206, %broadcast_in_dim3A_208 : vector<1x2000xi1>, vector<1x2000xi32>
    %iota3A_210 = tpu.iota {dimensions = array<i32: 0>} : vector<80x2000xi32>
    %eq3A_211 = vector.broadcast %broadcast_in_dim3A_199 : vector<1x2000xf32> to vector<80x2000xf32>
    %eq3A_212 = arith.cmpf oeq, %transpose3A_196, %eq3A_211 : vector<80x2000xf32>
    %jit3A_213 = arith.constant 160 : i32
    %broadcast_in_dim3A_214 = vector.broadcast %jit3A_213 : i32 to vector<80x2000xi32>
    %select_n3A_215 = arith.select %eq3A_212, %iota3A_210, %broadcast_in_dim3A_214 : vector<80x2000xi1>, vector<80x2000xi32>
    %reduce_min3A_216 = arith.constant dense<2147483647> : vector<2000xi32>
    %reduce_min3A_217 = vector.multi_reduction <minsi>, %select_n3A_215, %reduce_min3A_216 [0] : vector<80x2000xi32> to vector<2000xi32>
    %broadcast_in_dim3A_218 = vector.shape_cast %reduce_min3A_217 : vector<2000xi32> to vector<1x2000xi32>
    %shift_left3A_219 = arith.constant 7 : i32
    %shift_left3A_220 = vector.broadcast %shift_left3A_219 : i32 to vector<1x2000xi32>
    %shift_left3A_221 = arith.shli %add3A_1, %shift_left3A_220 : vector<1x2000xi32>
    %or3A_222 = arith.ori %shift_left3A_221, %broadcast_in_dim3A_218 : vector<1x2000xi32>
    %get3A_223 = arith.constant 4 : index
    %get3A_224 = arith.constant 0 : index
    %get3A_225 = arith.constant 0 : index
    %get3A_226 = vector.load %arg2[%get3A_223, %get3A_224, %get3A_225] : memref<8x2000x6xf32, #tpu.memory_space<vmem>>, vector<1x2000x6xf32>
    %get3A_227 = vector.shape_cast %get3A_226 : vector<1x2000x6xf32> to vector<2000x6xf32>
    %transpose3A_228 = tpu.transpose %get3A_227, [1, 0] : vector<2000x6xf32> -> vector<6x2000xf32>
    %broadcast_in_dim3A_229 = arith.constant 0.000000e+00 : f32
    %broadcast_in_dim3A_230 = vector.broadcast %broadcast_in_dim3A_229 : f32 to vector<2x2000xf32>
    %concatenate3A_231 = tpu.concatenate %transpose3A_228, %broadcast_in_dim3A_230 in 0 : vector<6x2000xf32>, vector<2x2000xf32> -> vector<8x2000xf32>
    %broadcast_in_dim3A_232 = arith.constant 0.000000e+00 : f32
    %broadcast_in_dim3A_233 = vector.broadcast %broadcast_in_dim3A_232 : f32 to vector<8x48xf32>
    %concatenate3A_234 = tpu.concatenate %concatenate3A_231, %broadcast_in_dim3A_233 in 1 : vector<8x2000xf32>, vector<8x48xf32> -> vector<8x2048xf32>
    %swap3A_235 = arith.constant 0 : index
    %swap3A_236 = arith.constant 4 : index
    %swap3A_237 = arith.constant 0 : index
    %swap3A_238 = arith.constant 0 : index
    %swap3A_239 = vector.load %arg5[%swap3A_235, %swap3A_236, %swap3A_237, %swap3A_238] : memref<1x8x8x2048xf32, #tpu.memory_space<vmem>>, vector<1x1x8x2048xf32>
    %swap3A_240 = vector.shape_cast %swap3A_239 : vector<1x1x8x2048xf32> to vector<8x2048xf32>
    %swap3A_241 = vector.shape_cast %concatenate3A_234 : vector<8x2048xf32> to vector<1x1x8x2048xf32>
    tpu.vector_store %arg5[%swap3A_235, %swap3A_236, %swap3A_237, %swap3A_238], %swap3A_241 {strides = array<i32>} : memref<1x8x8x2048xf32, #tpu.memory_space<vmem>>, vector<1x1x8x2048xf32>,
    %get3A_242 = arith.constant 5 : index
    %get3A_243 = arith.constant 0 : index
    %get3A_244 = arith.constant 0 : index
    %get3A_245 = vector.load %arg1[%get3A_242, %get3A_243, %get3A_244] : memref<8x2000x80xf32, #tpu.memory_space<vmem>>, vector<1x2000x80xf32>
    %get3A_246 = vector.shape_cast %get3A_245 : vector<1x2000x80xf32> to vector<2000x80xf32>
    %transpose3A_247 = tpu.transpose %get3A_246, [1, 0] : vector<2000x80xf32> -> vector<80x2000xf32>
    %reduce_max3A_248 = arith.constant dense<0xFF800000> : vector<2000xf32>
    %reduce_max3A_249 = vector.multi_reduction <maximumf>, %transpose3A_247, %reduce_max3A_248 [0] : vector<80x2000xf32> to vector<2000xf32>
    %broadcast_in_dim3A_250 = vector.shape_cast %reduce_max3A_249 : vector<2000xf32> to vector<1x2000xf32>
    %bitcast_convert_type3A_251 = tpu.bitcast %broadcast_in_dim3A_250 : vector<1x2000xf32> -> vector<1x2000xi32>
    %gt3A_252 = arith.constant 5.000000e-02 : f32
    %gt3A_253 = vector.broadcast %gt3A_252 : f32 to vector<1x2000xf32>
    %gt3A_254 = arith.cmpf ogt, %broadcast_in_dim3A_250, %gt3A_253 : vector<1x2000xf32>
    %sub3A_255 = arith.constant 1028443341 : i32
    %sub3A_256 = vector.broadcast %sub3A_255 : i32 to vector<1x2000xi32>
    %sub3A_257 = arith.subi %bitcast_convert_type3A_251, %sub3A_256 : vector<1x2000xi32>
    %jit3A_258 = arith.constant 0 : i32
    %broadcast_in_dim3A_259 = vector.broadcast %jit3A_258 : i32 to vector<1x2000xi32>
    %select_n3A_260 = arith.select %gt3A_254, %sub3A_257, %broadcast_in_dim3A_259 : vector<1x2000xi1>, vector<1x2000xi32>
    %iota3A_261 = tpu.iota {dimensions = array<i32: 0>} : vector<80x2000xi32>
    %eq3A_262 = vector.broadcast %broadcast_in_dim3A_250 : vector<1x2000xf32> to vector<80x2000xf32>
    %eq3A_263 = arith.cmpf oeq, %transpose3A_247, %eq3A_262 : vector<80x2000xf32>
    %jit3A_264 = arith.constant 160 : i32
    %broadcast_in_dim3A_265 = vector.broadcast %jit3A_264 : i32 to vector<80x2000xi32>
    %select_n3A_266 = arith.select %eq3A_263, %iota3A_261, %broadcast_in_dim3A_265 : vector<80x2000xi1>, vector<80x2000xi32>
    %reduce_min3A_267 = arith.constant dense<2147483647> : vector<2000xi32>
    %reduce_min3A_268 = vector.multi_reduction <minsi>, %select_n3A_266, %reduce_min3A_267 [0] : vector<80x2000xi32> to vector<2000xi32>
    %broadcast_in_dim3A_269 = vector.shape_cast %reduce_min3A_268 : vector<2000xi32> to vector<1x2000xi32>
    %shift_left3A_270 = arith.constant 7 : i32
    %shift_left3A_271 = vector.broadcast %shift_left3A_270 : i32 to vector<1x2000xi32>
    %shift_left3A_272 = arith.shli %add3A_1, %shift_left3A_271 : vector<1x2000xi32>
    %or3A_273 = arith.ori %shift_left3A_272, %broadcast_in_dim3A_269 : vector<1x2000xi32>
    %get3A_274 = arith.constant 5 : index
    %get3A_275 = arith.constant 0 : index
    %get3A_276 = arith.constant 0 : index
    %get3A_277 = vector.load %arg2[%get3A_274, %get3A_275, %get3A_276] : memref<8x2000x6xf32, #tpu.memory_space<vmem>>, vector<1x2000x6xf32>
    %get3A_278 = vector.shape_cast %get3A_277 : vector<1x2000x6xf32> to vector<2000x6xf32>
    %transpose3A_279 = tpu.transpose %get3A_278, [1, 0] : vector<2000x6xf32> -> vector<6x2000xf32>
    %broadcast_in_dim3A_280 = arith.constant 0.000000e+00 : f32
    %broadcast_in_dim3A_281 = vector.broadcast %broadcast_in_dim3A_280 : f32 to vector<2x2000xf32>
    %concatenate3A_282 = tpu.concatenate %transpose3A_279, %broadcast_in_dim3A_281 in 0 : vector<6x2000xf32>, vector<2x2000xf32> -> vector<8x2000xf32>
    %broadcast_in_dim3A_283 = arith.constant 0.000000e+00 : f32
    %broadcast_in_dim3A_284 = vector.broadcast %broadcast_in_dim3A_283 : f32 to vector<8x48xf32>
    %concatenate3A_285 = tpu.concatenate %concatenate3A_282, %broadcast_in_dim3A_284 in 1 : vector<8x2000xf32>, vector<8x48xf32> -> vector<8x2048xf32>
    %swap3A_286 = arith.constant 0 : index
    %swap3A_287 = arith.constant 5 : index
    %swap3A_288 = arith.constant 0 : index
    %swap3A_289 = arith.constant 0 : index
    %swap3A_290 = vector.load %arg5[%swap3A_286, %swap3A_287, %swap3A_288, %swap3A_289] : memref<1x8x8x2048xf32, #tpu.memory_space<vmem>>, vector<1x1x8x2048xf32>
    %swap3A_291 = vector.shape_cast %swap3A_290 : vector<1x1x8x2048xf32> to vector<8x2048xf32>
    %swap3A_292 = vector.shape_cast %concatenate3A_285 : vector<8x2048xf32> to vector<1x1x8x2048xf32>
    tpu.vector_store %arg5[%swap3A_286, %swap3A_287, %swap3A_288, %swap3A_289], %swap3A_292 {strides = array<i32>} : memref<1x8x8x2048xf32, #tpu.memory_space<vmem>>, vector<1x1x8x2048xf32>,
    %get3A_293 = arith.constant 6 : index
    %get3A_294 = arith.constant 0 : index
    %get3A_295 = arith.constant 0 : index
    %get3A_296 = vector.load %arg1[%get3A_293, %get3A_294, %get3A_295] : memref<8x2000x80xf32, #tpu.memory_space<vmem>>, vector<1x2000x80xf32>
    %get3A_297 = vector.shape_cast %get3A_296 : vector<1x2000x80xf32> to vector<2000x80xf32>
    %transpose3A_298 = tpu.transpose %get3A_297, [1, 0] : vector<2000x80xf32> -> vector<80x2000xf32>
    %reduce_max3A_299 = arith.constant dense<0xFF800000> : vector<2000xf32>
    %reduce_max3A_300 = vector.multi_reduction <maximumf>, %transpose3A_298, %reduce_max3A_299 [0] : vector<80x2000xf32> to vector<2000xf32>
    %broadcast_in_dim3A_301 = vector.shape_cast %reduce_max3A_300 : vector<2000xf32> to vector<1x2000xf32>
    %bitcast_convert_type3A_302 = tpu.bitcast %broadcast_in_dim3A_301 : vector<1x2000xf32> -> vector<1x2000xi32>
    %gt3A_303 = arith.constant 5.000000e-02 : f32
    %gt3A_304 = vector.broadcast %gt3A_303 : f32 to vector<1x2000xf32>
    %gt3A_305 = arith.cmpf ogt, %broadcast_in_dim3A_301, %gt3A_304 : vector<1x2000xf32>
    %sub3A_306 = arith.constant 1028443341 : i32
    %sub3A_307 = vector.broadcast %sub3A_306 : i32 to vector<1x2000xi32>
    %sub3A_308 = arith.subi %bitcast_convert_type3A_302, %sub3A_307 : vector<1x2000xi32>
    %jit3A_309 = arith.constant 0 : i32
    %broadcast_in_dim3A_310 = vector.broadcast %jit3A_309 : i32 to vector<1x2000xi32>
    %select_n3A_311 = arith.select %gt3A_305, %sub3A_308, %broadcast_in_dim3A_310 : vector<1x2000xi1>, vector<1x2000xi32>
    %iota3A_312 = tpu.iota {dimensions = array<i32: 0>} : vector<80x2000xi32>
    %eq3A_313 = vector.broadcast %broadcast_in_dim3A_301 : vector<1x2000xf32> to vector<80x2000xf32>
    %eq3A_314 = arith.cmpf oeq, %transpose3A_298, %eq3A_313 : vector<80x2000xf32>
    %jit3A_315 = arith.constant 160 : i32
    %broadcast_in_dim3A_316 = vector.broadcast %jit3A_315 : i32 to vector<80x2000xi32>
    %select_n3A_317 = arith.select %eq3A_314, %iota3A_312, %broadcast_in_dim3A_316 : vector<80x2000xi1>, vector<80x2000xi32>
    %reduce_min3A_318 = arith.constant dense<2147483647> : vector<2000xi32>
    %reduce_min3A_319 = vector.multi_reduction <minsi>, %select_n3A_317, %reduce_min3A_318 [0] : vector<80x2000xi32> to vector<2000xi32>
    %broadcast_in_dim3A_320 = vector.shape_cast %reduce_min3A_319 : vector<2000xi32> to vector<1x2000xi32>
    %shift_left3A_321 = arith.constant 7 : i32
    %shift_left3A_322 = vector.broadcast %shift_left3A_321 : i32 to vector<1x2000xi32>
    %shift_left3A_323 = arith.shli %add3A_1, %shift_left3A_322 : vector<1x2000xi32>
    %or3A_324 = arith.ori %shift_left3A_323, %broadcast_in_dim3A_320 : vector<1x2000xi32>
    %get3A_325 = arith.constant 6 : index
    %get3A_326 = arith.constant 0 : index
    %get3A_327 = arith.constant 0 : index
    %get3A_328 = vector.load %arg2[%get3A_325, %get3A_326, %get3A_327] : memref<8x2000x6xf32, #tpu.memory_space<vmem>>, vector<1x2000x6xf32>
    %get3A_329 = vector.shape_cast %get3A_328 : vector<1x2000x6xf32> to vector<2000x6xf32>
    %transpose3A_330 = tpu.transpose %get3A_329, [1, 0] : vector<2000x6xf32> -> vector<6x2000xf32>
    %broadcast_in_dim3A_331 = arith.constant 0.000000e+00 : f32
    %broadcast_in_dim3A_332 = vector.broadcast %broadcast_in_dim3A_331 : f32 to vector<2x2000xf32>
    %concatenate3A_333 = tpu.concatenate %transpose3A_330, %broadcast_in_dim3A_332 in 0 : vector<6x2000xf32>, vector<2x2000xf32> -> vector<8x2000xf32>
    %broadcast_in_dim3A_334 = arith.constant 0.000000e+00 : f32
    %broadcast_in_dim3A_335 = vector.broadcast %broadcast_in_dim3A_334 : f32 to vector<8x48xf32>
    %concatenate3A_336 = tpu.concatenate %concatenate3A_333, %broadcast_in_dim3A_335 in 1 : vector<8x2000xf32>, vector<8x48xf32> -> vector<8x2048xf32>
    %swap3A_337 = arith.constant 0 : index
    %swap3A_338 = arith.constant 6 : index
    %swap3A_339 = arith.constant 0 : index
    %swap3A_340 = arith.constant 0 : index
    %swap3A_341 = vector.load %arg5[%swap3A_337, %swap3A_338, %swap3A_339, %swap3A_340] : memref<1x8x8x2048xf32, #tpu.memory_space<vmem>>, vector<1x1x8x2048xf32>
    %swap3A_342 = vector.shape_cast %swap3A_341 : vector<1x1x8x2048xf32> to vector<8x2048xf32>
    %swap3A_343 = vector.shape_cast %concatenate3A_336 : vector<8x2048xf32> to vector<1x1x8x2048xf32>
    tpu.vector_store %arg5[%swap3A_337, %swap3A_338, %swap3A_339, %swap3A_340], %swap3A_343 {strides = array<i32>} : memref<1x8x8x2048xf32, #tpu.memory_space<vmem>>, vector<1x1x8x2048xf32>,
    %get3A_344 = arith.constant 7 : index
    %get3A_345 = arith.constant 0 : index
    %get3A_346 = arith.constant 0 : index
    %get3A_347 = vector.load %arg1[%get3A_344, %get3A_345, %get3A_346] : memref<8x2000x80xf32, #tpu.memory_space<vmem>>, vector<1x2000x80xf32>
    %get3A_348 = vector.shape_cast %get3A_347 : vector<1x2000x80xf32> to vector<2000x80xf32>
    %transpose3A_349 = tpu.transpose %get3A_348, [1, 0] : vector<2000x80xf32> -> vector<80x2000xf32>
    %reduce_max3A_350 = arith.constant dense<0xFF800000> : vector<2000xf32>
    %reduce_max3A_351 = vector.multi_reduction <maximumf>, %transpose3A_349, %reduce_max3A_350 [0] : vector<80x2000xf32> to vector<2000xf32>
    %broadcast_in_dim3A_352 = vector.shape_cast %reduce_max3A_351 : vector<2000xf32> to vector<1x2000xf32>
    %bitcast_convert_type3A_353 = tpu.bitcast %broadcast_in_dim3A_352 : vector<1x2000xf32> -> vector<1x2000xi32>
    %gt3A_354 = arith.constant 5.000000e-02 : f32
    %gt3A_355 = vector.broadcast %gt3A_354 : f32 to vector<1x2000xf32>
    %gt3A_356 = arith.cmpf ogt, %broadcast_in_dim3A_352, %gt3A_355 : vector<1x2000xf32>
    %sub3A_357 = arith.constant 1028443341 : i32
    %sub3A_358 = vector.broadcast %sub3A_357 : i32 to vector<1x2000xi32>
    %sub3A_359 = arith.subi %bitcast_convert_type3A_353, %sub3A_358 : vector<1x2000xi32>
    %jit3A_360 = arith.constant 0 : i32
    %broadcast_in_dim3A_361 = vector.broadcast %jit3A_360 : i32 to vector<1x2000xi32>
    %select_n3A_362 = arith.select %gt3A_356, %sub3A_359, %broadcast_in_dim3A_361 : vector<1x2000xi1>, vector<1x2000xi32>
    %iota3A_363 = tpu.iota {dimensions = array<i32: 0>} : vector<80x2000xi32>
    %eq3A_364 = vector.broadcast %broadcast_in_dim3A_352 : vector<1x2000xf32> to vector<80x2000xf32>
    %eq3A_365 = arith.cmpf oeq, %transpose3A_349, %eq3A_364 : vector<80x2000xf32>
    %jit3A_366 = arith.constant 160 : i32
    %broadcast_in_dim3A_367 = vector.broadcast %jit3A_366 : i32 to vector<80x2000xi32>
    %select_n3A_368 = arith.select %eq3A_365, %iota3A_363, %broadcast_in_dim3A_367 : vector<80x2000xi1>, vector<80x2000xi32>
    %reduce_min3A_369 = arith.constant dense<2147483647> : vector<2000xi32>
    %reduce_min3A_370 = vector.multi_reduction <minsi>, %select_n3A_368, %reduce_min3A_369 [0] : vector<80x2000xi32> to vector<2000xi32>
    %broadcast_in_dim3A_371 = vector.shape_cast %reduce_min3A_370 : vector<2000xi32> to vector<1x2000xi32>
    %shift_left3A_372 = arith.constant 7 : i32
    %shift_left3A_373 = vector.broadcast %shift_left3A_372 : i32 to vector<1x2000xi32>
    %shift_left3A_374 = arith.shli %add3A_1, %shift_left3A_373 : vector<1x2000xi32>
    %or3A_375 = arith.ori %shift_left3A_374, %broadcast_in_dim3A_371 : vector<1x2000xi32>
    %get3A_376 = arith.constant 7 : index
    %get3A_377 = arith.constant 0 : index
    %get3A_378 = arith.constant 0 : index
    %get3A_379 = vector.load %arg2[%get3A_376, %get3A_377, %get3A_378] : memref<8x2000x6xf32, #tpu.memory_space<vmem>>, vector<1x2000x6xf32>
    %get3A_380 = vector.shape_cast %get3A_379 : vector<1x2000x6xf32> to vector<2000x6xf32>
    %transpose3A_381 = tpu.transpose %get3A_380, [1, 0] : vector<2000x6xf32> -> vector<6x2000xf32>
    %broadcast_in_dim3A_382 = arith.constant 0.000000e+00 : f32
    %broadcast_in_dim3A_383 = vector.broadcast %broadcast_in_dim3A_382 : f32 to vector<2x2000xf32>
    %concatenate3A_384 = tpu.concatenate %transpose3A_381, %broadcast_in_dim3A_383 in 0 : vector<6x2000xf32>, vector<2x2000xf32> -> vector<8x2000xf32>
    %broadcast_in_dim3A_385 = arith.constant 0.000000e+00 : f32
    %broadcast_in_dim3A_386 = vector.broadcast %broadcast_in_dim3A_385 : f32 to vector<8x48xf32>
    %concatenate3A_387 = tpu.concatenate %concatenate3A_384, %broadcast_in_dim3A_386 in 1 : vector<8x2000xf32>, vector<8x48xf32> -> vector<8x2048xf32>
    %swap3A_388 = arith.constant 0 : index
    %swap3A_389 = arith.constant 7 : index
    %swap3A_390 = arith.constant 0 : index
    %swap3A_391 = arith.constant 0 : index
    %swap3A_392 = vector.load %arg5[%swap3A_388, %swap3A_389, %swap3A_390, %swap3A_391] : memref<1x8x8x2048xf32, #tpu.memory_space<vmem>>, vector<1x1x8x2048xf32>
    %swap3A_393 = vector.shape_cast %swap3A_392 : vector<1x1x8x2048xf32> to vector<8x2048xf32>
    %swap3A_394 = vector.shape_cast %concatenate3A_387 : vector<8x2048xf32> to vector<1x1x8x2048xf32>
    tpu.vector_store %arg5[%swap3A_388, %swap3A_389, %swap3A_390, %swap3A_391], %swap3A_394 {strides = array<i32>} : memref<1x8x8x2048xf32, #tpu.memory_space<vmem>>, vector<1x1x8x2048xf32>,
    %broadcast_in_dim3A_395 = arith.constant 0 : i32
    %broadcast_in_dim3A_396 = vector.broadcast %broadcast_in_dim3A_395 : i32 to vector<8x48xi32>
    %concatenate3A_397 = tpu.concatenate %select_n3A, %select_n3A_56, %select_n3A_107, %select_n3A_158, %select_n3A_209, %select_n3A_260, %select_n3A_311, %select_n3A_362 in 0 : vector<1x2000xi32>, vector<1x2000xi32>, vector<1x2000xi32>, vector<1x2000xi32>, vector<1x2000xi32>, vector<1x2000xi32>, vector<1x2000xi32>, vector<1x2000xi32> -> vector<8x2000xi32>
    %concatenate3A_398 = tpu.concatenate %concatenate3A_397, %broadcast_in_dim3A_396 in 1 : vector<8x2000xi32>, vector<8x48xi32> -> vector<8x2048xi32>
    %swap3A_399 = arith.constant 0 : index
    %swap3A_400 = arith.constant 0 : index
    %swap3A_401 = arith.constant 0 : index
    %swap3A_402 = vector.load %arg3[%swap3A_399, %swap3A_400, %swap3A_401] : memref<1x8x2048xi32, #tpu.memory_space<vmem>>, vector<1x8x2048xi32>
    %swap3A_403 = vector.shape_cast %swap3A_402 : vector<1x8x2048xi32> to vector<8x2048xi32>
    %swap3A_404 = vector.shape_cast %concatenate3A_398 : vector<8x2048xi32> to vector<1x8x2048xi32>
    tpu.vector_store %arg3[%swap3A_399, %swap3A_400, %swap3A_401], %swap3A_404 {strides = array<i32>} : memref<1x8x2048xi32, #tpu.memory_space<vmem>>, vector<1x8x2048xi32>,
    %concatenate3A_405 = tpu.concatenate %or3A, %or3A_69, %or3A_120, %or3A_171, %or3A_222, %or3A_273, %or3A_324, %or3A_375 in 0 : vector<1x2000xi32>, vector<1x2000xi32>, vector<1x2000xi32>, vector<1x2000xi32>, vector<1x2000xi32>, vector<1x2000xi32>, vector<1x2000xi32>, vector<1x2000xi32> -> vector<8x2000xi32>
    %concatenate3A_406 = tpu.concatenate %concatenate3A_405, %broadcast_in_dim3A_396 in 1 : vector<8x2000xi32>, vector<8x48xi32> -> vector<8x2048xi32>
    %swap3A_407 = arith.constant 0 : index
    %swap3A_408 = arith.constant 0 : index
    %swap3A_409 = arith.constant 0 : index
    %swap3A_410 = vector.load %arg4[%swap3A_407, %swap3A_408, %swap3A_409] : memref<1x8x2048xi32, #tpu.memory_space<vmem>>, vector<1x8x2048xi32>
    %swap3A_411 = vector.shape_cast %swap3A_410 : vector<1x8x2048xi32> to vector<8x2048xi32>
    %swap3A_412 = vector.shape_cast %concatenate3A_406 : vector<8x2048xi32> to vector<1x8x2048xi32>
    tpu.vector_store %arg4[%swap3A_407, %swap3A_408, %swap3A_409], %swap3A_412 {strides = array<i32>} : memref<1x8x2048xi32, #tpu.memory_space<vmem>>, vector<1x8x2048xi32>,
    return
  }
  func.func @transform_0(%arg0: i32) -> (i32, i32, i32) {
    %c0_i32 = arith.constant 0 : i32
    %c0_i32_0 = arith.constant 0 : i32
    %c0_i32_1 = arith.constant 0 : i32
    return %c0_i32, %arg0, %c0_i32_0 : i32, i32, i32
  }
  func.func @transform_1(%arg0: i32) -> (i32, i32, i32) {
    %c0_i32 = arith.constant 0 : i32
    %c0_i32_0 = arith.constant 0 : i32
    %c0_i32_1 = arith.constant 0 : i32
    return %c0_i32, %arg0, %c0_i32_0 : i32, i32, i32
  }
  func.func @transform_2(%arg0: i32) -> (i32, i32, i32) {
    %c0_i32 = arith.constant 0 : i32
    %c0_i32_0 = arith.constant 0 : i32
    %c0_i32_1 = arith.constant 0 : i32
    return %arg0, %c0_i32, %c0_i32_0 : i32, i32, i32
  }
  func.func @transform_3(%arg0: i32) -> (i32, i32, i32) {
    %c0_i32 = arith.constant 0 : i32
    %c0_i32_0 = arith.constant 0 : i32
    %c0_i32_1 = arith.constant 0 : i32
    return %arg0, %c0_i32, %c0_i32_0 : i32, i32, i32
  }
  func.func @transform_4(%arg0: i32) -> (i32, i32, i32, i32) {
    %c0_i32 = arith.constant 0 : i32
    %c0_i32_0 = arith.constant 0 : i32
    %c0_i32_1 = arith.constant 0 : i32
    %c0_i32_2 = arith.constant 0 : i32
    return %arg0, %c0_i32, %c0_i32_0, %c0_i32_1 : i32, i32, i32, i32
  }
}

</mosaic_0001>

<sc_bundles>
// kernel: kernel.4.cloned.1.call-start
scs
__scs_entry_jumppad:
0x0: {  	(pc) =	sbr.rel $0x88, $3  }
0x1: {  	(tag) =	ssettag $0x0;
	lr =	simm.s32 $0x1  }
0x2: {  	[smem:$0x3F9F] =	sst lr;
	_ =	strace $0xD0000000  }
0x3: {  	_ = 	snop  }
0x4: {  	_ = 	snop  }
0x5: {  	_ = 	snop  }
0x6: {  	_ = 	snop  }
0x7: {  	_ = 	snop  }
__scs_overlays_trampoline_lowered:
0x8: {  	[smem:$0x3FAE] =	sst s0  }
0x9: {  	[smem:$0x3FAF] =	sst s1  }
0xa: {  	[smem:$0x3FB0] =	sst s2  }
0xb: {  	[smem:$0x3FB1] =	sst s3  }
0xc: {  	[smem:$0x3FB2] =	sst s4  }
0xd: {  	[smem:$0x3FB3] =	sst s5  }
0xe: {  	[smem:$0x3FB4] =	sst s6  }
0xf: {  	[smem:$0x3FB5] =	sst s7  }
0x10: {  	[smem:$0x3FB6] =	sst s8  }
0x11: {  	[smem:$0x3FB7] =	sst s9;
	s0 =	simm.s32 @!p0 $0x0  }
0x12: {  	s1 =	sld [smem:$0x3F9D];
	s0 =	simm.s32 @p0 $0x1  }
0x13: {  	[smem:$0x3FB8] =	sst s0;
	s0 =	simm.s32 @!p1 $0x0  }
0x14: {  	s2 =	sld [smem:$0x3F9C];
	s0 =	simm.s32 @p1 $0x1  }
0x15: {  	[smem:$0x3FB9] =	sst s0;
	s0 =	simm.s32 @!p2 $0x0  }
0x16: {  	s3 =	sld [smem:$0x3FDB];
	s0 =	simm.s32 @p2 $0x1  }
0x17: {  	s4 =	simm.s32 $0x1BF5;
	[smem:$0x3FBB] =	sst s0  }
0x18: {  	s0 =	sld [smem:$0x3F9E];
	_ =	swait.ge [sflag:s4], $0x0  }
0x19: {  	s7 =	sld [smem:$0x3F9F]  }
0x1a: {  	s8 =	sadd.s32 $0xFFFFE003, lr  }
0x1b: {  	s9 =	sadd.s32 $0xFFFFFEF7, lr;
	s5 =	simm.s32 $0xFFFFFFFF;
	p2 =	slt.u32 s8, $0xFFFFF086  }
0x1c: {  	p1 =	slt.u32 s9, $0xF7A;
	s5 =	simm.s32 @!p2 $0x0  }
0x1d: {  	s5 =	simm.s32 @p1 $0x1;
	p0 =	seq.s32 s7, s2  }
0x1e: {  	s7 =	smul.u32 @!p0 $0xF7A, s2;
	p2 =	seq.s32 @!p0 s5, $0x0  }
0x1f: {  	s9 =	smul.u32 $0xF7A, s1;
	s8 =	simm.s32 @!p0 $0x1BF5;
	p2 =	por !p2, p0  }
0x20: {  	[sflag:s8] =	ssyncset.s32 @!p0 $0xFFFFF086;
	s6 =	sadd.s32 @!p0 s3, s7;
	s7 =	simm.s32 @!p0 $0x108  }
0x21: {  	s3 =	sadd.s32 s3, s9;
	s6 =	sadd.s32 @!p0 $0x88, s6;
	s7 =	simm.s32 @p2 $0x1082  }
0x22: {  	[simem:s7], [sflag:s8] =	dma.local @!p0 [hbm:s6], $0xF7A  }
0x23: {  	s9 =	sor.u32 $0xD0000000, s2;
	s6 =	simm.s32 $0x108;
	_ =	swait.ge @!p0 [sflag:s8], $0x0  }
0x24: {  	s3 =	sadd.s32 $0x88, s3;
	s6 =	simm.s32 @!p1 $0x1082;
	[sflag:s4] =	ssyncset.s32 $0xFFFFF086  }
0x25: {  	[simem:s6], [sflag:s4] =	dma.local [hbm:s3], $0xF7A  }
0x26: {  	[smem:$0x3F9F] =	sst s1;
	(tag) =	ssettag s2;
	_ =	strace s9  }
0x27: {  	s1 =	sld [smem:$0x3FAF]  }
0x28: {  	s2 =	sld [smem:$0x3FB0]  }
0x29: {  	s4 =	sld [smem:$0x3FB2]  }
0x2a: {  	p0 =	seq.s32 s5, $0x0;
	s5 =	sld [smem:$0x3FB3]  }
0x2b: {  	s6 =	sld [smem:$0x3FB4]  }
0x2c: {  	s7 =	sld [smem:$0x3FB5]  }
0x2d: {  	s3 =	simm.s32 $0x108;
	s8 =	sld [smem:$0x3FB6]  }
0x2e: {  	s3 =	simm.s32 @!p0 $0x1082;
	s9 =	sld [smem:$0x3FB7]  }
0x2f: {  	lr =	sadd.s32 s0, s3;
	s0 =	sld [smem:$0x3FAE]  }
0x30: {  	s3 =	sld [smem:$0x3FB1]  }
0x31: {  	[smem:$0x3FBA] =	sst s10  }
0x32: {  	s10 =	sld [smem:$0x3FB8];
	_ =	sdelay $0x3  }
0x33: {  	p0 =	seq.s32 s10, $0x1;
	s10 =	sld [smem:$0x3FBA];
	_ =	sdelay $0x3  }
0x34: {  	[smem:$0x3FBA] =	sst s10  }
0x35: {  	s10 =	sld [smem:$0x3FB9];
	_ =	sdelay $0x3  }
0x36: {  	p1 =	seq.s32 s10, $0x1;
	s10 =	sld [smem:$0x3FBA];
	_ =	sdelay $0x3  }
0x37: {  	[smem:$0x3FBA] =	sst s10  }
0x38: {  	s10 =	sld [smem:$0x3FBB]  }
0x39: {  	_ = 	snop;
	(pc) =	sbr.ind lr, $3  }
0x3a: {  	_ = 	snop  }
0x3b: {  	_ = 	snop  }
0x3c: {  	p2 =	seq.s32 s10, $0x1;
	s10 =	sld [smem:$0x3FBA]  }
0x3d: {  	_ =	shalt  }
0x3e: {  	_ =	shalt  }
0x3f: {  	_ =	shalt  }
0x40: {  	_ =	shalt  }
0x41: {  	_ =	shalt  }
0x42: {  	_ =	shalt  }
0x43: {  	_ =	shalt  }
0x44: {  	_ =	shalt  }
0x45: {  	_ =	shalt  }
0x46: {  	_ =	shalt  }
0x47: {  	_ =	shalt  }
0x48: {  	_ =	shalt  }
0x49: {  	_ =	shalt  }
0x4a: {  	_ =	shalt  }
0x4b: {  	_ =	shalt  }
0x4c: {  	_ =	shalt  }
0x4d: {  	_ =	shalt  }
0x4e: {  	_ =	shalt  }
0x4f: {  	_ =	shalt  }
0x50: {  	_ =	shalt  }
0x51: {  	_ =	shalt  }
0x52: {  	_ =	shalt  }
0x53: {  	_ =	shalt  }
0x54: {  	_ =	shalt  }
0x55: {  	_ =	shalt  }
0x56: {  	_ =	shalt  }
0x57: {  	_ =	shalt  }
0x58: {  	_ =	shalt  }
0x59: {  	_ =	shalt  }
0x5a: {  	_ =	shalt  }
0x5b: {  	_ =	shalt  }
0x5c: {  	_ =	shalt  }
0x5d: {  	_ =	shalt  }
0x5e: {  	_ =	shalt  }
0x5f: {  	_ =	shalt  }
0x60: {  	_ =	shalt  }
0x61: {  	_ =	shalt  }
0x62: {  	_ =	shalt  }
0x63: {  	_ =	shalt  }
0x64: {  	_ =	shalt  }
0x65: {  	_ =	shalt  }
0x66: {  	_ =	shalt  }
0x67: {  	_ =	shalt  }
0x68: {  	_ =	shalt  }
0x69: {  	_ =	shalt  }
0x6a: {  	_ =	shalt  }
0x6b: {  	_ =	shalt  }
0x6c: {  	_ =	shalt  }
0x6d: {  	_ =	shalt  }
0x6e: {  	_ =	shalt  }
0x6f: {  	_ =	shalt  }
0x70: {  	_ =	shalt  }
0x71: {  	_ =	shalt  }
0x72: {  	_ =	shalt  }
0x73: {  	_ =	shalt  }
0x74: {  	_ =	shalt  }
0x75: {  	_ =	shalt  }
0x76: {  	_ =	shalt  }
0x77: {  	_ =	shalt  }
0x78: {  	_ =	shalt  }
0x79: {  	_ =	shalt  }
0x7a: {  	_ =	shalt  }
0x7b: {  	_ =	shalt  }
0x7c: {  	_ =	shalt  }
0x7d: {  	_ =	shalt  }
0x7e: {  	_ =	shalt  }
0x7f: {  	_ =	shalt  }
0x80: {  	_ =	shalt  }
0x81: {  	_ =	shalt  }
0x82: {  	_ =	shalt  }
0x83: {  	_ =	shalt  }
0x84: {  	_ =	shalt  }
0x85: {  	_ =	shalt  }
0x86: {  	_ =	shalt  }
0x87: {  	_ =	shalt  }
.Lfunc_end0:
.L_simem_size_0:
called_computation_lowered:
.L_overlay_start_0:
0x88: {  	s2 =	sld [smem:$0x3FD9]  }
0x89: {  	s3 =	sld [smem:$0x3FFE];
	_ =	sdelay $0x1  }
0x8a: {  	s1 =	srdreg.scid  }
0x8b: {  	s0 =	sand.u32 $0x1, s1  }
0x8c: {  	s14 =	sshll.u32 s0, $0xA;
	s2 =	sadd.s32 s3, s2  }
0x8d: {  	s2 =	sadd.s32 s2, s14  }
0x8e: {  	[smem:$0x3FC6] =	sst s2  }
0x8f: {  	_ = 	snop  }
0x90: {  	s2 =	sld [smem:$0x3FD0];
	_ =	sdelay $0x2  }
0x91: {  	s15 =	simm.s32 $0xA;
	s4 =	simm.s32 $0x10  }
0x92: {  	[smem:s4], [sflag:s15] =	dma.local [hbm:s2], $0x1  }
0x93: {  	_ =	swait.eq [sflag:s15], $0x1  }
0x94: {  	[sflag:s15] =	ssyncset.done $0x0  }
0x95: {  	s16 =	sld [smem:$0x10];
	[sflag:s15] =	ssyncadd.s32 $0xFFFFFFFF  }
0x96: {  	s17 =	sld [smem:$0x12];
	(tm) =	ssettm $0x1  }
0x97: {  	s18 =	sld [smem:$0x3FFB];
	_ =	sdelay $0x3  }
0x98: {  	_ =	strace s18  }
0x99: {  	s4 =	sld [smem:$0x3FFC];
	_ =	sdelay $0x3  }
0x9a: {  	_ =	strace s4  }
0x9b: {  	s4 =	sld [smem:$0x3FFD];
	_ =	sdelay $0x3  }
0x9c: {  	_ =	strace s4  }
0x9d: {  	_ =	strace $0x8FFFFFFF  }
0x9e: {  	s19 =	sld [smem:$0x3FDB];
	_ =	sdelay $0x1  }
0x9f: {  	s5 =	simm.s32 $_scs_section_size  }
0xa0: {  	s6 =	simm.s32 $_size__tile_overlayer_lowered;
	s7 =	simm.s32 $_tile_overlayer_lowered  }
0xa1: {  	s22 =	simm.s32 $0x1BFF;
	s21 =	sshll.u32 s7, $0x1;
	s4 =	sadd.s32 s5, s19  }
0xa2: {  	s8 =	simm.s32 $0x0;
	s20 =	sshll.u32 s6, $0x1;
	s6 =	sadd.s32 s21, s4  }
0xa3: {  	[timem:s8], [sflag:s22] =	dma.local [hbm:s6], s20  }
0xa4: {  	_ =	swait.ge [sflag:s22], s20  }
0xa5: {  	s5 =	ssub.s32 $0x0, s20;
	[sflag:s22] =	ssyncset.done $0x0  }
0xa6: {  	[sflag:s22] =	ssyncadd.s32 s5;
	_ =	sdelay $0x1  }
0xa7: {  	s23 =	simm.s32 $0x1B8B  }
0xa8: {  	_ =	swait.ge [sflag:s23], $0x1  }
0xa9: {  	[sflag:s23] =	ssyncset.done $0x0  }
0xaa: {  	s25 =	simm.s32 $0x1B8E;
	s24 =	sld [smem:$0x3FFE];
	[sflag:s23] =	ssyncadd.s32 $0xFFFFFFFF  }
0xab: {  	s26 =	simm.s32 $execute0_lowered;
	[smem:$0x3FD2] =	sst s25  }
0xac: {  	s6 =	sshll.u32 s26, $0x1;
	_ =	strace $0x80000046;
	[dreg:$0x1] =	wrdreg $0xFFFFFFFF  }
0xad: {  	s28 =	simm.s32 $_size_execute0_lowered;
	s4 =	sadd.s32 s4, s6;
	[dreg:$0x0] =	wrdreg $0x0  }
0xae: {  	s6 =	sshll.u32 s28, $0x1;
	[dreg:$0x2] =	wrdreg s4  }
0xaf: {  	[dreg:$0x3] =	wrdreg s6  }
0xb0: {  	[dreg:$0x4] =	wrdreg $0xC0  }
0xb1: {  	_ =	task [dreg:s8], $0x5FFFF  }
0xb2: {  	[dreg:$0x1] =	wrdreg $0xFFFFFFFF  }
0xb3: {  	[dreg:$0x0] =	wrdreg $0x60  }
0xb4: {  	[dreg:$0x2] =	wrdreg s24  }
0xb5: {  	[dreg:$0x3] =	wrdreg s16  }
0xb6: {  	[dreg:$0x4] =	wrdreg s17  }
0xb7: {  	[dreg:$0x5] =	wrdreg $0x9  }
0xb8: {  	_ =	task.clear_ibuf [dreg:s8], $0x6FFFF;
	_ =	strace $0x90000046  }
0xb9: {  	s29 =	simm.s32 $0x9;
	_ =	strace $0x80000048  }
0xba: {  	_ =	swait.ge [sflag:s29], $0x1  }
0xbb: {  	[sflag:s29] =	ssyncadd.s32 $0xFFFFFFFF  }
0xbc: {  	_ =	strace $0x90000048  }
0xbd: {  	_ =	sfence  }
0xbe: {  	s30 =	sld [smem:$0x0];
	_ =	sdelay $0x2  }
0xbf: {  	s31 =	sshll.u32 s1, $0xD;
	s1 =	sshrl.u32 s1, $0x2  }
0xc0: {  	s3 =	sand.u32 $0x4000, s31;
	s1 =	sadd.s32 s1, s30  }
0xc1: {  	s0 =	sor.u32 s3, s0;
	s1 =	sshll.u32 s1, $0x11  }
0xc2: {  	s0 =	sor.u32 s1, s0  }
0xc3: {  	s0 =	sadd.s32 $0x8F2B, s0  }
0xc4: {  	[sflag:s0] =	ssyncadd.remote.s32 $0x1  }
0xc5: {  	_ =	sfence.sel $0xFFFF  }
0xc6: {  	[dreg:$0x0] =	wrdreg $0xFFFFFFFF;
	(pc) =	sbr.abs _section_cstart, $3  }
0xc7: {  	[dreg:$0x1] =	wrdreg $0xFFFFFFFF  }
0xc8: {  	_ =	task.clear_ibuf [dreg:s8], $0x2FFFF;
	_ =	strace $0x9FFFFFFF  }
0xc9: {  	(tm) =	ssettm $0x7FFFFFFF  }
tec
execute0_lowered:
.L_overlay_start_1:
0x0: {  	(tag) =	ssettag $0x1  }
0x1: {  	s0 =	rddreg [dreg:$0x0]  }
0x2: {  	s4 =	rddreg [dreg:$0x1];
	s1 =	simm.s32 $0x0  }
0x3: {  	[smem:$0x7FF] =	sst s1  }
0x4: {  	s2 =	rddreg [dreg:$0x2];
	v0 =	vimm.s32 $0x0;
	_ =	strace $0x80000047  }
0x5: {  	(xrf1) =	vunique.msk.u32 $0xffff, v0;
	_ =	sdelay $0xd  }
0x6: {  	_, v1, _ =	vpop (xrf1)  }
0x7: {  	v1 =	vxor.u32 $0x80000000, v1  }
0x8: {  	(xrf0) =	vmin.scan.msk.u32 $0xffff, v1;
	_ =	sdelay $0x5  }
0x9: {  	v1, _, _ =	vpop (xrf0)  }
0xa: {  	(v2sf) =	vpush v1, $0xF;
	_ =	sdelay $0x8  }
0xb: {  	s3 =	stileid.u32  }
0xc: {  	p0 =	sgt.u32 s3, $0x3  }
.Ltmp0:
0xd: {  	_ = 	snop;
	(pc) =	sbr.rel @p0 .LBB2_50-.Ltmp0, $2  }
0xe: {  	_ =	sdelay $0x2  }
0xf: {  	s3 =	spop (v2sf)  }
0x10: {  	s5 =	srdreg.scid;
	s6 =	stileid.u32  }
0x11: {  	s7 =	sadd.s32 $0xA00, s0;
	s5 =	sand.u32 $0x1, s5;
	s6 =	sshll.u32 s6, $0x1  }
0x12: {  	s8 =	sadd.s32 $0x5A00, s0;
	s29 =	simm.s32 $0x5000;
	s6 =	sor.u32 s5, s6  }
0x13: {  	s30 =	simm.s32 $0xA000;
	s31 =	simm.s32 $0xF010;
	s9 =	smul.u32 $0x5DC, s6  }
0x14: {  	s5 =	ssub.s32 $0x2, s5;
	s10 =	smul.u32 $0xFA, s6;
	s11 =	sshll.u32 s6, $0x8  }
0x15: {  	s12 =	sshrl.u32 s5, $0x1;
	s13 =	sor.u32 $0x4800, s11;
	s15 =	sor.u32 $0x4000, s11  }
0x16: {  	s17 =	sor.u32 $0x3800, s11;
	s19 =	sor.u32 $0x3000, s11;
	s21 =	sor.u32 $0x2800, s11  }
0x17: {  	s23 =	sor.u32 $0x2000, s11;
	s24 =	sor.u32 $0x1800, s11;
	s4 =	sadd.s32 s4, s9  }
0x18: {  	s25 =	sor.u32 $0x1000, s11;
	s14 =	sadd.s32 s8, s13;
	[dreg:$0x4] =	wrdreg s4  }
0x19: {  	s26 =	sor.u32 $0x800, s11;
	s9 =	sadd.s32 s7, s13;
	[dreg:$0x5] =	wrdreg s14  }
0x1a: {  	s16 =	sadd.s32 s8, s15;
	s18 =	sadd.s32 s8, s17;
	[dreg:$0x6] =	wrdreg s9  }
0x1b: {  	s20 =	sadd.s32 s8, s19;
	s22 =	sadd.s32 s8, s21;
	[dreg:$0x7] =	wrdreg s16  }
0x1c: {  	s13 =	sshll.u32 s6, $0xE;
	s6 =	simm.s32 $0x0;
	[dreg:$0x9] =	wrdreg s18  }
0x1d: {  	s4 =	ssub.s32 s5, s12;
	s5 =	sadd.s32 s7, s15;
	[dreg:$0xb] =	wrdreg s20  }
0x1e: {  	s9 =	sadd.s32 s7, s17;
	[dreg:$0xd] =	wrdreg s22;
	s14 =	sadd.s32 s8, s23  }
0x1f: {  	s15 =	sadd.s32 s7, s23;
	s16 =	sadd.s32 s8, s24;
	s17 =	sadd.s32 s7, s24  }
0x20: {  	v2 =	vlaneseq.u32;
	v6 =	vimm.s32 $0x2040600;
	s18 =	sadd.s32 s8, s25;
	s20 =	sadd.s32 s8, s26;
	s22 =	sadd.s32 s8, s11  }
0x21: {  	v8 =	vimm.s32 $0x3050701;
	v10 =	vimm.s32 $0x4060002;
	v12 =	vimm.s32 $0x5070103;
	s23 =	sadd.s32 s7, s11;
	s24 =	sadd.s32 s2, s10;
	s11 =	sadd.s32 s10, s0  }
0x22: {  	v14 =	vimm.s32 $0x6000204;
	v16 =	vimm.s32 $0x7010305;
	v3 =	vmul.u32 $0x6, v2;
	s12 =	sxor.u32 $0x80000000, s3;
	s2 =	simm.s32 $0x14020;
	[dreg:$0x8] =	wrdreg s5  }
.Ltmp1:
0x23: {  	v6 =	vunpack.c.0.s8.s32 v6;
	v8 =	vunpack.c.0.s8.s32 v8;
	v10 =	vunpack.c.0.s8.s32 v10;
	s3 =	simm.s32 $0x16020;
	[dreg:$0xa] =	wrdreg s9;
	(pc) =	sbr.rel .LBB2_2-.Ltmp1, $4  }
0x24: {  	v12 =	vunpack.c.0.s8.s32 v12;
	v14 =	vunpack.c.0.s8.s32 v14;
	v16 =	vunpack.c.0.s8.s32 v16;
	s5 =	sadd.s32 s7, s19;
	s9 =	sadd.s32 s7, s21;
	s19 =	sadd.s32 s7, s25  }
0x25: {  	v7 =	vor.u32 $0x1, v3;
	v9 =	vadd.s32 $0x2, v3;
	s21 =	sadd.s32 s7, s26;
	s25 =	sadd.s32 $0xAA00, s0;
	s26 =	sadd.s32 $0x32A00, s11;
	v1 =	vmov s12  }
0x26: {  	v11 =	vadd.s32 $0x3, v3;
	v13 =	vadd.s32 $0x4, v3;
	s28 =	smax.u32 s4, $0x1;
	s0 =	simm.s32 $0x1;
	[dreg:$0xc] =	wrdreg s5;
	v5 =	vsub.s32 $0x1, v1  }
0x27: {  	v15 =	vadd.s32 $0x5, v3;
	v4 =	vmov s13;
	s4 =	simm.s32 $0x2;
	[dreg:$0xe] =	wrdreg s9;
	s5 =	simm.s32 $0x19EA0;
	v5 =	vbroadcast v5, $0x0  }
.LBB2_35:
0x28: {  	s9 =	smov.u32 s8  }
.LBB2_48:
0x29: {  	s9 =	sadd.s32 @p0 $0x10, s9  }
0x2a: {  	s8 =	smov.u32 @p0 s9  }
0x2b: {  	v19 =	vor.u32 s8, v2  }
0x2c: {  	vm0 =	vlt.s32 v19, v17  }
0x2d: {  	v17 =	vnsel vm0, $0xBF800000, v18  }
0x2e: {  	[tilespmem:s7+$0x0] =	vst v17  }
.LBB2_49:
0x2f: {  	s6 =	sadd.s32 $0x1, s6  }
0x30: {  	p0 =	sne.s32 s6, s28  }
.Ltmp2:
0x31: {  	s7 =	rddreg [dreg:$0x4];
	(pc) =	sbr.rel @!p0 .LBB2_50-.Ltmp2, $4  }
0x32: {  	[hbm4b:s7+s1] =	stream.linear.scatter [tilespmem:s5], [sflag:$0x2], $0x2EE0, $0x38;
	[tilespmem:$0x1CD80] =	vst v63  }
0x33: {  	_ =	swait.ge [sflag:s4], $0x2EE0  }
0x34: {  	[sflag:s4] =	ssyncset.done $0x0  }
0x35: {  	[sflag:s4] =	ssyncadd.s32 $0xFFFFD120  }
.LBB2_2:
0x36: {  	s7 =	simm.s32 $0x0  }
0x37: {  	[tilespmem:s7], [sflag:$0x1] =	stream.linear.gather [hbm4b:s23+s7], $0x800, $0x38;
	[tilespmem:$0x1CD80] =	vst v63  }
0x38: {  	_ = 	snop  }
0x39: {  	[tilespmem:s29], [sflag:$0x1] =	stream.linear.gather [hbm4b:s22+s7], $0x800, $0x38;
	[tilespmem:$0x1CD80] =	vst v63  }
0x3a: {  	s8 =	simm.s32 $0x800  }
0x3b: {  	[tilespmem:s8], [sflag:$0x1] =	stream.linear.gather [hbm4b:s21+s7], $0x800, $0x38;
	[tilespmem:$0x1CD80] =	vst v63  }
0x3c: {  	s9 =	simm.s32 $0x5800  }
0x3d: {  	[tilespmem:s9], [sflag:$0x1] =	stream.linear.gather [hbm4b:s20+s7], $0x800, $0x38;
	[tilespmem:$0x1CD80] =	vst v63  }
0x3e: {  	s10 =	simm.s32 $0x1000  }
0x3f: {  	[tilespmem:s10], [sflag:$0x1] =	stream.linear.gather [hbm4b:s19+s7], $0x800, $0x38;
	[tilespmem:$0x1CD80] =	vst v63  }
0x40: {  	s11 =	simm.s32 $0x6000  }
0x41: {  	[tilespmem:s11], [sflag:$0x1] =	stream.linear.gather [hbm4b:s18+s7], $0x800, $0x38;
	[tilespmem:$0x1CD80] =	vst v63  }
0x42: {  	s12 =	simm.s32 $0x1800  }
0x43: {  	[tilespmem:s12], [sflag:$0x1] =	stream.linear.gather [hbm4b:s17+s7], $0x800, $0x38;
	[tilespmem:$0x1CD80] =	vst v63  }
0x44: {  	s13 =	simm.s32 $0x6800  }
0x45: {  	[tilespmem:s13], [sflag:$0x1] =	stream.linear.gather [hbm4b:s16+s7], $0x800, $0x38;
	[tilespmem:$0x1CD80] =	vst v63  }
0x46: {  	s9 =	simm.s32 $0x2000  }
0x47: {  	[tilespmem:s9], [sflag:$0x1] =	stream.linear.gather [hbm4b:s15+s7], $0x800, $0x38;
	[tilespmem:$0x1CD80] =	vst v63  }
0x48: {  	s10 =	simm.s32 $0x7000  }
0x49: {  	[tilespmem:s10], [sflag:$0x1] =	stream.linear.gather [hbm4b:s14+s7], $0x800, $0x38;
	[tilespmem:$0x1CD80] =	vst v63  }
0x4a: {  	s11 =	rddreg [dreg:$0xe];
	s9 =	simm.s32 $0x2800  }
0x4b: {  	[tilespmem:s9], [sflag:$0x1] =	stream.linear.gather [hbm4b:s11+s7], $0x800, $0x38;
	[tilespmem:$0x1CD80] =	vst v63  }
0x4c: {  	s12 =	rddreg [dreg:$0xd];
	s13 =	simm.s32 $0x7800  }
0x4d: {  	[tilespmem:s13], [sflag:$0x1] =	stream.linear.gather [hbm4b:s12+s7], $0x800, $0x38;
	[tilespmem:$0x1CD80] =	vst v63  }
0x4e: {  	s10 =	rddreg [dreg:$0xc];
	s11 =	simm.s32 $0x3000  }
0x4f: {  	[tilespmem:s11], [sflag:$0x1] =	stream.linear.gather [hbm4b:s10+s7], $0x800, $0x38;
	[tilespmem:$0x1CD80] =	vst v63  }
0x50: {  	s12 =	rddreg [dreg:$0xb];
	s13 =	simm.s32 $0x8000  }
0x51: {  	[tilespmem:s13], [sflag:$0x1] =	stream.linear.gather [hbm4b:s12+s7], $0x800, $0x38;
	[tilespmem:$0x1CD80] =	vst v63  }
0x52: {  	s10 =	rddreg [dreg:$0xa];
	s11 =	simm.s32 $0x3800  }
0x53: {  	[tilespmem:s11], [sflag:$0x1] =	stream.linear.gather [hbm4b:s10+s7], $0x800, $0x38;
	[tilespmem:$0x1CD80] =	vst v63  }
0x54: {  	s12 =	rddreg [dreg:$0x9];
	s13 =	simm.s32 $0x8800  }
0x55: {  	[tilespmem:s13], [sflag:$0x1] =	stream.linear.gather [hbm4b:s12+s7], $0x800, $0x38;
	[tilespmem:$0x1CD80] =	vst v63  }
0x56: {  	s10 =	rddreg [dreg:$0x8];
	s11 =	simm.s32 $0x4000  }
0x57: {  	[tilespmem:s11], [sflag:$0x1] =	stream.linear.gather [hbm4b:s10+s7], $0x800, $0x38;
	[tilespmem:$0x1CD80] =	vst v63  }
0x58: {  	s12 =	rddreg [dreg:$0x7];
	s13 =	simm.s32 $0x9000  }
0x59: {  	[tilespmem:s13], [sflag:$0x1] =	stream.linear.gather [hbm4b:s12+s7], $0x800, $0x38;
	[tilespmem:$0x1CD80] =	vst v63  }
0x5a: {  	s10 =	rddreg [dreg:$0x6];
	s11 =	simm.s32 $0x4800  }
0x5b: {  	[tilespmem:s11], [sflag:$0x1] =	stream.linear.gather [hbm4b:s10+s7], $0x800, $0x38;
	[tilespmem:$0x1CD80] =	vst v63  }
0x5c: {  	s12 =	rddreg [dreg:$0x5];
	s13 =	simm.s32 $0x9800  }
0x5d: {  	[tilespmem:s13], [sflag:$0x1] =	stream.linear.gather [hbm4b:s12+s7], $0x800, $0x38;
	[tilespmem:$0x1CD80] =	vst v63  }
0x5e: {  	s8 =	simm.s32 $0x0;
	s7 =	simm.s32 $0x40  }
.LBB2_3:
0x5f: {  	p0 =	sne.s32 s7, $0x7FC0;
	[tilespmem:s8+$0x14020] =	vst v0;
	s8 =	smov.u32 s7;
	s7 =	sadd.s32 $0x40, s7  }
.Ltmp3:
0x60: {  	(pc) =	sbr.rel @p0 .LBB2_3-.Ltmp3, $2  }
0x61: {  	_ =	sdelay $0x2  }
0x62: {  	s8 =	sshra.s32 s8, $0x2  }
0x63: {  	[tilespmem:s8+$0x14020] =	vst v0  }
0x64: {  	_ =	swait.ge [sflag:s0], $0x800  }
0x65: {  	[sflag:s0] =	ssyncset.done $0x0  }
0x66: {  	[sflag:s0] =	ssyncadd.s32 $0xFFFFF800  }
0x67: {  	_ =	swait.ge [sflag:s0], $0x800  }
0x68: {  	[sflag:s0] =	ssyncset.done $0x0  }
0x69: {  	[sflag:s0] =	ssyncadd.s32 $0xFFFFF800  }
0x6a: {  	_ =	swait.ge [sflag:s0], $0x800  }
0x6b: {  	[sflag:s0] =	ssyncset.done $0x0  }
0x6c: {  	[sflag:s0] =	ssyncadd.s32 $0xFFFFF800  }
0x6d: {  	_ =	swait.ge [sflag:s0], $0x800  }
0x6e: {  	[sflag:s0] =	ssyncset.done $0x0  }
0x6f: {  	[sflag:s0] =	ssyncadd.s32 $0xFFFFF800  }
0x70: {  	_ =	swait.ge [sflag:s0], $0x800  }
0x71: {  	[sflag:s0] =	ssyncset.done $0x0  }
0x72: {  	[sflag:s0] =	ssyncadd.s32 $0xFFFFF800  }
0x73: {  	_ =	swait.ge [sflag:s0], $0x800  }
0x74: {  	[sflag:s0] =	ssyncset.done $0x0  }
0x75: {  	[sflag:s0] =	ssyncadd.s32 $0xFFFFF800  }
0x76: {  	_ =	swait.ge [sflag:s0], $0x800  }
0x77: {  	[sflag:s0] =	ssyncset.done $0x0  }
0x78: {  	[sflag:s0] =	ssyncadd.s32 $0xFFFFF800  }
0x79: {  	_ =	swait.ge [sflag:s0], $0x800  }
0x7a: {  	[sflag:s0] =	ssyncset.done $0x0  }
0x7b: {  	[sflag:s0] =	ssyncadd.s32 $0xFFFFF800  }
0x7c: {  	_ =	swait.ge [sflag:s0], $0x800  }
0x7d: {  	[sflag:s0] =	ssyncset.done $0x0  }
0x7e: {  	[sflag:s0] =	ssyncadd.s32 $0xFFFFF800  }
0x7f: {  	_ =	swait.ge [sflag:s0], $0x800  }
0x80: {  	[sflag:s0] =	ssyncset.done $0x0  }
0x81: {  	[sflag:s0] =	ssyncadd.s32 $0xFFFFF800  }
0x82: {  	_ =	swait.ge [sflag:s0], $0x800  }
0x83: {  	[sflag:s0] =	ssyncset.done $0x0  }
0x84: {  	[sflag:s0] =	ssyncadd.s32 $0xFFFFF800  }
0x85: {  	_ =	swait.ge [sflag:s0], $0x800  }
0x86: {  	[sflag:s0] =	ssyncset.done $0x0  }
0x87: {  	[sflag:s0] =	ssyncadd.s32 $0xFFFFF800  }
0x88: {  	_ =	swait.ge [sflag:s0], $0x800  }
0x89: {  	[sflag:s0] =	ssyncset.done $0x0  }
0x8a: {  	[sflag:s0] =	ssyncadd.s32 $0xFFFFF800  }
0x8b: {  	_ =	swait.ge [sflag:s0], $0x800  }
0x8c: {  	[sflag:s0] =	ssyncset.done $0x0  }
0x8d: {  	[sflag:s0] =	ssyncadd.s32 $0xFFFFF800  }
0x8e: {  	_ =	swait.ge [sflag:s0], $0x800  }
0x8f: {  	[sflag:s0] =	ssyncset.done $0x0  }
0x90: {  	[sflag:s0] =	ssyncadd.s32 $0xFFFFF800  }
0x91: {  	_ =	swait.ge [sflag:s0], $0x800  }
0x92: {  	[sflag:s0] =	ssyncset.done $0x0  }
0x93: {  	[sflag:s0] =	ssyncadd.s32 $0xFFFFF800  }
0x94: {  	_ =	swait.ge [sflag:s0], $0x800  }
0x95: {  	[sflag:s0] =	ssyncset.done $0x0  }
0x96: {  	[sflag:s0] =	ssyncadd.s32 $0xFFFFF800  }
0x97: {  	_ =	swait.ge [sflag:s0], $0x800  }
0x98: {  	[sflag:s0] =	ssyncset.done $0x0  }
0x99: {  	[sflag:s0] =	ssyncadd.s32 $0xFFFFF800  }
0x9a: {  	_ =	swait.ge [sflag:s0], $0x800  }
0x9b: {  	[sflag:s0] =	ssyncset.done $0x0  }
0x9c: {  	[sflag:s0] =	ssyncadd.s32 $0xFFFFF800  }
0x9d: {  	_ =	swait.ge [sflag:s0], $0x800  }
0x9e: {  	[sflag:s0] =	ssyncset.done $0x0  }
0x9f: {  	s8 =	simm.s32 $0x0;
	s7 =	simm.s32 $0x0;
	[sflag:s0] =	ssyncadd.s32 $0xFFFFF800  }
.LBB2_5:
0xa0: {  	s10 =	sshra.s32 s7, $0x2  }
0xa1: {  	v17 =	vld [tilespmem:s10+$0x0];
	_ =	sdelay $0x4  }
0xa2: {  	v17 =	vxor.u32 $0xFFFFFFFF, v17  }
0xa3: {  	v17 =	vshrl.u32 v17, $0xD  }
0xa4: {  	v17 =	vand.u32 $0x1FFF, v17  }
0xa5: {  	(xrf1) =	vunique.msk.u32 $0xffff, v17;
	_ =	sdelay $0xd  }
0xa6: {  	_, v18, vm0 =	vpop (xrf1);
	_ =	sdelay $0x4  }
0xa7: {  	s9 =	simm.s32 $0x14020;
	v18 =	vadd.s32 v18, v5  }
0xa8: {  	[tilespmem:v17+s9+$0x0] =	vst.idx.add.s32.msk vm0, v18  }
0xa9: {  	v17 =	vld [tilespmem:s10+$0x10];
	_ =	sdelay $0x4  }
0xaa: {  	v17 =	vxor.u32 $0xFFFFFFFF, v17  }
0xab: {  	v17 =	vshrl.u32 v17, $0xD  }
0xac: {  	v17 =	vand.u32 $0x1FFF, v17  }
0xad: {  	(xrf1) =	vunique.msk.u32 $0xffff, v17;
	_ =	sdelay $0xd  }
0xae: {  	_, v18, vm0 =	vpop (xrf1)  }
0xaf: {  	p0 =	seq.s32 s7, $0x13F80  }
.Ltmp4:
0xb0: {  	_ = 	snop;
	(pc) =	sbr.rel @!p0 .LBB2_5-.Ltmp4, $3  }
0xb1: {  	_ =	sdelay $0x1  }
0xb2: {  	v18 =	vadd.s32 v18, v5  }
0xb3: {  	s7 =	sadd.s32 $0x80, s7;
	[tilespmem:v17+s9+$0x0] =	vst.idx.add.s32.msk vm0, v18  }
0xb4: {  	v17 =	vld [tilespmem:s9+$0x0];
	_ =	sdelay $0x4  }
0xb5: {  	(xrf0) =	vadd.scan.msk.s32 $0xffff, v17;
	_ =	sdelay $0x5  }
0xb6: {  	v17, _, _ =	vpop (xrf0)  }
0xb7: {  	v17 =	vadd.s32 s8, v17  }
0xb8: {  	vm0 =	vgt.s32 v17, $0x7CF;
	v17 =	vxor.u32 $0x80000000, v17  }
0xb9: {  	v18 =	vmpcnt.ones.xlane vm0;
	(xrf0) =	vmax.scan.msk.u32 $0xffff, v17;
	_ =	sdelay $0x1  }
0xba: {  	v17 =	vxor.u32 $0x80000000, v18  }
0xbb: {  	(xrf0) =	vmax.scan.msk.u32 $0xffff, v17;
	_ =	sdelay $0x2  }
0xbc: {  	v17, _, _ =	vpop (xrf0)  }
0xbd: {  	(v2sf) =	vpush v17, $0xF;
	_ =	sdelay $0x1  }
0xbe: {  	v17, _, _ =	vpop (xrf0)  }
0xbf: {  	(v2sf) =	vpush v17, $0xF  }
0xc0: {  	s8 =	simm.s32 $0x14030  }
0xc1: {  	v17 =	vld [tilespmem:s8+$0x0];
	_ =	sdelay $0x4  }
0xc2: {  	(xrf0) =	vadd.scan.msk.s32 $0xffff, v17;
	_ =	sdelay $0x4  }
0xc3: {  	s12 =	spop (v2sf)  }
0xc4: {  	v17, _, _ =	vpop (xrf0);
	s9 =	sxor.u32 $0x80000000, s12  }
0xc5: {  	v17 =	vadd.s32 s9, v17  }
0xc6: {  	vm15 =	vgt.s32 v17, $0x7CF;
	s13 =	spop (v2sf)  }
0xc7: {  	v17 =	vxor.u32 $0x80000000, v17;
	v18 =	vmpcnt.ones.xlane vm15;
	s10 =	sxor.u32 $0x80000000, s13  }
0xc8: {  	s11 =	ssub.s32 $0x80000010, s13;
	(xrf0) =	vmax.scan.msk.u32 $0xffff, v17;
	p0 =	sgt.s32 s10, $0x0  }
0xc9: {  	s9 =	simm.s32 $0x80000020;
	v17 =	vxor.u32 $0x80000000, v18;
	s11 =	simm.s32 @!p0 $0x2000  }
0xca: {  	s7 =	simm.s32 $0x2000;
	s10 =	simm.s32 $0x80000030;
	(xrf0) =	vmax.scan.msk.u32 $0xffff, v17;
	p1 =	sgt.s32 s11, $0x2000  }
.LBB2_7:
0xcb: {  	s12 =	smov.u32 s7;
	p0 =	seq.s32 s10, $0x80002000;
	s7 =	smov.u32 s11  }
0xcc: {  	s7 =	smov.u32 @p1 s12;
	s12 =	smov.u32 s10;
	s10 =	sadd.s32 $0x10, s10  }
0xcd: {  	_ = 	snop  }
0xce: {  	v17, _, _ =	vpop (xrf0)  }
0xcf: {  	(v2sf) =	vpush v17, $0xF;
	_ =	sdelay $0x1  }
0xd0: {  	v17, _, _ =	vpop (xrf0)  }
0xd1: {  	(v2sf) =	vpush v17, $0xF  }
0xd2: {  	s8 =	sadd.s32 $0x10, s8  }
0xd3: {  	v17 =	vld [tilespmem:s8+$0x0];
	_ =	sdelay $0x4  }
0xd4: {  	(xrf0) =	vadd.scan.msk.s32 $0xffff, v17;
	_ =	sdelay $0x4  }
0xd5: {  	s11 =	spop (v2sf)  }
0xd6: {  	v17, _, _ =	vpop (xrf0);
	s11 =	sxor.u32 $0x80000000, s11  }
0xd7: {  	v17 =	vadd.s32 s11, v17  }
.Ltmp5:
0xd8: {  	vm0 =	vgt.s32 v17, $0x7CF;
	v17 =	vxor.u32 $0x80000000, v17;
	s11 =	spop (v2sf);
	(pc) =	sbr.rel @!p0 .LBB2_7-.Ltmp5, $4  }
0xd9: {  	v18 =	vmpcnt.ones.xlane vm0;
	(xrf0) =	vmax.scan.msk.u32 $0xffff, v17;
	s13 =	sxor.u32 $0x80000000, s11  }
0xda: {  	s11 =	ssub.s32 s9, s11;
	s9 =	smov.u32 s12;
	p1 =	sgt.s32 s13, $0x0  }
0xdb: {  	v17 =	vxor.u32 $0x80000000, v18;
	s11 =	simm.s32 @!p1 $0x2000  }
0xdc: {  	(xrf0) =	vmax.scan.msk.u32 $0xffff, v17;
	p1 =	slt.s32 s7, s11  }
0xdd: {  	_ =	sdelay $0x3  }
0xde: {  	v17, _, _ =	vpop (xrf0)  }
0xdf: {  	(v2sf) =	vpush v17, $0xF;
	v17, _, _ =	vpop (xrf0)  }
0xe0: {  	(v2sf) =	vpush v17, $0xF;
	_ =	sdelay $0xd  }
0xe1: {  	s8 =	spop (v2sf)  }
0xe2: {  	s8 =	spop (v2sf)  }
0xe3: {  	s10 =	sxor.u32 $0x80000000, s8  }
0xe4: {  	p0 =	sgt.s32 s10, $0x0;
	s10 =	simm.s32 $0x0  }
0xe5: {  	v18 =	vld [tilespmem:s10+$0x0];
	_ =	sdelay $0x2  }
0xe6: {  	s8 =	ssub.s32 s9, s8  }
0xe7: {  	s11 =	smov.u32 @p1 s7;
	s8 =	simm.s32 @!p0 $0x2000  }
0xe8: {  	v19 =	vld [tilespmem:s10+$0x5000];
	p0 =	slt.s32 s11, s8;
	v20 =	vxor.u32 $0xFFFFFFFF, v18  }
0xe9: {  	s8 =	smov.u32 @p0 s11;
	v20 =	vshrl.u32 v20, $0xD  }
0xea: {  	v17 =	vmov s8;
	v20 =	vand.u32 $0x1FFF, v20  }
0xeb: {  	s9 =	simm.s32 $0x0;
	vm0 =	vle.s32 v20, v17  }
0xec: {  	[tilespmem:s9+$0xA000] =	vst.msk vm0, v18;
	v18 =	vmpcnt.ones.xlane vm0  }
0xed: {  	[tilespmem:s9+$0xF010] =	vst.msk vm0, v19  }
0xee: {  	v18 =	vxor.u32 $0x80000000, v18;
	v19 =	vld [tilespmem:s10+$0x10]  }
0xef: {  	(xrf0) =	vmax.scan.msk.u32 $0xffff, v18;
	_ =	sdelay $0x3  }
0xf0: {  	v18 =	vxor.u32 $0xFFFFFFFF, v19  }
0xf1: {  	v18 =	vshrl.u32 v18, $0xD  }
0xf2: {  	v18 =	vand.u32 $0x1FFF, v18;
	v20, _, _ =	vpop (xrf0)  }
0xf3: {  	vm15 =	vle.s32 v18, v17;
	(v2sf) =	vpush v20, $0xF  }
0xf4: {  	v18 =	vmpcnt.ones.xlane vm15;
	_ =	sdelay $0x1  }
0xf5: {  	v18 =	vxor.u32 $0x80000000, v18  }
0xf6: {  	(xrf0) =	vmax.scan.msk.u32 $0xffff, v18;
	_ =	sdelay $0x5  }
0xf7: {  	v18, _, _ =	vpop (xrf0)  }
0xf8: {  	(v2sf) =	vpush v18, $0xF;
	_ =	sdelay $0x2  }
0xf9: {  	v18 =	vld [tilespmem:s10+$0x5010]  }
0xfa: {  	s11 =	spop (v2sf)  }
0xfb: {  	s7 =	sadd.s32 $0x0, s11  }
0xfc: {  	s12 =	sadd.s32 $0x80000000, s7  }
0xfd: {  	[tilespmem:s12+$0xA000] =	vst.msk vm15, v19  }
0xfe: {  	s7 =	simm.s32 $0x20;
	[tilespmem:s12+$0xF010] =	vst.msk vm15, v18  }
0xff: {  	v18 =	vld [tilespmem:s7+$0x0];
	_ =	sdelay $0x4  }
0x100: {  	v19 =	vxor.u32 $0xFFFFFFFF, v18  }
0x101: {  	v20 =	vshrl.u32 v19, $0xD;
	s13 =	spop (v2sf);
	v19 =	vld [tilespmem:s7+$0x5000]  }
0x102: {  	s8 =	simm.s32 $0x100;
	v20 =	vand.u32 $0x1FFF, v20;
	s9 =	sadd.s32 s13, s12  }
.LBB2_9:
0x103: {  	p0 =	sne.s32 s8, $0x13F80  }
0x104: {  	vm0 =	vle.s32 v20, v17;
	s9 =	sadd.s32 $0x80000000, s9;
	s10 =	smov.u32 s8;
	s8 =	sadd.s32 $0x80, s8  }
0x105: {  	[tilespmem:s9+$0xA000] =	vst.msk vm0, v18;
	v18 =	vmpcnt.ones.xlane vm0  }
0x106: {  	[tilespmem:s9+$0xF010] =	vst.msk vm0, v19  }
0x107: {  	v18 =	vxor.u32 $0x80000000, v18;
	v19 =	vld [tilespmem:s7+$0x10]  }
0x108: {  	(xrf0) =	vmax.scan.msk.u32 $0xffff, v18;
	_ =	sdelay $0x3  }
0x109: {  	v18 =	vxor.u32 $0xFFFFFFFF, v19  }
0x10a: {  	v18 =	vshrl.u32 v18, $0xD  }
0x10b: {  	v18 =	vand.u32 $0x1FFF, v18;
	v20, _, _ =	vpop (xrf0)  }
0x10c: {  	vm0 =	vle.s32 v18, v17;
	(v2sf) =	vpush v20, $0xF  }
0x10d: {  	v18 =	vmpcnt.ones.xlane vm0;
	_ =	sdelay $0x1  }
0x10e: {  	v18 =	vxor.u32 $0x80000000, v18  }
0x10f: {  	(xrf0) =	vmax.scan.msk.u32 $0xffff, v18;
	_ =	sdelay $0x5  }
0x110: {  	v18, _, _ =	vpop (xrf0)  }
0x111: {  	(v2sf) =	vpush v18, $0xF;
	_ =	sdelay $0x2  }
0x112: {  	v18 =	vld [tilespmem:s7+$0x5010]  }
0x113: {  	s7 =	spop (v2sf)  }
0x114: {  	s7 =	sadd.s32 s7, s9  }
0x115: {  	s9 =	sadd.s32 $0x80000000, s7  }
0x116: {  	[tilespmem:s9+$0xA000] =	vst.msk vm0, v19  }
0x117: {  	s7 =	sshra.s32 s10, $0x2;
	[tilespmem:s9+$0xF010] =	vst.msk vm0, v18  }
0x118: {  	v18 =	vld [tilespmem:s7+$0x0];
	_ =	sdelay $0x2  }
.Ltmp6:
0x119: {  	(pc) =	sbr.rel @p0 .LBB2_9-.Ltmp6, $4  }
0x11a: {  	_ = 	snop  }
0x11b: {  	v19 =	vld [tilespmem:s7+$0x5000];
	v20 =	vxor.u32 $0xFFFFFFFF, v18  }
0x11c: {  	v20 =	vshrl.u32 v20, $0xD;
	s10 =	spop (v2sf)  }
0x11d: {  	v20 =	vand.u32 $0x1FFF, v20;
	s9 =	sadd.s32 s10, s9  }
0x11e: {  	vm0 =	vle.s32 v20, v17;
	s8 =	sadd.s32 $0x80000000, s9  }
0x11f: {  	[tilespmem:s8+$0xA000] =	vst.msk vm0, v18  }
0x120: {  	[tilespmem:s8+$0xF010] =	vst.msk vm0, v19  }
0x121: {  	v18 =	vld [tilespmem:s7+$0x10];
	_ =	sdelay $0x4  }
0x122: {  	v19 =	vxor.u32 $0xFFFFFFFF, v18  }
0x123: {  	v19 =	vshrl.u32 v19, $0xD  }
0x124: {  	v20 =	vmpcnt.ones.xlane vm0;
	v19 =	vand.u32 $0x1FFF, v19  }
0x125: {  	vm15 =	vle.s32 v19, v17  }
0x126: {  	v17 =	vxor.u32 $0x80000000, v20;
	v19 =	vmpcnt.ones.xlane vm15  }
0x127: {  	(xrf0) =	vmax.scan.msk.u32 $0xffff, v17  }
0x128: {  	v17 =	vxor.u32 $0x80000000, v19  }
0x129: {  	(xrf0) =	vmax.scan.msk.u32 $0xffff, v17;
	_ =	sdelay $0x3  }
0x12a: {  	v17, _, _ =	vpop (xrf0)  }
0x12b: {  	(v2sf) =	vpush v17, $0xF  }
0x12c: {  	v17, _, _ =	vpop (xrf0)  }
0x12d: {  	(v2sf) =	vpush v17, $0xF;
	_ =	sdelay $0xb  }
0x12e: {  	v17 =	vld [tilespmem:s7+$0x5010]  }
0x12f: {  	s11 =	spop (v2sf)  }
0x130: {  	s7 =	sadd.s32 s11, s8  }
0x131: {  	s7 =	sadd.s32 $0x80000000, s7;
	s12 =	spop (v2sf)  }
0x132: {  	[tilespmem:s7+$0xA000] =	vst.msk vm15, v18;
	s8 =	sadd.s32 s12, s7  }
0x133: {  	[tilespmem:s7+$0xF010] =	vst.msk vm15, v17;
	s13 =	sadd.s32 $0x80000000, s8  }
0x134: {  	[tilespmem:s13+$0xA000] =	vst v0  }
0x135: {  	[tilespmem:s13+$0xF010] =	vst v0  }
0x136: {  	[tilespmem:$0x14020] =	vst v0  }
0x137: {  	[tilespmem:$0x14030] =	vst v0  }
0x138: {  	[tilespmem:$0x14040] =	vst v0  }
0x139: {  	[tilespmem:$0x14050] =	vst v0  }
0x13a: {  	[tilespmem:$0x14060] =	vst v0  }
0x13b: {  	[tilespmem:$0x14070] =	vst v0  }
0x13c: {  	[tilespmem:$0x14080] =	vst v0  }
0x13d: {  	[tilespmem:$0x14090] =	vst v0  }
0x13e: {  	[tilespmem:$0x140A0] =	vst v0  }
0x13f: {  	[tilespmem:$0x140B0] =	vst v0  }
0x140: {  	[tilespmem:$0x140C0] =	vst v0  }
0x141: {  	[tilespmem:$0x140D0] =	vst v0  }
0x142: {  	[tilespmem:$0x140E0] =	vst v0  }
0x143: {  	[tilespmem:$0x140F0] =	vst v0  }
0x144: {  	[tilespmem:$0x14100] =	vst v0  }
0x145: {  	[tilespmem:$0x14110] =	vst v0  }
0x146: {  	[tilespmem:$0x14120] =	vst v0  }
0x147: {  	[tilespmem:$0x14130] =	vst v0  }
0x148: {  	[tilespmem:$0x14140] =	vst v0  }
0x149: {  	[tilespmem:$0x14150] =	vst v0  }
0x14a: {  	[tilespmem:$0x14160] =	vst v0  }
0x14b: {  	[tilespmem:$0x14170] =	vst v0  }
0x14c: {  	[tilespmem:$0x14180] =	vst v0  }
0x14d: {  	[tilespmem:$0x14190] =	vst v0  }
0x14e: {  	s7 =	sadd.s32 $0xF, s13;
	[tilespmem:$0x141A0] =	vst v0  }
0x14f: {  	[tilespmem:$0x141B0] =	vst v0;
	s7 =	sshra.s32 s7, $0x4  }
0x150: {  	[tilespmem:$0x141C0] =	vst v0;
	p0 =	sgt.s32 s7, $0x0  }
.Ltmp7:
0x151: {  	[tilespmem:$0x141D0] =	vst v0;
	(pc) =	sbr.rel @!p0 .LBB2_11-.Ltmp7, $4  }
0x152: {  	[tilespmem:$0x141E0] =	vst v0  }
0x153: {  	[tilespmem:$0x141F0] =	vst v0  }
0x154: {  	[tilespmem:$0x14200] =	vst v0  }
0x155: {  	s8 =	simm.s32 $0xA000;
	[tilespmem:$0x14210] =	vst v0  }
0x156: {  	p1 =	seq.s32 s7, $0x1  }
.Ltmp8:
0x157: {  	_ = 	snop;
	(pc) =	sbr.rel @p1 .LBB2_38-.Ltmp8, $2  }
0x158: {  	_ =	sdelay $0x2  }
0x159: {  	v17 =	vld [tilespmem:s8+$0x0];
	s9 =	sadd.s32 $0xFFFFFFFF, s7  }
.LBB2_37:
0x15a: {  	p1 =	seq.s32 s9, $0x1;
	_ =	sdelay $0x3  }
0x15b: {  	v17 =	vandn.u32 $0x1FF, v17  }
0x15c: {  	(xrf1) =	vunique.msk.u32 $0xffff, v17;
	_ =	sdelay $0xd  }
0x15d: {  	_, v18, vm0 =	vpop (xrf1);
	_ =	sdelay $0x2  }
.Ltmp9:
0x15e: {  	(pc) =	sbr.rel @!p1 .LBB2_37-.Ltmp9, $4  }
0x15f: {  	_ = 	snop  }
0x160: {  	v18 =	vadd.s32 v18, v5  }
0x161: {  	s8 =	sadd.s32 $0x10, s8;
	[tilespmem:v17+s2+$0x0] =	vst.idx.add.s32.msk vm0, v18  }
0x162: {  	s9 =	sadd.s32 $0xFFFFFFFF, s9;
	v17 =	vld [tilespmem:s8+$0x0]  }
.LBB2_38:
0x163: {  	_ =	sdelay $0x3  }
0x164: {  	v17 =	vandn.u32 $0x1FF, v17  }
0x165: {  	(xrf1) =	vunique.msk.u32 $0xffff, v17;
	_ =	sdelay $0xd  }
0x166: {  	_, v18, vm0 =	vpop (xrf1);
	_ =	sdelay $0x4  }
0x167: {  	v18 =	vadd.s32 v18, v5  }
0x168: {  	[tilespmem:v17+s2+$0x0] =	vst.idx.add.s32.msk vm0, v18  }
.LBB2_11:
0x169: {  	s9 =	simm.s32 $0x0  }
0x16a: {  	v17 =	vld [tilespmem:s9+$0x14020];
	_ =	sdelay $0x4  }
0x16b: {  	(xrf0) =	vadd.scan.msk.s32 $0xffff, v17;
	_ =	sdelay $0x5  }
0x16c: {  	v18, _, _ =	vpop (xrf0)  }
0x16d: {  	v19 =	vxor.u32 $0x80000000, v18  }
0x16e: {  	(xrf0) =	vmax.scan.msk.u32 $0xffff, v19;
	_ =	sdelay $0x3  }
0x16f: {  	s8 =	simm.s32 $0x0  }
0x170: {  	v17 =	vsub.s32 s8, v17  }
0x171: {  	v17 =	vadd.s32 v18, v17;
	v18, _, _ =	vpop (xrf0)  }
0x172: {  	s10 =	simm.s32 $0x80;
	[tilespmem:s9+$0x14020] =	vst v17;
	s9 =	simm.s32 $0x10;
	(v2sf) =	vpush v18, $0xF  }
.LBB2_12:
0x173: {  	p1 =	seq.s32 s10, $0x7C0;
	v17 =	vld [tilespmem:s9+$0x14020];
	_ =	sdelay $0x4  }
0x174: {  	(xrf0) =	vadd.scan.msk.s32 $0xffff, v17;
	_ =	sdelay $0x5  }
0x175: {  	v18, _, _ =	vpop (xrf0)  }
0x176: {  	v19 =	vxor.u32 $0x80000000, v18  }
0x177: {  	(xrf0) =	vmax.scan.msk.u32 $0xffff, v19  }
0x178: {  	s11 =	spop (v2sf)  }
0x179: {  	s8 =	sadd.s32 s11, s8  }
.Ltmp10:
0x17a: {  	s8 =	sadd.s32 $0x80000000, s8;
	(pc) =	sbr.rel @!p1 .LBB2_12-.Ltmp10, $4  }
0x17b: {  	v19 =	vsub.s32 s8, v17  }
0x17c: {  	v18 =	vadd.s32 v18, v19  }
0x17d: {  	[tilespmem:s9+$0x14020] =	vst v18;
	v17, _, _ =	vpop (xrf0)  }
0x17e: {  	s9 =	sshra.s32 s10, $0x2;
	s10 =	sadd.s32 $0x40, s10;
	(v2sf) =	vpush v17, $0xF  }
0x17f: {  	v17 =	vld [tilespmem:s9+$0x14020];
	_ =	sdelay $0x4  }
0x180: {  	(xrf0) =	vadd.scan.msk.s32 $0xffff, v17;
	_ =	sdelay $0x5  }
0x181: {  	v18, _, _ =	vpop (xrf0)  }
0x182: {  	v19 =	vxor.u32 $0x80000000, v18  }
0x183: {  	(xrf0) =	vmax.scan.msk.u32 $0xffff, v19;
	_ =	sdelay $0x5  }
0x184: {  	v19, _, _ =	vpop (xrf0)  }
0x185: {  	(v2sf) =	vpush v19, $0xF;
	_ =	sdelay $0x9  }
0x186: {  	s10 =	spop (v2sf)  }
.Ltmp11:
0x187: {  	s8 =	sadd.s32 s10, s8;
	(pc) =	sbr.rel @!p0 .LBB2_17-.Ltmp11, $4  }
0x188: {  	s8 =	sadd.s32 $0x80000000, s8  }
0x189: {  	v17 =	vsub.s32 s8, v17  }
0x18a: {  	v17 =	vadd.s32 v18, v17  }
0x18b: {  	[tilespmem:s9+$0x14020] =	vst v17;
	s13 =	spop (v2sf)  }
0x18c: {  	s8 =	simm.s32 $0xA000  }
0x18d: {  	v18 =	vld [tilespmem:s8+$0x0];
	_ =	sdelay $0x4  }
0x18e: {  	v17 =	vandn.u32 $0x1FF, v18  }
0x18f: {  	(xrf1) =	vunique.msk.u32 $0xffff, v17;
	_ =	sdelay $0xa  }
0x190: {  	v19 =	vld.idx.msk [tilespmem:v17+s2+$0x0], $0xffff;
	_ =	sdelay $0x2  }
0x191: {  	_, v20, vm0 =	vpop (xrf1)  }
0x192: {  	v20 =	vsub.s32 v20, v1  }
0x193: {  	s9 =	simm.s32 $0xF010;
	v19 =	vadd.s32 v19, v20  }
0x194: {  	p1 =	seq.s32 s7, $0x1;
	v20 =	vld [tilespmem:s9+$0x0]  }
.Ltmp12:
0x195: {  	_ = 	snop;
	(pc) =	sbr.rel @p1 .LBB2_16-.Ltmp12, $3  }
0x196: {  	_ =	sdelay $0x1  }
0x197: {  	[tilespmem:v19+s1+$0x0] =	vst.idx.msk $0xffff, v18  }
0x198: {  	s10 =	sadd.s32 $0xFFFFFFFF, s7;
	v18 =	vadd.s32 $0x1, v19;
	[tilespmem:v19+s29+$0x0] =	vst.idx.msk $0xffff, v20  }
.LBB2_15:
0x199: {  	p1 =	seq.s32 s10, $0x1;
	[tilespmem:v17+s2+$0x0] =	vst.idx.msk vm0, v18;
	s8 =	sadd.s32 $0x10, s8;
	s9 =	sadd.s32 $0x10, s9  }
0x19a: {  	s10 =	sadd.s32 $0xFFFFFFFF, s10;
	v18 =	vld [tilespmem:s8+$0x0];
	_ =	sdelay $0x4  }
0x19b: {  	v17 =	vandn.u32 $0x1FF, v18  }
0x19c: {  	(xrf1) =	vunique.msk.u32 $0xffff, v17;
	_ =	sdelay $0x9  }
0x19d: {  	v19 =	vld.idx.msk [tilespmem:v17+s2+$0x0], $0xffff;
	_ =	sdelay $0x3  }
0x19e: {  	_, v20, vm0 =	vpop (xrf1)  }
0x19f: {  	v20 =	vsub.s32 v20, v1  }
0x1a0: {  	v19 =	vadd.s32 v19, v20  }
0x1a1: {  	v20 =	vld [tilespmem:s9+$0x0]  }
.Ltmp13:
0x1a2: {  	(pc) =	sbr.rel @!p1 .LBB2_15-.Ltmp13, $3  }
0x1a3: {  	_ =	sdelay $0x1  }
0x1a4: {  	[tilespmem:v19+s1+$0x0] =	vst.idx.msk $0xffff, v18  }
0x1a5: {  	v18 =	vadd.s32 $0x1, v19;
	[tilespmem:v19+s29+$0x0] =	vst.idx.msk $0xffff, v20  }
.LBB2_16:
0x1a6: {  	_ =	sdelay $0x4  }
0x1a7: {  	[tilespmem:v17+s2+$0x0] =	vst.idx.msk vm0, v18  }
.LBB2_17:
0x1a8: {  	[tilespmem:$0x14020] =	vst v0  }
0x1a9: {  	[tilespmem:$0x14030] =	vst v0  }
0x1aa: {  	[tilespmem:$0x14040] =	vst v0  }
0x1ab: {  	[tilespmem:$0x14050] =	vst v0  }
0x1ac: {  	[tilespmem:$0x14060] =	vst v0  }
0x1ad: {  	[tilespmem:$0x14070] =	vst v0  }
0x1ae: {  	[tilespmem:$0x14080] =	vst v0  }
0x1af: {  	[tilespmem:$0x14090] =	vst v0  }
0x1b0: {  	[tilespmem:$0x140A0] =	vst v0  }
0x1b1: {  	[tilespmem:$0x140B0] =	vst v0  }
0x1b2: {  	[tilespmem:$0x140C0] =	vst v0  }
0x1b3: {  	[tilespmem:$0x140D0] =	vst v0  }
0x1b4: {  	[tilespmem:$0x140E0] =	vst v0  }
0x1b5: {  	[tilespmem:$0x140F0] =	vst v0  }
0x1b6: {  	[tilespmem:$0x14100] =	vst v0  }
0x1b7: {  	[tilespmem:$0x14110] =	vst v0  }
0x1b8: {  	[tilespmem:$0x14120] =	vst v0  }
0x1b9: {  	[tilespmem:$0x14130] =	vst v0  }
0x1ba: {  	[tilespmem:$0x14140] =	vst v0  }
0x1bb: {  	[tilespmem:$0x14150] =	vst v0  }
0x1bc: {  	[tilespmem:$0x14160] =	vst v0  }
0x1bd: {  	[tilespmem:$0x14170] =	vst v0  }
0x1be: {  	[tilespmem:$0x14180] =	vst v0  }
0x1bf: {  	[tilespmem:$0x14190] =	vst v0  }
0x1c0: {  	[tilespmem:$0x141A0] =	vst v0  }
0x1c1: {  	[tilespmem:$0x141B0] =	vst v0  }
0x1c2: {  	[tilespmem:$0x141C0] =	vst v0  }
.Ltmp14:
0x1c3: {  	[tilespmem:$0x141D0] =	vst v0;
	(pc) =	sbr.rel @!p0 .LBB2_18-.Ltmp14, $4  }
0x1c4: {  	[tilespmem:$0x141E0] =	vst v0  }
0x1c5: {  	[tilespmem:$0x141F0] =	vst v0  }
0x1c6: {  	[tilespmem:$0x14200] =	vst v0  }
0x1c7: {  	[tilespmem:$0x14210] =	vst v0;
	s8 =	simm.s32 $0x0  }
0x1c8: {  	p1 =	seq.s32 s7, $0x1  }
.Ltmp15:
0x1c9: {  	_ = 	snop;
	(pc) =	sbr.rel @p1 .LBB2_41-.Ltmp15, $2  }
0x1ca: {  	_ =	sdelay $0x2  }
0x1cb: {  	v17 =	vld [tilespmem:s8+$0x0];
	s9 =	sadd.s32 $0xFFFFFFFF, s7  }
.LBB2_40:
0x1cc: {  	p1 =	seq.s32 s9, $0x1;
	_ =	sdelay $0x3  }
0x1cd: {  	v17 =	vxor.u32 $0xFFFFFFFF, v17  }
0x1ce: {  	v17 =	vshrl.u32 v17, $0x9  }
0x1cf: {  	v17 =	vand.u32 $0x1FF, v17  }
0x1d0: {  	(xrf1) =	vunique.msk.u32 $0xffff, v17;
	_ =	sdelay $0xd  }
0x1d1: {  	_, v18, vm0 =	vpop (xrf1);
	_ =	sdelay $0x2  }
.Ltmp16:
0x1d2: {  	(pc) =	sbr.rel @!p1 .LBB2_40-.Ltmp16, $4  }
0x1d3: {  	_ = 	snop  }
0x1d4: {  	v18 =	vadd.s32 v18, v5  }
0x1d5: {  	s8 =	sadd.s32 $0x10, s8;
	[tilespmem:v17+s2+$0x0] =	vst.idx.add.s32.msk vm0, v18  }
0x1d6: {  	s9 =	sadd.s32 $0xFFFFFFFF, s9;
	v17 =	vld [tilespmem:s8+$0x0]  }
.LBB2_41:
0x1d7: {  	_ =	sdelay $0x3  }
0x1d8: {  	v17 =	vxor.u32 $0xFFFFFFFF, v17  }
0x1d9: {  	v17 =	vshrl.u32 v17, $0x9  }
0x1da: {  	v17 =	vand.u32 $0x1FF, v17  }
0x1db: {  	(xrf1) =	vunique.msk.u32 $0xffff, v17;
	_ =	sdelay $0xd  }
0x1dc: {  	_, v18, vm0 =	vpop (xrf1);
	_ =	sdelay $0x4  }
0x1dd: {  	v18 =	vadd.s32 v18, v5  }
0x1de: {  	[tilespmem:v17+s2+$0x0] =	vst.idx.add.s32.msk vm0, v18  }
.LBB2_18:
0x1df: {  	s9 =	simm.s32 $0x0  }
0x1e0: {  	v17 =	vld [tilespmem:s9+$0x14020];
	_ =	sdelay $0x4  }
0x1e1: {  	(xrf0) =	vadd.scan.msk.s32 $0xffff, v17;
	_ =	sdelay $0x5  }
0x1e2: {  	v18, _, _ =	vpop (xrf0)  }
0x1e3: {  	v19 =	vxor.u32 $0x80000000, v18  }
0x1e4: {  	(xrf0) =	vmax.scan.msk.u32 $0xffff, v19;
	_ =	sdelay $0x3  }
0x1e5: {  	s8 =	simm.s32 $0x0  }
0x1e6: {  	v17 =	vsub.s32 s8, v17  }
0x1e7: {  	v17 =	vadd.s32 v18, v17;
	v18, _, _ =	vpop (xrf0)  }
0x1e8: {  	s10 =	simm.s32 $0x80;
	[tilespmem:s9+$0x14020] =	vst v17;
	s9 =	simm.s32 $0x10;
	(v2sf) =	vpush v18, $0xF  }
.LBB2_19:
0x1e9: {  	p1 =	seq.s32 s10, $0x7C0;
	v17 =	vld [tilespmem:s9+$0x14020];
	_ =	sdelay $0x4  }
0x1ea: {  	(xrf0) =	vadd.scan.msk.s32 $0xffff, v17;
	_ =	sdelay $0x5  }
0x1eb: {  	v18, _, _ =	vpop (xrf0)  }
0x1ec: {  	v19 =	vxor.u32 $0x80000000, v18  }
0x1ed: {  	(xrf0) =	vmax.scan.msk.u32 $0xffff, v19  }
0x1ee: {  	s11 =	spop (v2sf)  }
0x1ef: {  	s8 =	sadd.s32 s11, s8  }
.Ltmp17:
0x1f0: {  	s8 =	sadd.s32 $0x80000000, s8;
	(pc) =	sbr.rel @!p1 .LBB2_19-.Ltmp17, $4  }
0x1f1: {  	v19 =	vsub.s32 s8, v17  }
0x1f2: {  	v18 =	vadd.s32 v18, v19  }
0x1f3: {  	[tilespmem:s9+$0x14020] =	vst v18;
	v17, _, _ =	vpop (xrf0)  }
0x1f4: {  	s9 =	sshra.s32 s10, $0x2;
	s10 =	sadd.s32 $0x40, s10;
	(v2sf) =	vpush v17, $0xF  }
0x1f5: {  	v17 =	vld [tilespmem:s9+$0x14020];
	_ =	sdelay $0x4  }
0x1f6: {  	(xrf0) =	vadd.scan.msk.s32 $0xffff, v17;
	_ =	sdelay $0x5  }
0x1f7: {  	v18, _, _ =	vpop (xrf0)  }
0x1f8: {  	v19 =	vxor.u32 $0x80000000, v18  }
0x1f9: {  	(xrf0) =	vmax.scan.msk.u32 $0xffff, v19;
	_ =	sdelay $0x5  }
0x1fa: {  	v19, _, _ =	vpop (xrf0)  }
0x1fb: {  	(v2sf) =	vpush v19, $0xF;
	_ =	sdelay $0x9  }
0x1fc: {  	s10 =	spop (v2sf)  }
.Ltmp18:
0x1fd: {  	s8 =	sadd.s32 s10, s8;
	(pc) =	sbr.rel @!p0 .LBB2_24-.Ltmp18, $4  }
0x1fe: {  	s8 =	sadd.s32 $0x80000000, s8  }
0x1ff: {  	v17 =	vsub.s32 s8, v17  }
0x200: {  	v17 =	vadd.s32 v18, v17  }
0x201: {  	[tilespmem:s9+$0x14020] =	vst v17;
	s13 =	spop (v2sf)  }
0x202: {  	s8 =	simm.s32 $0x0  }
0x203: {  	v18 =	vld [tilespmem:s8+$0x0];
	_ =	sdelay $0x4  }
0x204: {  	v17 =	vxor.u32 $0xFFFFFFFF, v18  }
0x205: {  	v17 =	vshrl.u32 v17, $0x9  }
0x206: {  	v17 =	vand.u32 $0x1FF, v17  }
0x207: {  	(xrf1) =	vunique.msk.u32 $0xffff, v17;
	_ =	sdelay $0xa  }
0x208: {  	v19 =	vld.idx.msk [tilespmem:v17+s2+$0x0], $0xffff;
	_ =	sdelay $0x2  }
0x209: {  	_, v20, vm0 =	vpop (xrf1)  }
0x20a: {  	v20 =	vsub.s32 v20, v1  }
0x20b: {  	s9 =	simm.s32 $0x5000;
	v19 =	vadd.s32 v19, v20  }
0x20c: {  	p1 =	seq.s32 s7, $0x1;
	v20 =	vld [tilespmem:s9+$0x0]  }
.Ltmp19:
0x20d: {  	_ = 	snop;
	(pc) =	sbr.rel @p1 .LBB2_23-.Ltmp19, $3  }
0x20e: {  	_ =	sdelay $0x1  }
0x20f: {  	[tilespmem:v19+s30+$0x0] =	vst.idx.msk $0xffff, v18  }
0x210: {  	s10 =	sadd.s32 $0xFFFFFFFF, s7;
	v18 =	vadd.s32 $0x1, v19;
	[tilespmem:v19+s31+$0x0] =	vst.idx.msk $0xffff, v20  }
.LBB2_22:
0x211: {  	p1 =	seq.s32 s10, $0x1;
	[tilespmem:v17+s2+$0x0] =	vst.idx.msk vm0, v18;
	s8 =	sadd.s32 $0x10, s8;
	s9 =	sadd.s32 $0x10, s9  }
0x212: {  	s10 =	sadd.s32 $0xFFFFFFFF, s10;
	v18 =	vld [tilespmem:s8+$0x0];
	_ =	sdelay $0x4  }
0x213: {  	v17 =	vxor.u32 $0xFFFFFFFF, v18  }
0x214: {  	v17 =	vshrl.u32 v17, $0x9  }
0x215: {  	v17 =	vand.u32 $0x1FF, v17  }
0x216: {  	(xrf1) =	vunique.msk.u32 $0xffff, v17;
	_ =	sdelay $0x9  }
0x217: {  	v19 =	vld.idx.msk [tilespmem:v17+s2+$0x0], $0xffff;
	_ =	sdelay $0x3  }
0x218: {  	_, v20, vm0 =	vpop (xrf1)  }
0x219: {  	v20 =	vsub.s32 v20, v1  }
0x21a: {  	v19 =	vadd.s32 v19, v20  }
0x21b: {  	v20 =	vld [tilespmem:s9+$0x0]  }
.Ltmp20:
0x21c: {  	(pc) =	sbr.rel @!p1 .LBB2_22-.Ltmp20, $3  }
0x21d: {  	_ =	sdelay $0x1  }
0x21e: {  	[tilespmem:v19+s30+$0x0] =	vst.idx.msk $0xffff, v18  }
0x21f: {  	v18 =	vadd.s32 $0x1, v19;
	[tilespmem:v19+s31+$0x0] =	vst.idx.msk $0xffff, v20  }
.LBB2_23:
0x220: {  	_ =	sdelay $0x4  }
0x221: {  	[tilespmem:v17+s2+$0x0] =	vst.idx.msk vm0, v18  }
.LBB2_24:
0x222: {  	[tilespmem:$0x14020] =	vst v0  }
0x223: {  	[tilespmem:$0x14030] =	vst v0  }
0x224: {  	[tilespmem:$0x14040] =	vst v0  }
0x225: {  	[tilespmem:$0x14050] =	vst v0  }
0x226: {  	[tilespmem:$0x14060] =	vst v0  }
0x227: {  	[tilespmem:$0x14070] =	vst v0  }
0x228: {  	[tilespmem:$0x14080] =	vst v0  }
0x229: {  	[tilespmem:$0x14090] =	vst v0  }
0x22a: {  	[tilespmem:$0x140A0] =	vst v0  }
0x22b: {  	[tilespmem:$0x140B0] =	vst v0  }
0x22c: {  	[tilespmem:$0x140C0] =	vst v0  }
0x22d: {  	[tilespmem:$0x140D0] =	vst v0  }
0x22e: {  	[tilespmem:$0x140E0] =	vst v0  }
0x22f: {  	[tilespmem:$0x140F0] =	vst v0  }
0x230: {  	[tilespmem:$0x14100] =	vst v0  }
0x231: {  	[tilespmem:$0x14110] =	vst v0  }
0x232: {  	[tilespmem:$0x14120] =	vst v0  }
0x233: {  	[tilespmem:$0x14130] =	vst v0  }
0x234: {  	[tilespmem:$0x14140] =	vst v0  }
0x235: {  	[tilespmem:$0x14150] =	vst v0  }
0x236: {  	[tilespmem:$0x14160] =	vst v0  }
0x237: {  	[tilespmem:$0x14170] =	vst v0  }
0x238: {  	[tilespmem:$0x14180] =	vst v0  }
0x239: {  	[tilespmem:$0x14190] =	vst v0  }
0x23a: {  	[tilespmem:$0x141A0] =	vst v0  }
0x23b: {  	[tilespmem:$0x141B0] =	vst v0  }
0x23c: {  	[tilespmem:$0x141C0] =	vst v0  }
.Ltmp21:
0x23d: {  	[tilespmem:$0x141D0] =	vst v0;
	(pc) =	sbr.rel @!p0 .LBB2_25-.Ltmp21, $4  }
0x23e: {  	[tilespmem:$0x141E0] =	vst v0  }
0x23f: {  	[tilespmem:$0x141F0] =	vst v0  }
0x240: {  	[tilespmem:$0x14200] =	vst v0  }
0x241: {  	[tilespmem:$0x14210] =	vst v0;
	s8 =	simm.s32 $0xA000  }
0x242: {  	p1 =	seq.s32 s7, $0x1  }
.Ltmp22:
0x243: {  	_ = 	snop;
	(pc) =	sbr.rel @p1 .LBB2_44-.Ltmp22, $2  }
0x244: {  	_ =	sdelay $0x2  }
0x245: {  	v17 =	vld [tilespmem:s8+$0x0];
	s9 =	sadd.s32 $0xFFFFFFFF, s7  }
.LBB2_43:
0x246: {  	p1 =	seq.s32 s9, $0x1;
	_ =	sdelay $0x3  }
0x247: {  	v17 =	vxor.u32 $0xFFFFFFFF, v17  }
0x248: {  	v17 =	vshrl.u32 v17, $0x12  }
0x249: {  	v17 =	vand.u32 $0x1FF, v17  }
0x24a: {  	(xrf1) =	vunique.msk.u32 $0xffff, v17;
	_ =	sdelay $0xd  }
0x24b: {  	_, v18, vm0 =	vpop (xrf1);
	_ =	sdelay $0x2  }
.Ltmp23:
0x24c: {  	(pc) =	sbr.rel @!p1 .LBB2_43-.Ltmp23, $4  }
0x24d: {  	_ = 	snop  }
0x24e: {  	v18 =	vadd.s32 v18, v5  }
0x24f: {  	s8 =	sadd.s32 $0x10, s8;
	[tilespmem:v17+s2+$0x0] =	vst.idx.add.s32.msk vm0, v18  }
0x250: {  	s9 =	sadd.s32 $0xFFFFFFFF, s9;
	v17 =	vld [tilespmem:s8+$0x0]  }
.LBB2_44:
0x251: {  	_ =	sdelay $0x3  }
0x252: {  	v17 =	vxor.u32 $0xFFFFFFFF, v17  }
0x253: {  	v17 =	vshrl.u32 v17, $0x12  }
0x254: {  	v17 =	vand.u32 $0x1FF, v17  }
0x255: {  	(xrf1) =	vunique.msk.u32 $0xffff, v17;
	_ =	sdelay $0xd  }
0x256: {  	_, v18, vm0 =	vpop (xrf1);
	_ =	sdelay $0x4  }
0x257: {  	v18 =	vadd.s32 v18, v5  }
0x258: {  	[tilespmem:v17+s2+$0x0] =	vst.idx.add.s32.msk vm0, v18  }
.LBB2_25:
0x259: {  	s9 =	simm.s32 $0x0  }
0x25a: {  	v17 =	vld [tilespmem:s9+$0x14020];
	_ =	sdelay $0x4  }
0x25b: {  	(xrf0) =	vadd.scan.msk.s32 $0xffff, v17;
	_ =	sdelay $0x5  }
0x25c: {  	v18, _, _ =	vpop (xrf0)  }
0x25d: {  	v19 =	vxor.u32 $0x80000000, v18  }
0x25e: {  	(xrf0) =	vmax.scan.msk.u32 $0xffff, v19;
	_ =	sdelay $0x3  }
0x25f: {  	s8 =	simm.s32 $0x0  }
0x260: {  	v17 =	vsub.s32 s8, v17  }
0x261: {  	v17 =	vadd.s32 v18, v17;
	v18, _, _ =	vpop (xrf0)  }
0x262: {  	s10 =	simm.s32 $0x80;
	[tilespmem:s9+$0x14020] =	vst v17;
	s9 =	simm.s32 $0x10;
	(v2sf) =	vpush v18, $0xF  }
.LBB2_26:
0x263: {  	p1 =	seq.s32 s10, $0x7C0;
	v17 =	vld [tilespmem:s9+$0x14020];
	_ =	sdelay $0x4  }
0x264: {  	(xrf0) =	vadd.scan.msk.s32 $0xffff, v17;
	_ =	sdelay $0x5  }
0x265: {  	v18, _, _ =	vpop (xrf0)  }
0x266: {  	v19 =	vxor.u32 $0x80000000, v18  }
0x267: {  	(xrf0) =	vmax.scan.msk.u32 $0xffff, v19  }
0x268: {  	s11 =	spop (v2sf)  }
0x269: {  	s8 =	sadd.s32 s11, s8  }
.Ltmp24:
0x26a: {  	s8 =	sadd.s32 $0x80000000, s8;
	(pc) =	sbr.rel @!p1 .LBB2_26-.Ltmp24, $4  }
0x26b: {  	v19 =	vsub.s32 s8, v17  }
0x26c: {  	v18 =	vadd.s32 v18, v19  }
0x26d: {  	[tilespmem:s9+$0x14020] =	vst v18;
	v17, _, _ =	vpop (xrf0)  }
0x26e: {  	s9 =	sshra.s32 s10, $0x2;
	s10 =	sadd.s32 $0x40, s10;
	(v2sf) =	vpush v17, $0xF  }
0x26f: {  	v17 =	vld [tilespmem:s9+$0x14020];
	_ =	sdelay $0x4  }
0x270: {  	(xrf0) =	vadd.scan.msk.s32 $0xffff, v17;
	_ =	sdelay $0x5  }
0x271: {  	v18, _, _ =	vpop (xrf0)  }
0x272: {  	v19 =	vxor.u32 $0x80000000, v18  }
0x273: {  	(xrf0) =	vmax.scan.msk.u32 $0xffff, v19;
	_ =	sdelay $0x5  }
0x274: {  	v19, _, _ =	vpop (xrf0)  }
0x275: {  	(v2sf) =	vpush v19, $0xF;
	_ =	sdelay $0x9  }
0x276: {  	s10 =	spop (v2sf)  }
.Ltmp25:
0x277: {  	s8 =	sadd.s32 s10, s8;
	(pc) =	sbr.rel @!p0 .LBB2_31-.Ltmp25, $4  }
0x278: {  	s8 =	sadd.s32 $0x80000000, s8  }
0x279: {  	v17 =	vsub.s32 s8, v17  }
0x27a: {  	v17 =	vadd.s32 v18, v17  }
0x27b: {  	[tilespmem:s9+$0x14020] =	vst v17;
	s13 =	spop (v2sf)  }
0x27c: {  	s8 =	simm.s32 $0xA000  }
0x27d: {  	v18 =	vld [tilespmem:s8+$0x0];
	_ =	sdelay $0x4  }
0x27e: {  	v17 =	vxor.u32 $0xFFFFFFFF, v18  }
0x27f: {  	v17 =	vshrl.u32 v17, $0x12  }
0x280: {  	v17 =	vand.u32 $0x1FF, v17  }
0x281: {  	(xrf1) =	vunique.msk.u32 $0xffff, v17;
	_ =	sdelay $0xa  }
0x282: {  	v19 =	vld.idx.msk [tilespmem:v17+s2+$0x0], $0xffff;
	_ =	sdelay $0x2  }
0x283: {  	_, v20, vm0 =	vpop (xrf1)  }
0x284: {  	v20 =	vsub.s32 v20, v1  }
0x285: {  	s9 =	simm.s32 $0xF010;
	v19 =	vadd.s32 v19, v20  }
0x286: {  	p0 =	sne.s32 s7, $0x1;
	v20 =	vld [tilespmem:s9+$0x0]  }
.Ltmp26:
0x287: {  	_ = 	snop;
	(pc) =	sbr.rel @!p0 .LBB2_30-.Ltmp26, $3  }
0x288: {  	_ =	sdelay $0x1  }
0x289: {  	[tilespmem:v19+s1+$0x0] =	vst.idx.msk $0xffff, v18  }
0x28a: {  	s7 =	sadd.s32 $0xFFFFFFFF, s7;
	v18 =	vadd.s32 $0x1, v19;
	[tilespmem:v19+s29+$0x0] =	vst.idx.msk $0xffff, v20  }
.LBB2_29:
0x28b: {  	p0 =	sne.s32 s7, $0x1;
	[tilespmem:v17+s2+$0x0] =	vst.idx.msk vm0, v18;
	s8 =	sadd.s32 $0x10, s8;
	s9 =	sadd.s32 $0x10, s9  }
0x28c: {  	s7 =	sadd.s32 $0xFFFFFFFF, s7;
	v18 =	vld [tilespmem:s8+$0x0];
	_ =	sdelay $0x4  }
0x28d: {  	v17 =	vxor.u32 $0xFFFFFFFF, v18  }
0x28e: {  	v17 =	vshrl.u32 v17, $0x12  }
0x28f: {  	v17 =	vand.u32 $0x1FF, v17  }
0x290: {  	(xrf1) =	vunique.msk.u32 $0xffff, v17;
	_ =	sdelay $0x9  }
0x291: {  	v19 =	vld.idx.msk [tilespmem:v17+s2+$0x0], $0xffff;
	_ =	sdelay $0x3  }
0x292: {  	_, v20, vm0 =	vpop (xrf1)  }
0x293: {  	v20 =	vsub.s32 v20, v1  }
0x294: {  	v19 =	vadd.s32 v19, v20  }
0x295: {  	v20 =	vld [tilespmem:s9+$0x0]  }
.Ltmp27:
0x296: {  	(pc) =	sbr.rel @p0 .LBB2_29-.Ltmp27, $3  }
0x297: {  	_ =	sdelay $0x1  }
0x298: {  	[tilespmem:v19+s1+$0x0] =	vst.idx.msk $0xffff, v18  }
0x299: {  	v18 =	vadd.s32 $0x1, v19;
	[tilespmem:v19+s29+$0x0] =	vst.idx.msk $0xffff, v20  }
.LBB2_30:
0x29a: {  	_ =	sdelay $0x4  }
0x29b: {  	[tilespmem:v17+s2+$0x0] =	vst.idx.msk vm0, v18  }
.LBB2_31:
0x29c: {  	s7 =	simm.s32 $0x0  }
0x29d: {  	v17 =	vmov s7  }
0x29e: {  	s8 =	simm.s32 $0x5000;
	v18 =	vld [tilespmem:s7+$0x0];
	v17 =	vmul.u32 $0x6, v17  }
0x29f: {  	v21 =	vld [tilespmem:s8+$0x0]  }
0x2a0: {  	v17 =	vbroadcast v17, $0x0;
	_ =	sdelay $0x1  }
0x2a1: {  	v19 =	vadd.s32 v3, v17;
	v20 =	vadd.s32 v7, v17;
	v22 =	vadd.s32 v9, v17  }
0x2a2: {  	v23 =	vadd.s32 v13, v17;
	v24 =	vadd.s32 v15, v17;
	vm0 =	vgt.s32 v18, $0x0  }
0x2a3: {  	v18 =	vadd.s32 $0x3D4CCCCD, v18;
	v17 =	vadd.s32 v11, v17;
	v25 =	vshra.s32 v21, $0x7  }
0x2a4: {  	v21 =	vand.u32 $0x7F, v21;
	v19 =	vand.u32 $0xFFFFFFF8, v19;
	v20 =	vand.u32 $0xFFFFFFF8, v20  }
0x2a5: {  	v23 =	vand.u32 $0xFFFFFFF8, v23;
	v22 =	vand.u32 $0xFFFFFFF8, v22;
	v25 =	vnsel vm0, $0x0, v25  }
0x2a6: {  	v18 =	vnsel vm0, $0xBF800000, v18;
	v17 =	vand.u32 $0xFFFFFFF8, v17;
	v19 =	vor.u32 v6, v19  }
0x2a7: {  	v27 =	vmpcnt.ones.xlane vm0;
	v21 =	vnsel vm0, $0xFFFFFFFF, v21;
	v20 =	vor.u32 v8, v20  }
0x2a8: {  	s13 =	simm.s32 $0x18F00;
	v22 =	vor.u32 v10, v22;
	v26 =	vshll.u32 v25, $0x6;
	v25 =	vand.u32 $0x7FF, v25  }
0x2a9: {  	s9 =	simm.s32 $0x196D0;
	v17 =	vor.u32 v12, v17;
	[tilespmem:s13+$0x0] =	vst v18;
	v18 =	vand.u32 $0xFFFE0000, v26;
	v25 =	vor.u32 v4, v25  }
0x2aa: {  	v24 =	vand.u32 $0xFFFFFFF8, v24;
	v26 =	vxor.u32 $0x80000000, v27;
	[tilespmem:s9+$0x0] =	vst v21;
	v18 =	vor.u32 v18, v25  }
0x2ab: {  	v23 =	vor.u32 v14, v23;
	(xrf0) =	vmax.scan.msk.u32 $0xffff, v26;
	[tilespmem:v19+s3+$0x0] =	vst.idx.msk $0xffff, v18;
	v19 =	vor.u32 $0x800, v18  }
0x2ac: {  	s8 =	simm.s32 $0x10;
	v21 =	vor.u32 v16, v24;
	v24 =	vor.u32 $0x1000, v18;
	[tilespmem:v20+s3+$0x0] =	vst.idx.msk $0xffff, v19  }
0x2ad: {  	v25 =	vmov s8;
	v19 =	vor.u32 $0x1800, v18;
	[tilespmem:v22+s3+$0x0] =	vst.idx.msk $0xffff, v24  }
0x2ae: {  	v20 =	vmul.u32 $0x6, v25;
	[tilespmem:v17+s3+$0x0] =	vst.idx.msk $0xffff, v19;
	v17 =	vor.u32 $0x2800, v18  }
0x2af: {  	v22 =	vor.u32 $0x2000, v18  }
0x2b0: {  	v20 =	vbroadcast v20, $0x0;
	[tilespmem:v23+s3+$0x0] =	vst.idx.msk $0xffff, v22  }
0x2b1: {  	[tilespmem:v21+s3+$0x0] =	vst.idx.msk $0xffff, v17;
	v17, _, _ =	vpop (xrf0)  }
0x2b2: {  	s9 =	simm.s32 $0x5010;
	v18 =	vadd.s32 v3, v20;
	v21 =	vld [tilespmem:s8+$0x0];
	(v2sf) =	vpush v17, $0xF  }
0x2b3: {  	v19 =	vadd.s32 v7, v20;
	v23 =	vadd.s32 v9, v20;
	v24 =	vadd.s32 v13, v20;
	v22 =	vld [tilespmem:s9+$0x0]  }
0x2b4: {  	v25 =	vadd.s32 v11, v20;
	v27 =	vand.u32 $0xFFFFFFF8, v24;
	v17 =	vand.u32 $0xFFFFFFF8, v18  }
0x2b5: {  	v18 =	vand.u32 $0xFFFFFFF8, v19;
	v19 =	vor.u32 v6, v17;
	v17 =	vadd.s32 v15, v20  }
0x2b6: {  	v24 =	vand.u32 $0xFFFFFFF8, v23;
	v18 =	vor.u32 v8, v18;
	v17 =	vand.u32 $0xFFFFFFF8, v17  }
0x2b7: {  	v20 =	vor.u32 v10, v24;
	v17 =	vor.u32 v16, v17;
	vm0 =	vgt.s32 v21, $0x0  }
0x2b8: {  	v21 =	vadd.s32 $0x3D4CCCCD, v21;
	v23 =	vand.u32 $0x7F, v22;
	v22 =	vshra.s32 v22, $0x7  }
0x2b9: {  	v24 =	vnsel vm0, $0xBF800000, v21;
	v22 =	vnsel vm0, $0x0, v22;
	v21 =	vand.u32 $0xFFFFFFF8, v25  }
0x2ba: {  	s11 =	simm.s32 $0x18F10;
	v25 =	vmpcnt.ones.xlane vm0;
	v26 =	vshll.u32 v22, $0x6;
	v21 =	vor.u32 v12, v21  }
0x2bb: {  	s12 =	simm.s32 $0x20;
	s10 =	simm.s32 $0x196E0;
	[tilespmem:s11+$0x0] =	vst v24;
	v24 =	vand.u32 $0xFFFE0000, v26;
	v26 =	vand.u32 $0x7FF, v22;
	v22 =	vor.u32 v14, v27  }
.LBB2_32:
0x2bc: {  	p0 =	sne.s32 s12, $0x7C0;
	v23 =	vnsel vm0, $0xFFFFFFFF, v23;
	v26 =	vor.u32 v4, v26;
	v25 =	vxor.u32 $0x80000000, v25;
	s13 =	smov.u32 s12;
	s12 =	sadd.s32 $0x10, s12  }
0x2bd: {  	[tilespmem:s10+$0x0] =	vst v23;
	v23 =	vor.u32 v24, v26;
	(xrf0) =	vmax.scan.msk.u32 $0xffff, v25  }
0x2be: {  	s8 =	sadd.s32 $0x10, s8;
	[tilespmem:v19+s3+$0x0] =	vst.idx.msk $0xffff, v23;
	v19 =	vor.u32 $0x800, v23;
	v24 =	vor.u32 $0x1000, v23  }
0x2bf: {  	v25 =	vmov s13;
	[tilespmem:v18+s3+$0x0] =	vst.idx.msk $0xffff, v19;
	v18 =	vor.u32 $0x1800, v23  }
0x2c0: {  	s9 =	sadd.s32 $0x10, s9;
	v19 =	vmul.u32 $0x6, v25;
	[tilespmem:v20+s3+$0x0] =	vst.idx.msk $0xffff, v24;
	v20 =	vor.u32 $0x2000, v23  }
0x2c1: {  	[tilespmem:v21+s3+$0x0] =	vst.idx.msk $0xffff, v18;
	v18 =	vor.u32 $0x2800, v23;
	s13 =	spop (v2sf)  }
0x2c2: {  	v21 =	vbroadcast v19, $0x0;
	[tilespmem:v22+s3+$0x0] =	vst.idx.msk $0xffff, v20;
	s7 =	sadd.s32 s13, s7  }
0x2c3: {  	[tilespmem:v17+s3+$0x0] =	vst.idx.msk $0xffff, v18;
	v17, _, _ =	vpop (xrf0);
	s7 =	sadd.s32 $0x80000000, s7  }
0x2c4: {  	v18 =	vadd.s32 v3, v21;
	v19 =	vadd.s32 v7, v21;
	v20 =	vld [tilespmem:s8+$0x0];
	(v2sf) =	vpush v17, $0xF  }
0x2c5: {  	v23 =	vadd.s32 v9, v21;
	v17 =	vand.u32 $0xFFFFFFF8, v18;
	v18 =	vand.u32 $0xFFFFFFF8, v19;
	v22 =	vld [tilespmem:s9+$0x0]  }
0x2c6: {  	v24 =	vadd.s32 v15, v21;
	v19 =	vor.u32 v6, v17;
	v17 =	vadd.s32 v13, v21  }
0x2c7: {  	v18 =	vor.u32 v8, v18;
	v27 =	vand.u32 $0xFFFFFFF8, v17;
	v17 =	vand.u32 $0xFFFFFFF8, v24  }
0x2c8: {  	s11 =	sadd.s32 $0x10, s11;
	v24 =	vand.u32 $0xFFFFFFF8, v23;
	v17 =	vor.u32 v16, v17  }
.Ltmp28:
0x2c9: {  	s10 =	sadd.s32 $0x10, s10;
	v21 =	vadd.s32 v11, v21;
	vm0 =	vgt.s32 v20, $0x0;
	v25 =	vadd.s32 $0x3D4CCCCD, v20;
	(pc) =	sbr.rel @p0 .LBB2_32-.Ltmp28, $4  }
0x2ca: {  	v20 =	vor.u32 v10, v24;
	v23 =	vand.u32 $0x7F, v22;
	v22 =	vshra.s32 v22, $0x7  }
0x2cb: {  	v21 =	vand.u32 $0xFFFFFFF8, v21;
	v24 =	vnsel vm0, $0xBF800000, v25;
	v22 =	vnsel vm0, $0x0, v22  }
0x2cc: {  	v21 =	vor.u32 v12, v21;
	v25 =	vmpcnt.ones.xlane vm0;
	[tilespmem:s11+$0x0] =	vst v24;
	v24 =	vshll.u32 v22, $0x6  }
0x2cd: {  	v26 =	vand.u32 $0x7FF, v22;
	v22 =	vor.u32 v14, v27;
	v24 =	vand.u32 $0xFFFE0000, v24  }
0x2ce: {  	v25 =	vxor.u32 $0x80000000, v25  }
0x2cf: {  	(xrf0) =	vmax.scan.msk.u32 $0xffff, v25;
	_ =	sdelay $0x5  }
0x2d0: {  	v25, _, _ =	vpop (xrf0)  }
0x2d1: {  	(v2sf) =	vpush v25, $0xF;
	_ =	sdelay $0x5  }
0x2d2: {  	v23 =	vnsel vm0, $0xFFFFFFFF, v23;
	v62 =	vor.u32 v4, v26  }
0x2d3: {  	[tilespmem:s10+$0x0] =	vst v23;
	v63 =	vor.u32 v24, v62  }
0x2d4: {  	[tilespmem:v19+s3+$0x0] =	vst.idx.msk $0xffff, v63;
	v19 =	vor.u32 $0x800, v63  }
0x2d5: {  	v24 =	vor.u32 $0x1000, v63;
	[tilespmem:v18+s3+$0x0] =	vst.idx.msk $0xffff, v19  }
0x2d6: {  	v18 =	vor.u32 $0x1800, v63;
	[tilespmem:v20+s3+$0x0] =	vst.idx.msk $0xffff, v24  }
0x2d7: {  	v19 =	vor.u32 $0x2000, v63;
	[tilespmem:v21+s3+$0x0] =	vst.idx.msk $0xffff, v18  }
0x2d8: {  	s8 =	spop (v2sf);
	v18 =	vor.u32 $0x2800, v63;
	[tilespmem:v22+s3+$0x0] =	vst.idx.msk $0xffff, v19  }
0x2d9: {  	s11 =	simm.s32 $0x18F00;
	s7 =	sadd.s32 s8, s7;
	[tilespmem:v17+s3+$0x0] =	vst.idx.msk $0xffff, v18  }
0x2da: {  	[hbm4b:s24+s1] =	stream.linear.scatter [tilespmem:s11], [sflag:$0x2], $0x7D0, $0x38;
	[tilespmem:$0x1CD80] =	vst v63  }
0x2db: {  	s7 =	sadd.s32 $0x80000000, s7;
	s9 =	spop (v2sf)  }
0x2dc: {  	_ =	swait.ge [sflag:s4], $0x7D0;
	s7 =	sadd.s32 s9, s7  }
0x2dd: {  	[sflag:s4] =	ssyncset.done $0x0;
	s7 =	sadd.s32 $0x80000000, s7  }
0x2de: {  	s12 =	simm.s32 $0x196D0;
	[sflag:s4] =	ssyncadd.s32 $0xFFFFF830;
	s8 =	smul.u32 $0x6, s7  }
0x2df: {  	[hbm4b:s26+s1] =	stream.linear.scatter [tilespmem:s12], [sflag:$0x2], $0x7D0, $0x38;
	[tilespmem:$0x1CD80] =	vst v63  }
0x2e0: {  	_ =	swait.ge [sflag:s4], $0x7D0;
	s9 =	sshra.s32 s8, $0x4  }
0x2e1: {  	[sflag:s4] =	ssyncset.done $0x0;
	p0 =	sgt.s32 s9, $0x2ED  }
.Ltmp29:
0x2e2: {  	s13 =	simm.s32 $0x2EE0;
	[sflag:s4] =	ssyncadd.s32 $0xFFFFF830;
	(pc) =	sbr.rel @p0 .LBB2_49-.Ltmp29, $4  }
0x2e3: {  	[tilespmem:s5], [sflag:$0x1] =	stream.indirect.gather [hbm4b:s25+s13], $0x1, s3, s13, $0xb8;
	[tilespmem:$0x1CD80] =	vst v63  }
0x2e4: {  	_ =	swait.ge [sflag:s0], $0x2EE0  }
0x2e5: {  	[sflag:s0] =	ssyncset.done $0x0  }
0x2e6: {  	[sflag:s0] =	ssyncadd.s32 $0xFFFFD120  }
0x2e7: {  	s10 =	ssub.s32 $0x2EE, s9  }
0x2e8: {  	p1 =	sne.s32 s10, $0x1  }
.Ltmp30:
0x2e9: {  	_ = 	snop;
	(pc) =	sbr.rel @!p1 .LBB2_35-.Ltmp30, $4  }
0x2ea: {  	s7 =	sshll.u32 s9, $0x6  }
0x2eb: {  	s7 =	sshra.s32 s7, $0x2  }
0x2ec: {  	s7 =	sadd.s32 $0x19EA0, s7  }
0x2ed: {  	v17 =	vmov s8;
	s8 =	sshll.u32 s9, $0x4;
	p0 =	por $0x0, $0x0;
	s9 =	sadd.s32 $0xFFFFFFFF, s10;
	v18 =	vld [tilespmem:s7+$0x0]  }
0x2ee: {  	_ = 	snop  }
0x2ef: {  	p1 =	sne.s32 s9, $0x1  }
.Ltmp31:
0x2f0: {  	v19 =	vor.u32 s8, v2;
	(pc) =	sbr.rel @!p1 .LBB2_46-.Ltmp31, $4  }
0x2f1: {  	vm0 =	vlt.s32 v19, v17  }
0x2f2: {  	v18 =	vnsel vm0, $0xBF800000, v18  }
0x2f3: {  	[tilespmem:s7+$0x0] =	vst v18;
	s7 =	sadd.s32 $0x10, s7  }
0x2f4: {  	s10 =	sadd.s32 $0xFFFFFFFF, s9;
	p0 =	por $0x1, $0x1;
	s9 =	smov.u32 s8;
	v18 =	vld [tilespmem:s7+$0x0]  }
.LBB2_47:
0x2f5: {  	p1 =	sne.s32 s10, $0x1  }
0x2f6: {  	s9 =	sadd.s32 $0x10, s9  }
.Ltmp32:
0x2f7: {  	v19 =	vor.u32 s9, v2;
	(pc) =	sbr.rel @p1 .LBB2_47-.Ltmp32, $4  }
0x2f8: {  	vm0 =	vlt.s32 v19, v17  }
0x2f9: {  	v18 =	vnsel vm0, $0xBF800000, v18  }
0x2fa: {  	[tilespmem:s7+$0x0] =	vst v18;
	s7 =	sadd.s32 $0x10, s7  }
0x2fb: {  	s10 =	sadd.s32 $0xFFFFFFFF, s10;
	v18 =	vld [tilespmem:s7+$0x0]  }
.Ltmp33:
0x2fc: {  	_ = 	snop;
	(pc) =	sbr.rel .LBB2_48-.Ltmp33, $1  }
0x2fd: {  	_ =	sdelay $0x3  }
.LBB2_46:
.Ltmp34:
0x2fe: {  	(pc) =	sbr.rel .LBB2_48-.Ltmp34, $2  }
0x2ff: {  	_ =	sdelay $0x2  }
0x300: {  	s9 =	smov.u32 s8  }
.LBB2_50:
0x301: {  	_ =	sfence.sel $0x180000  }
0x302: {  	[bflag:$0x0] =	sbarrier.arrive $0xFFFF  }
0x303: {  	_ =	strace $0x90000047  }
0x304: {  	s0 =	stileid.u32;
	[bflag:$0x2] =	sbarrier.arrive $0xFFFF  }
0x305: {  	p0 =	sne.s32 s0, $0x0;
	s0 =	rddreg [dreg:$0x3]  }
0x306: {  	s0 =	sadd.s32 @!p0 $0x100000, s0  }
0x307: {  	[sflag:s0] =	ssyncadd.tile.s32 @!p0 $0x1;
	_ =	shalt  }
.Lfunc_end2:
_tile_overlayer_lowered:
.L_overlay_start_2:
0x308: {  	(tag) =	ssettag $0x2  }
0x309: {  	s0 =	rddreg [dreg:$0x0];
	s2 =	stileid.u32  }
0x30a: {  	s1 =	rddreg [dreg:$0x1];
	p0 =	sne.s32 s2, $0x0  }
0x30b: {  	s3 =	rddreg [dreg:$0x2];
	[bflag:$0x3] =	sbarrier.arrive $0xFFFF;
	s2 =	simm.s32 @!p0 $0x1C02  }
0x30c: {  	[timem:s3], [sflag:s2] =	dma.local @!p0 [hbm:s0], s1  }
0x30d: {  	s0 =	simm.s32 @!p0 $0x2  }
0x30e: {  	_ =	swait.ge @!p0 [sflag:s0], s1  }
0x30f: {  	s1 =	ssub.s32 @!p0 $0x0, s1;
	[sflag:s0] =	ssyncset.done @!p0 $0x0  }
0x310: {  	[sflag:s0] =	ssyncadd.s32 @!p0 s1  }
0x311: {  	[bflag:$0x3] =	sbarrier.arrive $0xFFFF  }
0x312: {  	_ =	shalt  }

</sc_bundles>
